<compile_context>
chip_gen: v7x
topology: tpu7x:2x2x1
jax: 0.10.2.dev20260603
libtpu: 0.0.44.dev20260713+nightly
codegen_flags: <defaults>
</compile_context>

<pallas_src>
import functools

import jax
import jax.numpy as jnp
from jax import lax
from jax.experimental import pallas as pl
from jax.experimental.pallas import tpu as pltpu
from jax.experimental.pallas import tpu_sc as plsc

NC = 2
NS = 16
NW = NC * NS
CHUNK = 128
NBUF = 8
NB2 = NBUF // 2
CPT = 80
SEGCH = 80
DEG_W = 16
HW = 64
BM = 1000

_SC_PARAMS = pltpu.CompilerParams(use_tc_tiling_on_sc=False)


def _deg_mesh():
    return plsc.VectorSubcoreMesh(core_axis_name="c", subcore_axis_name="s")


def _make_deg_kernel(n_pad, cpw):
    rps = n_pad // NS
    K = 8

    @functools.partial(
        pl.kernel,
        out_type=jax.ShapeDtypeStruct((NC, n_pad, DEG_W), jnp.float32),
        mesh=_deg_mesh(),
        compiler_params=_SC_PARAMS,
        scratch_types=[
            pltpu.VMEM((cpw, CHUNK), jnp.int32),
            pltpu.VMEM((CHUNK, DEG_W), jnp.float32),
            pltpu.SemaphoreType.DMA,
            pltpu.VMEM_SHARED((n_pad, DEG_W), jnp.float32),
        ],
    )
    def deg_kernel(dsts_hbm, ones_hbm, zeros_hbm, out_hbm, didx, ones_v, ssem, acc_sh):
        c = lax.axis_index("c")
        s = lax.axis_index("s")
        w = c * NS + s
        pltpu.sync_copy(zeros_hbm, acc_sh.at[pl.ds(s * rps, rps)])
        pltpu.sync_copy(ones_hbm, ones_v)
        pltpu.sync_copy(dsts_hbm.at[pl.ds(w * cpw, cpw)], didx)
        plsc.subcore_barrier()

        def grp(g, carry):
            for b in range(K):
                pltpu.async_copy(ones_v, acc_sh.at[didx.at[g * K + b]],
                                 ssem, add=True)
            for b in range(K):
                pltpu.make_async_copy(
                    ones_v, acc_sh.at[pl.ds(0, CHUNK)], ssem).wait()
            return carry

        lax.fori_loop(0, cpw // K, grp, 0)
        plsc.subcore_barrier()
        pltpu.sync_copy(acc_sh.at[pl.ds(s * rps, rps)],
                        out_hbm.at[c, pl.ds(s * rps, rps)])

    return deg_kernel


def _make_agg_kernel(n_halves, n_pad, cpt):
    rps = n_pad // NS
    segch = SEGCH if cpt % SEGCH == 0 else cpt
    nseg = cpt // segch
    assert cpt % segch == 0 and segch % NBUF == 0

    @functools.partial(
        pl.kernel,
        out_type=jax.ShapeDtypeStruct((n_halves, NC, n_pad, HW), jnp.float32),
        mesh=_deg_mesh(),
        compiler_params=_SC_PARAMS,
        scratch_types=[
            pltpu.VMEM((segch, CHUNK), jnp.int32),
            pltpu.VMEM((segch, CHUNK), jnp.int32),
        ] + [pltpu.VMEM((CHUNK, HW), jnp.float32) for _ in range(NBUF)]
          + [pltpu.SemaphoreType.DMA for _ in range(2 * NBUF)]
          + [pltpu.VMEM_SHARED((n_pad, HW), jnp.float32)],
    )
    def agg_kernel(*refs):
        tables = refs[:n_halves]
        srcs_hbm, dsts_hbm, zeros_hbm, out_hbm = refs[n_halves:n_halves + 4]
        sidx, didx = refs[n_halves + 4:n_halves + 6]
        bufs = refs[n_halves + 6:n_halves + 6 + NBUF]
        gsems = refs[n_halves + 6 + NBUF:n_halves + 6 + 2 * NBUF]
        ssems = refs[n_halves + 6 + 2 * NBUF:n_halves + 6 + 3 * NBUF]
        acc_sh = refs[-1]
        c = lax.axis_index("c")
        s = lax.axis_index("s")
        base = (c * NS + s) * cpt

        for hh in range(n_halves):
            u_hbm = tables[hh]
            pltpu.sync_copy(zeros_hbm, acc_sh.at[pl.ds(s * rps, rps)])
            plsc.subcore_barrier()

            for seg in range(nseg):
                segbase = base + seg * segch
                pltpu.sync_copy(srcs_hbm.at[pl.ds(segbase, segch)], sidx)
                pltpu.sync_copy(dsts_hbm.at[pl.ds(segbase, segch)], didx)

                for b in range(NB2):
                    pltpu.async_copy(u_hbm.at[sidx.at[b]], bufs[b], gsems[b])

                def rnd(r, carry):
                    for b in range(NBUF):
                        j = r * NBUF + b
                        pltpu.make_async_copy(
                            u_hbm.at[pl.ds(0, CHUNK)], bufs[b], gsems[b]).wait()
                        pltpu.async_copy(bufs[b], acc_sh.at[didx.at[j]],
                                         ssems[b], add=True)
                        bh = (b + NB2) % NBUF

                        @pl.when((j >= NB2) & (j + NB2 < segch))
                        def _():
                            pltpu.make_async_copy(
                                bufs[bh], acc_sh.at[pl.ds(0, CHUNK)],
                                ssems[bh]).wait()

                        @pl.when(j + NB2 < segch)
                        def _():
                            pltpu.async_copy(u_hbm.at[sidx.at[j + NB2]],
                                             bufs[bh], gsems[bh])
                    return carry

                lax.fori_loop(0, segch // NBUF, rnd, 0)
                for b in range(NBUF):
                    pltpu.make_async_copy(
                        bufs[b], acc_sh.at[pl.ds(0, CHUNK)], ssems[b]).wait()

            plsc.subcore_barrier()
            pltpu.sync_copy(acc_sh.at[pl.ds(s * rps, rps)],
                            out_hbm.at[hh, c, pl.ds(s * rps, rps)])

    return agg_kernel


def _proj_body(x_ref, w_ref, b_ref, w1_ref, degp_ref, ua_ref, ub_ref, dinv_ref):
    x = x_ref[...]
    xb = jnp.dot(x, w_ref[0], preferred_element_type=jnp.float32,
                 precision=lax.Precision.HIGHEST) + b_ref[0]
    t1 = jnp.dot(xb, w1_ref[...], preferred_element_type=jnp.float32,
                 precision=lax.Precision.HIGHEST)
    deg = degp_ref[0, :, 0] + degp_ref[1, :, 0] + 1.0
    dinv = lax.rsqrt(deg)
    u = t1 * dinv[:, None]
    ua_ref[...] = u[:, :HW]
    ub_ref[...] = u[:, HW:]
    dinv_ref[...] = jnp.broadcast_to(dinv[:, None], dinv_ref.shape)


def _mid_body(pa1_ref, pa2_ref, pb1_ref, pb2_ref, ua_ref, ub_ref,
              dinv_ref, b1_ref, w2_ref, u2_ref):
    dinv = dinv_ref[:, 0][:, None]
    agg = jnp.concatenate(
        [pa1_ref[0, 0] + pa2_ref[0, 0] + ua_ref[...],
         pb1_ref[0, 0] + pb2_ref[0, 0] + ub_ref[...]], axis=1)
    h = jnp.maximum(dinv * agg + b1_ref[0], 0.0)
    t2 = jnp.dot(h, w2_ref[...], preferred_element_type=jnp.float32,
                 precision=lax.Precision.HIGHEST)
    u2_ref[...] = t2 * dinv


def _fin_body(q1_ref, q2_ref, u2_ref, dinv_ref, b2_ref, out_ref):
    dinv = dinv_ref[:, 0][:, None]
    out_ref[...] = dinv * (q1_ref[0, 0] + q2_ref[0, 0] + u2_ref[...]) + b2_ref[0]


def kernel(x0, x1, edge_index, Wp0, bp0, Wp1, bp1, W1, b1, W2, b2):
    n0, d0 = x0.shape
    n1, d1 = x1.shape
    n = n0 + n1
    h = W1.shape[0]
    o = W2.shape[1]
    e = edge_index.shape[1]
    f32 = jnp.float32

    n_pad = -(-(n + 1) // (NS * 8)) * (NS * 8)
    nch = -(-e // CHUNK)
    nch_tot = NW * CPT
    assert nch <= nch_tot and (nch_tot // NW) % 8 == 0
    cpw = nch_tot // NW
    ep = nch_tot * CHUNK

    npd = ep - e
    zp = 2048
    idst = jnp.arange(npd, dtype=jnp.int32)
    pad_src = n + idst % zp
    src = jnp.concatenate([edge_index[0].astype(jnp.int32), pad_src])
    dst_agg = jnp.concatenate([edge_index[1].astype(jnp.int32), idst % n])
    dst_deg = jnp.concatenate(
        [edge_index[1].astype(jnp.int32), n + idst % (n_pad - n)])
    srcs = src.reshape(nch_tot, CHUNK)
    dsts = dst_agg.reshape(nch_tot, CHUNK)
    dsts_deg = dst_deg.reshape(nch_tot, CHUNK)

    rps = n_pad // NS
    ones_deg = jnp.ones((CHUNK, DEG_W), f32)
    z_deg = jnp.zeros((rps, DEG_W), f32)
    z_h = jnp.zeros((rps, HW), f32)

    degp = _make_deg_kernel(n_pad, cpw)(dsts_deg, ones_deg, z_deg)

    x1p = jnp.pad(x1, ((0, 0), (0, d0 - d1)))
    xall = jnp.concatenate([x0, x1p], axis=0)
    wstk = jnp.stack([Wp0, jnp.pad(Wp1, ((0, d0 - d1), (0, 0)))])
    bstk = jnp.stack([bp0, bp1]).reshape(NC, 1, h)
    nb = n // BM
    bpt = n0 // BM
    u1a, u1b, dinv8 = pl.pallas_call(
        _proj_body,
        grid=(nb,),
        in_specs=[
            pl.BlockSpec((BM, d0), lambda i: (i, 0)),
            pl.BlockSpec((1, d0, h), lambda i: (i // bpt, 0, 0)),
            pl.BlockSpec((1, 1, h), lambda i: (i // bpt, 0, 0)),
            pl.BlockSpec((h, h), lambda i: (0, 0)),
            pl.BlockSpec((NC, BM, DEG_W), lambda i: (0, i, 0)),
        ],
        out_specs=[
            pl.BlockSpec((BM, HW), lambda i: (i, 0)),
            pl.BlockSpec((BM, HW), lambda i: (i, 0)),
            pl.BlockSpec((BM, DEG_W), lambda i: (i, 0)),
        ],
        out_shape=[
            jax.ShapeDtypeStruct((n, HW), f32),
            jax.ShapeDtypeStruct((n, HW), f32),
            jax.ShapeDtypeStruct((n, DEG_W), f32),
        ],
    )(xall, wstk, bstk, W1, degp)

    zpad = ((0, zp), (0, 0))
    u1ap = jnp.pad(u1a, zpad)
    u1bp = jnp.pad(u1b, zpad)
    p = _make_agg_kernel(2, n_pad, CPT)(u1ap, u1bp, srcs, dsts, z_h)

    u2 = pl.pallas_call(
        _mid_body,
        grid=(nb,),
        in_specs=[
            pl.BlockSpec((1, 1, BM, HW), lambda i: (0, 0, i, 0)),
            pl.BlockSpec((1, 1, BM, HW), lambda i: (0, 1, i, 0)),
            pl.BlockSpec((1, 1, BM, HW), lambda i: (1, 0, i, 0)),
            pl.BlockSpec((1, 1, BM, HW), lambda i: (1, 1, i, 0)),
            pl.BlockSpec((BM, HW), lambda i: (i, 0)),
            pl.BlockSpec((BM, HW), lambda i: (i, 0)),
            pl.BlockSpec((BM, DEG_W), lambda i: (i, 0)),
            pl.BlockSpec((1, h), lambda i: (0, 0)),
            pl.BlockSpec((h, o), lambda i: (0, 0)),
        ],
        out_specs=pl.BlockSpec((BM, o), lambda i: (i, 0)),
        out_shape=jax.ShapeDtypeStruct((n, o), f32),
    )(p, p, p, p, u1a, u1b, dinv8, b1.reshape(1, h), W2)

    u2p = jnp.pad(u2, zpad)
    q = _make_agg_kernel(1, n_pad, CPT)(u2p, srcs, dsts, z_h)

    out = pl.pallas_call(
        _fin_body,
        grid=(nb,),
        in_specs=[
            pl.BlockSpec((1, 1, BM, o), lambda i: (0, 0, i, 0)),
            pl.BlockSpec((1, 1, BM, o), lambda i: (0, 1, i, 0)),
            pl.BlockSpec((BM, o), lambda i: (i, 0)),
            pl.BlockSpec((BM, DEG_W), lambda i: (i, 0)),
            pl.BlockSpec((1, o), lambda i: (0, 0)),
        ],
        out_specs=pl.BlockSpec((BM, o), lambda i: (i, 0)),
        out_shape=jax.ShapeDtypeStruct((n, o), f32),
    )(q, q, u2, dinv8, b2.reshape(1, o))
    return out

# --- scband reference (transcript-rebuilt; emitter-appended) ---
"""Pipeline reference for scband-hgcnencoder-60000693125356 (READ-ONLY COPY).

The authoritative reference and input builder live on the scoring server;
editing this copy changes nothing except your own understanding.
"""

import jax, jax.numpy as jnp
import numpy as np

N0, N1 = 5000, 5000
N = N0 + N1
E = 320000
D0, D1 = 256, 128
H = 128
O = 64


def setup_inputs(seed: int = 0) -> dict:
    key = jax.random.key(seed)
    ks = jax.random.split(key, 12)
    x0 = jax.random.normal(ks[0], (N0, D0), dtype=jnp.float32)
    x1 = jax.random.normal(ks[1], (N1, D1), dtype=jnp.float32)
    edge_index = jax.random.randint(ks[2], (2, E), 0, N, dtype=jnp.int32)
    Wp0 = jax.random.normal(ks[3], (D0, H), dtype=jnp.float32) * (1.0 / np.sqrt(D0))
    bp0 = jnp.zeros((H,), dtype=jnp.float32)
    Wp1 = jax.random.normal(ks[4], (D1, H), dtype=jnp.float32) * (1.0 / np.sqrt(D1))
    bp1 = jnp.zeros((H,), dtype=jnp.float32)
    W1 = jax.random.normal(ks[5], (H, 2 * O), dtype=jnp.float32) * (1.0 / np.sqrt(H))
    b1 = jnp.zeros((2 * O,), dtype=jnp.float32)
    W2 = jax.random.normal(ks[6], (2 * O, O), dtype=jnp.float32) * (1.0 / np.sqrt(2 * O))
    b2 = jnp.zeros((O,), dtype=jnp.float32)
    return {"x0": x0, "x1": x1, "edge_index": edge_index,
            "Wp0": Wp0, "bp0": bp0, "Wp1": Wp1, "bp1": bp1,
            "W1": W1, "b1": b1, "W2": W2, "b2": b2}


def _gcn_conv(x, src, dst, W, b, n):
    # PyG GCNConv: linear transform, then symmetric-normalized aggregation, then bias
    x = x @ W
    deg = jnp.zeros((n,), x.dtype).at[dst].add(1.0)
    dinv = jnp.where(deg > 0, 1.0 / jnp.sqrt(deg), 0.0)
    norm = dinv[src] * dinv[dst]
    msg = x[src] * norm[:, None]
    out = jnp.zeros((n, x.shape[1]), x.dtype).at[dst].add(msg)
    return out + b


def reference(x0, x1, edge_index, Wp0, bp0, Wp1, bp1, W1, b1, W2, b2):
    # per-type projection then vstack (heterogeneous -> homogeneous)
    x = jnp.vstack([x0 @ Wp0 + bp0, x1 @ Wp1 + bp1])
    # dropout p=0.5 is identity in eval mode (training=False)
    # add self-loops (GCNConv default add_self_loops=True)
    loop = jnp.arange(N, dtype=edge_index.dtype)
    src = jnp.concatenate([edge_index[0], loop])
    dst = jnp.concatenate([edge_index[1], loop])
    h = jax.nn.relu(_gcn_conv(x, src, dst, W1, b1, N))
    return _gcn_conv(h, src, dst, W2, b2, N)

if __name__ == "__main__":
    import jax
    _d = setup_inputs()
    print(jax.jit(kernel)(*tuple(_d.values())))

</pallas_src>

<mosaic_0001>
#map = affine_map<(d0, d1) -> (0, 0)>
#map1 = affine_map<(d0, d1) -> (0, 0, 0)>
module attributes {stable_mosaic.version = 14 : i64} {
  func.func @deg_kernel(%arg0: i32, %arg1: i32, %arg2: memref<2560x128xi32, #tpu.memory_space<hbm>>, %arg3: memref<128x16xf32, #tpu.memory_space<hbm>>, %arg4: memref<632x16xf32, #tpu.memory_space<hbm>>, %arg5: memref<2x10112x16xf32, #tpu.memory_space<hbm>>, %arg6: memref<80x128xi32, #tpu.memory_space<vmem>>, %arg7: memref<128x16xf32, #tpu.memory_space<vmem>>, %arg8: memref<!tpu.dma_semaphore, #tpu.memory_space<semaphore_mem>>, %arg9: memref<10112x16xf32, #tpu.memory_space<vmem_shared>>) attributes {dimension_semantics = [#tpu.dimension_semantics<core_parallel>, #tpu.dimension_semantics<subcore_parallel>], iteration_bounds = array<i64: 2, 16>, scalar_prefetch = 0 : i64, scratch_operands = 4 : i64, tpu.core_type = #tpu.core_type<sc_vector_subcore>, window_params = [{transform_indices = #map}, {transform_indices = #map}, {transform_indices = #map}, {transform_indices = #map1}]} {
    %mul3A = arith.constant 16 : i32
    %mul3A_0 = arith.muli %arg0, %mul3A : i32
    %add3A = arith.addi %mul3A_0, %arg1 : i32
    %mul3A_1 = arith.constant 632 : i32
    %mul3A_2 = arith.muli %arg1, %mul3A_1 : i32
    "tpu.region"() ({
      %run_scoped3A = tpu.sem_alloc : memref<!tpu.dma_semaphore, #tpu.memory_space<semaphore_mem>>
      %dma_start3A = arith.constant 0 : i32
      %dma_start3A_15 = tpu.memref_slice %arg9[%mul3A_2, %dma_start3A] : memref<10112x16xf32, #tpu.memory_space<vmem_shared>> -> memref<632x16xf32, #tpu.memory_space<vmem_shared>>
      tpu.enqueue_dma source(%arg4 : memref<632x16xf32, #tpu.memory_space<hbm>>) target(%dma_start3A_15 : memref<632x16xf32, #tpu.memory_space<vmem_shared>>) target_semaphore(%run_scoped3A : memref<!tpu.dma_semaphore, #tpu.memory_space<semaphore_mem>>)
      %dma_wait3A = arith.constant 0 : i32
      %dma_wait3A_16 = tpu.memref_slice %arg9[%mul3A_2, %dma_wait3A] : memref<10112x16xf32, #tpu.memory_space<vmem_shared>> -> memref<632x16xf32, #tpu.memory_space<vmem_shared>>
      tpu.wait_dma2 semaphore(%run_scoped3A : memref<!tpu.dma_semaphore, #tpu.memory_space<semaphore_mem>>) src(%arg4 : memref<632x16xf32, #tpu.memory_space<hbm>>) dst(%dma_wait3A_16 : memref<632x16xf32, #tpu.memory_space<vmem_shared>>)
      tpu.yield
    }) : () -> ()
    "tpu.region"() ({
      %run_scoped3A = tpu.sem_alloc : memref<!tpu.dma_semaphore, #tpu.memory_space<semaphore_mem>>
      tpu.enqueue_dma source(%arg3 : memref<128x16xf32, #tpu.memory_space<hbm>>) target(%arg7 : memref<128x16xf32, #tpu.memory_space<vmem>>) target_semaphore(%run_scoped3A : memref<!tpu.dma_semaphore, #tpu.memory_space<semaphore_mem>>)
      tpu.wait_dma2 semaphore(%run_scoped3A : memref<!tpu.dma_semaphore, #tpu.memory_space<semaphore_mem>>) src(%arg3 : memref<128x16xf32, #tpu.memory_space<hbm>>) dst(%arg7 : memref<128x16xf32, #tpu.memory_space<vmem>>)
      tpu.yield
    }) : () -> ()
    %mul3A_3 = arith.constant 80 : i32
    %mul3A_4 = arith.muli %add3A, %mul3A_3 : i32
    "tpu.region"() ({
      %run_scoped3A = tpu.sem_alloc : memref<!tpu.dma_semaphore, #tpu.memory_space<semaphore_mem>>
      %dma_start3A = arith.constant 0 : i32
      %dma_start3A_15 = tpu.memref_slice %arg2[%mul3A_4, %dma_start3A] : memref<2560x128xi32, #tpu.memory_space<hbm>> -> memref<80x128xi32, #tpu.memory_space<hbm>>
      %dma_start3A_16 = arith.constant 0 : i32
      %dma_start3A_17 = tpu.memref_slice %arg2[%mul3A_4, %dma_start3A_16] : memref<2560x128xi32, #tpu.memory_space<hbm>> -> memref<80x128xi32, #tpu.memory_space<hbm>>
      tpu.enqueue_dma source(%dma_start3A_17 : memref<80x128xi32, #tpu.memory_space<hbm>>) target(%arg6 : memref<80x128xi32, #tpu.memory_space<vmem>>) target_semaphore(%run_scoped3A : memref<!tpu.dma_semaphore, #tpu.memory_space<semaphore_mem>>)
      %dma_wait3A = arith.constant 0 : i32
      %dma_wait3A_18 = tpu.memref_slice %arg2[%mul3A_4, %dma_wait3A] : memref<2560x128xi32, #tpu.memory_space<hbm>> -> memref<80x128xi32, #tpu.memory_space<hbm>>
      %dma_wait3A_19 = arith.constant 0 : i32
      %dma_wait3A_20 = tpu.memref_slice %arg2[%mul3A_4, %dma_wait3A_19] : memref<2560x128xi32, #tpu.memory_space<hbm>> -> memref<80x128xi32, #tpu.memory_space<hbm>>
      tpu.wait_dma2 semaphore(%run_scoped3A : memref<!tpu.dma_semaphore, #tpu.memory_space<semaphore_mem>>) src(%dma_wait3A_20 : memref<80x128xi32, #tpu.memory_space<hbm>>) dst(%arg6 : memref<80x128xi32, #tpu.memory_space<vmem>>)
      tpu.yield
    }) : () -> ()
    %barrier3A = arith.constant 0 : index
    tpu.barrier barrier_id(%barrier3A)
    %scan3A = arith.constant 0 : i32
    %scan3A_5 = arith.constant 0 : i32
    %scan3A_6 = arith.constant 10 : i32
    %scan3A_7 = arith.addi %scan3A_5, %scan3A_6 : i32
    %scan3A_8 = arith.constant 1 : i32
    scf.for %scan3A_15 = %scan3A_5 to %scan3A_7 step %scan3A_8  : i32 {
      %mul3A_16 = arith.constant 8 : i32
      %mul3A_17 = arith.muli %scan3A_15, %mul3A_16 : i32
      %add3A_18 = arith.constant 0 : i32
      %add3A_19 = arith.addi %mul3A_17, %add3A_18 : i32
      %dma_start3A = arith.constant 0 : i32
      %dma_start3A_20 = tpu.memref_slice %arg6[%add3A_19, %dma_start3A] : memref<80x128xi32, #tpu.memory_space<vmem>> -> memref<1x128xi32, #tpu.memory_space<vmem>>
      %dma_start3A_21 = tpu.memref_squeeze %dma_start3A_20 : memref<1x128xi32, #tpu.memory_space<vmem>> -> memref<128xi32, #tpu.memory_space<vmem>>
      %dma_start3A_22 = arith.constant 0 : i32
      %dma_start3A_23 = arith.constant 0 : i32
      %dma_start3A_24 = tpu.memref_slice %arg9[%dma_start3A_22, %dma_start3A_23] : memref<10112x16xf32, #tpu.memory_space<vmem_shared>> -> memref<10112x16xf32, #tpu.memory_space<vmem_shared>>
      tpu.enqueue_indirect_dma source(%arg7 : memref<128x16xf32, #tpu.memory_space<vmem>>) target(%dma_start3A_24 : memref<10112x16xf32, #tpu.memory_space<vmem_shared>>) offsets(%dma_start3A_21 : memref<128xi32, #tpu.memory_space<vmem>>) semaphore(%arg8 : memref<!tpu.dma_semaphore, #tpu.memory_space<semaphore_mem>>) {add = true}
      %mul3A_25 = arith.constant 8 : i32
      %mul3A_26 = arith.muli %scan3A_15, %mul3A_25 : i32
      %add3A_27 = arith.constant 1 : i32
      %add3A_28 = arith.addi %mul3A_26, %add3A_27 : i32
      %dma_start3A_29 = arith.constant 0 : i32
      %dma_start3A_30 = tpu.memref_slice %arg6[%add3A_28, %dma_start3A_29] : memref<80x128xi32, #tpu.memory_space<vmem>> -> memref<1x128xi32, #tpu.memory_space<vmem>>
      %dma_start3A_31 = tpu.memref_squeeze %dma_start3A_30 : memref<1x128xi32, #tpu.memory_space<vmem>> -> memref<128xi32, #tpu.memory_space<vmem>>
      %dma_start3A_32 = arith.constant 0 : i32
      %dma_start3A_33 = arith.constant 0 : i32
      %dma_start3A_34 = tpu.memref_slice %arg9[%dma_start3A_32, %dma_start3A_33] : memref<10112x16xf32, #tpu.memory_space<vmem_shared>> -> memref<10112x16xf32, #tpu.memory_space<vmem_shared>>
      tpu.enqueue_indirect_dma source(%arg7 : memref<128x16xf32, #tpu.memory_space<vmem>>) target(%dma_start3A_34 : memref<10112x16xf32, #tpu.memory_space<vmem_shared>>) offsets(%dma_start3A_31 : memref<128xi32, #tpu.memory_space<vmem>>) semaphore(%arg8 : memref<!tpu.dma_semaphore, #tpu.memory_space<semaphore_mem>>) {add = true}
      %mul3A_35 = arith.constant 8 : i32
      %mul3A_36 = arith.muli %scan3A_15, %mul3A_35 : i32
      %add3A_37 = arith.constant 2 : i32
      %add3A_38 = arith.addi %mul3A_36, %add3A_37 : i32
      %dma_start3A_39 = arith.constant 0 : i32
      %dma_start3A_40 = tpu.memref_slice %arg6[%add3A_38, %dma_start3A_39] : memref<80x128xi32, #tpu.memory_space<vmem>> -> memref<1x128xi32, #tpu.memory_space<vmem>>
      %dma_start3A_41 = tpu.memref_squeeze %dma_start3A_40 : memref<1x128xi32, #tpu.memory_space<vmem>> -> memref<128xi32, #tpu.memory_space<vmem>>
      %dma_start3A_42 = arith.constant 0 : i32
      %dma_start3A_43 = arith.constant 0 : i32
      %dma_start3A_44 = tpu.memref_slice %arg9[%dma_start3A_42, %dma_start3A_43] : memref<10112x16xf32, #tpu.memory_space<vmem_shared>> -> memref<10112x16xf32, #tpu.memory_space<vmem_shared>>
      tpu.enqueue_indirect_dma source(%arg7 : memref<128x16xf32, #tpu.memory_space<vmem>>) target(%dma_start3A_44 : memref<10112x16xf32, #tpu.memory_space<vmem_shared>>) offsets(%dma_start3A_41 : memref<128xi32, #tpu.memory_space<vmem>>) semaphore(%arg8 : memref<!tpu.dma_semaphore, #tpu.memory_space<semaphore_mem>>) {add = true}
      %mul3A_45 = arith.constant 8 : i32
      %mul3A_46 = arith.muli %scan3A_15, %mul3A_45 : i32
      %add3A_47 = arith.constant 3 : i32
      %add3A_48 = arith.addi %mul3A_46, %add3A_47 : i32
      %dma_start3A_49 = arith.constant 0 : i32
      %dma_start3A_50 = tpu.memref_slice %arg6[%add3A_48, %dma_start3A_49] : memref<80x128xi32, #tpu.memory_space<vmem>> -> memref<1x128xi32, #tpu.memory_space<vmem>>
      %dma_start3A_51 = tpu.memref_squeeze %dma_start3A_50 : memref<1x128xi32, #tpu.memory_space<vmem>> -> memref<128xi32, #tpu.memory_space<vmem>>
      %dma_start3A_52 = arith.constant 0 : i32
      %dma_start3A_53 = arith.constant 0 : i32
      %dma_start3A_54 = tpu.memref_slice %arg9[%dma_start3A_52, %dma_start3A_53] : memref<10112x16xf32, #tpu.memory_space<vmem_shared>> -> memref<10112x16xf32, #tpu.memory_space<vmem_shared>>
      tpu.enqueue_indirect_dma source(%arg7 : memref<128x16xf32, #tpu.memory_space<vmem>>) target(%dma_start3A_54 : memref<10112x16xf32, #tpu.memory_space<vmem_shared>>) offsets(%dma_start3A_51 : memref<128xi32, #tpu.memory_space<vmem>>) semaphore(%arg8 : memref<!tpu.dma_semaphore, #tpu.memory_space<semaphore_mem>>) {add = true}
      %mul3A_55 = arith.constant 8 : i32
      %mul3A_56 = arith.muli %scan3A_15, %mul3A_55 : i32
      %add3A_57 = arith.constant 4 : i32
      %add3A_58 = arith.addi %mul3A_56, %add3A_57 : i32
      %dma_start3A_59 = arith.constant 0 : i32
      %dma_start3A_60 = tpu.memref_slice %arg6[%add3A_58, %dma_start3A_59] : memref<80x128xi32, #tpu.memory_space<vmem>> -> memref<1x128xi32, #tpu.memory_space<vmem>>
      %dma_start3A_61 = tpu.memref_squeeze %dma_start3A_60 : memref<1x128xi32, #tpu.memory_space<vmem>> -> memref<128xi32, #tpu.memory_space<vmem>>
      %dma_start3A_62 = arith.constant 0 : i32
      %dma_start3A_63 = arith.constant 0 : i32
      %dma_start3A_64 = tpu.memref_slice %arg9[%dma_start3A_62, %dma_start3A_63] : memref<10112x16xf32, #tpu.memory_space<vmem_shared>> -> memref<10112x16xf32, #tpu.memory_space<vmem_shared>>
      tpu.enqueue_indirect_dma source(%arg7 : memref<128x16xf32, #tpu.memory_space<vmem>>) target(%dma_start3A_64 : memref<10112x16xf32, #tpu.memory_space<vmem_shared>>) offsets(%dma_start3A_61 : memref<128xi32, #tpu.memory_space<vmem>>) semaphore(%arg8 : memref<!tpu.dma_semaphore, #tpu.memory_space<semaphore_mem>>) {add = true}
      %mul3A_65 = arith.constant 8 : i32
      %mul3A_66 = arith.muli %scan3A_15, %mul3A_65 : i32
      %add3A_67 = arith.constant 5 : i32
      %add3A_68 = arith.addi %mul3A_66, %add3A_67 : i32
      %dma_start3A_69 = arith.constant 0 : i32
      %dma_start3A_70 = tpu.memref_slice %arg6[%add3A_68, %dma_start3A_69] : memref<80x128xi32, #tpu.memory_space<vmem>> -> memref<1x128xi32, #tpu.memory_space<vmem>>
      %dma_start3A_71 = tpu.memref_squeeze %dma_start3A_70 : memref<1x128xi32, #tpu.memory_space<vmem>> -> memref<128xi32, #tpu.memory_space<vmem>>
      %dma_start3A_72 = arith.constant 0 : i32
      %dma_start3A_73 = arith.constant 0 : i32
      %dma_start3A_74 = tpu.memref_slice %arg9[%dma_start3A_72, %dma_start3A_73] : memref<10112x16xf32, #tpu.memory_space<vmem_shared>> -> memref<10112x16xf32, #tpu.memory_space<vmem_shared>>
      tpu.enqueue_indirect_dma source(%arg7 : memref<128x16xf32, #tpu.memory_space<vmem>>) target(%dma_start3A_74 : memref<10112x16xf32, #tpu.memory_space<vmem_shared>>) offsets(%dma_start3A_71 : memref<128xi32, #tpu.memory_space<vmem>>) semaphore(%arg8 : memref<!tpu.dma_semaphore, #tpu.memory_space<semaphore_mem>>) {add = true}
      %mul3A_75 = arith.constant 8 : i32
      %mul3A_76 = arith.muli %scan3A_15, %mul3A_75 : i32
      %add3A_77 = arith.constant 6 : i32
      %add3A_78 = arith.addi %mul3A_76, %add3A_77 : i32
      %dma_start3A_79 = arith.constant 0 : i32
      %dma_start3A_80 = tpu.memref_slice %arg6[%add3A_78, %dma_start3A_79] : memref<80x128xi32, #tpu.memory_space<vmem>> -> memref<1x128xi32, #tpu.memory_space<vmem>>
      %dma_start3A_81 = tpu.memref_squeeze %dma_start3A_80 : memref<1x128xi32, #tpu.memory_space<vmem>> -> memref<128xi32, #tpu.memory_space<vmem>>
      %dma_start3A_82 = arith.constant 0 : i32
      %dma_start3A_83 = arith.constant 0 : i32
      %dma_start3A_84 = tpu.memref_slice %arg9[%dma_start3A_82, %dma_start3A_83] : memref<10112x16xf32, #tpu.memory_space<vmem_shared>> -> memref<10112x16xf32, #tpu.memory_space<vmem_shared>>
      tpu.enqueue_indirect_dma source(%arg7 : memref<128x16xf32, #tpu.memory_space<vmem>>) target(%dma_start3A_84 : memref<10112x16xf32, #tpu.memory_space<vmem_shared>>) offsets(%dma_start3A_81 : memref<128xi32, #tpu.memory_space<vmem>>) semaphore(%arg8 : memref<!tpu.dma_semaphore, #tpu.memory_space<semaphore_mem>>) {add = true}
      %mul3A_85 = arith.constant 8 : i32
      %mul3A_86 = arith.muli %scan3A_15, %mul3A_85 : i32
      %add3A_87 = arith.constant 7 : i32
      %add3A_88 = arith.addi %mul3A_86, %add3A_87 : i32
      %dma_start3A_89 = arith.constant 0 : i32
      %dma_start3A_90 = tpu.memref_slice %arg6[%add3A_88, %dma_start3A_89] : memref<80x128xi32, #tpu.memory_space<vmem>> -> memref<1x128xi32, #tpu.memory_space<vmem>>
      %dma_start3A_91 = tpu.memref_squeeze %dma_start3A_90 : memref<1x128xi32, #tpu.memory_space<vmem>> -> memref<128xi32, #tpu.memory_space<vmem>>
      %dma_start3A_92 = arith.constant 0 : i32
      %dma_start3A_93 = arith.constant 0 : i32
      %dma_start3A_94 = tpu.memref_slice %arg9[%dma_start3A_92, %dma_start3A_93] : memref<10112x16xf32, #tpu.memory_space<vmem_shared>> -> memref<10112x16xf32, #tpu.memory_space<vmem_shared>>
      tpu.enqueue_indirect_dma source(%arg7 : memref<128x16xf32, #tpu.memory_space<vmem>>) target(%dma_start3A_94 : memref<10112x16xf32, #tpu.memory_space<vmem_shared>>) offsets(%dma_start3A_91 : memref<128xi32, #tpu.memory_space<vmem>>) semaphore(%arg8 : memref<!tpu.dma_semaphore, #tpu.memory_space<semaphore_mem>>) {add = true}
      %dma_wait3A = arith.constant 0 : i32
      %dma_wait3A_95 = arith.constant 0 : i32
      %dma_wait3A_96 = tpu.memref_slice %arg9[%dma_wait3A, %dma_wait3A_95] : memref<10112x16xf32, #tpu.memory_space<vmem_shared>> -> memref<128x16xf32, #tpu.memory_space<vmem_shared>>
      %dma_wait3A_97 = arith.constant 0 : i32
      %dma_wait3A_98 = arith.constant 0 : i32
      %dma_wait3A_99 = tpu.memref_slice %arg9[%dma_wait3A_97, %dma_wait3A_98] : memref<10112x16xf32, #tpu.memory_space<vmem_shared>> -> memref<128x16xf32, #tpu.memory_space<vmem_shared>>
      tpu.wait_dma2 semaphore(%arg8 : memref<!tpu.dma_semaphore, #tpu.memory_space<semaphore_mem>>) src(%arg7 : memref<128x16xf32, #tpu.memory_space<vmem>>) dst(%dma_wait3A_99 : memref<128x16xf32, #tpu.memory_space<vmem_shared>>)
      %dma_wait3A_100 = arith.constant 0 : i32
      %dma_wait3A_101 = arith.constant 0 : i32
      %dma_wait3A_102 = tpu.memref_slice %arg9[%dma_wait3A_100, %dma_wait3A_101] : memref<10112x16xf32, #tpu.memory_space<vmem_shared>> -> memref<128x16xf32, #tpu.memory_space<vmem_shared>>
      %dma_wait3A_103 = arith.constant 0 : i32
      %dma_wait3A_104 = arith.constant 0 : i32
      %dma_wait3A_105 = tpu.memref_slice %arg9[%dma_wait3A_103, %dma_wait3A_104] : memref<10112x16xf32, #tpu.memory_space<vmem_shared>> -> memref<128x16xf32, #tpu.memory_space<vmem_shared>>
      tpu.wait_dma2 semaphore(%arg8 : memref<!tpu.dma_semaphore, #tpu.memory_space<semaphore_mem>>) src(%arg7 : memref<128x16xf32, #tpu.memory_space<vmem>>) dst(%dma_wait3A_105 : memref<128x16xf32, #tpu.memory_space<vmem_shared>>)
      %dma_wait3A_106 = arith.constant 0 : i32
      %dma_wait3A_107 = arith.constant 0 : i32
      %dma_wait3A_108 = tpu.memref_slice %arg9[%dma_wait3A_106, %dma_wait3A_107] : memref<10112x16xf32, #tpu.memory_space<vmem_shared>> -> memref<128x16xf32, #tpu.memory_space<vmem_shared>>
      %dma_wait3A_109 = arith.constant 0 : i32
      %dma_wait3A_110 = arith.constant 0 : i32
      %dma_wait3A_111 = tpu.memref_slice %arg9[%dma_wait3A_109, %dma_wait3A_110] : memref<10112x16xf32, #tpu.memory_space<vmem_shared>> -> memref<128x16xf32, #tpu.memory_space<vmem_shared>>
      tpu.wait_dma2 semaphore(%arg8 : memref<!tpu.dma_semaphore, #tpu.memory_space<semaphore_mem>>) src(%arg7 : memref<128x16xf32, #tpu.memory_space<vmem>>) dst(%dma_wait3A_111 : memref<128x16xf32, #tpu.memory_space<vmem_shared>>)
      %dma_wait3A_112 = arith.constant 0 : i32
      %dma_wait3A_113 = arith.constant 0 : i32
      %dma_wait3A_114 = tpu.memref_slice %arg9[%dma_wait3A_112, %dma_wait3A_113] : memref<10112x16xf32, #tpu.memory_space<vmem_shared>> -> memref<128x16xf32, #tpu.memory_space<vmem_shared>>
      %dma_wait3A_115 = arith.constant 0 : i32
      %dma_wait3A_116 = arith.constant 0 : i32
      %dma_wait3A_117 = tpu.memref_slice %arg9[%dma_wait3A_115, %dma_wait3A_116] : memref<10112x16xf32, #tpu.memory_space<vmem_shared>> -> memref<128x16xf32, #tpu.memory_space<vmem_shared>>
      tpu.wait_dma2 semaphore(%arg8 : memref<!tpu.dma_semaphore, #tpu.memory_space<semaphore_mem>>) src(%arg7 : memref<128x16xf32, #tpu.memory_space<vmem>>) dst(%dma_wait3A_117 : memref<128x16xf32, #tpu.memory_space<vmem_shared>>)
      %dma_wait3A_118 = arith.constant 0 : i32
      %dma_wait3A_119 = arith.constant 0 : i32
      %dma_wait3A_120 = tpu.memref_slice %arg9[%dma_wait3A_118, %dma_wait3A_119] : memref<10112x16xf32, #tpu.memory_space<vmem_shared>> -> memref<128x16xf32, #tpu.memory_space<vmem_shared>>
      %dma_wait3A_121 = arith.constant 0 : i32
      %dma_wait3A_122 = arith.constant 0 : i32
      %dma_wait3A_123 = tpu.memref_slice %arg9[%dma_wait3A_121, %dma_wait3A_122] : memref<10112x16xf32, #tpu.memory_space<vmem_shared>> -> memref<128x16xf32, #tpu.memory_space<vmem_shared>>
      tpu.wait_dma2 semaphore(%arg8 : memref<!tpu.dma_semaphore, #tpu.memory_space<semaphore_mem>>) src(%arg7 : memref<128x16xf32, #tpu.memory_space<vmem>>) dst(%dma_wait3A_123 : memref<128x16xf32, #tpu.memory_space<vmem_shared>>)
      %dma_wait3A_124 = arith.constant 0 : i32
      %dma_wait3A_125 = arith.constant 0 : i32
      %dma_wait3A_126 = tpu.memref_slice %arg9[%dma_wait3A_124, %dma_wait3A_125] : memref<10112x16xf32, #tpu.memory_space<vmem_shared>> -> memref<128x16xf32, #tpu.memory_space<vmem_shared>>
      %dma_wait3A_127 = arith.constant 0 : i32
      %dma_wait3A_128 = arith.constant 0 : i32
      %dma_wait3A_129 = tpu.memref_slice %arg9[%dma_wait3A_127, %dma_wait3A_128] : memref<10112x16xf32, #tpu.memory_space<vmem_shared>> -> memref<128x16xf32, #tpu.memory_space<vmem_shared>>
      tpu.wait_dma2 semaphore(%arg8 : memref<!tpu.dma_semaphore, #tpu.memory_space<semaphore_mem>>) src(%arg7 : memref<128x16xf32, #tpu.memory_space<vmem>>) dst(%dma_wait3A_129 : memref<128x16xf32, #tpu.memory_space<vmem_shared>>)
      %dma_wait3A_130 = arith.constant 0 : i32
      %dma_wait3A_131 = arith.constant 0 : i32
      %dma_wait3A_132 = tpu.memref_slice %arg9[%dma_wait3A_130, %dma_wait3A_131] : memref<10112x16xf32, #tpu.memory_space<vmem_shared>> -> memref<128x16xf32, #tpu.memory_space<vmem_shared>>
      %dma_wait3A_133 = arith.constant 0 : i32
      %dma_wait3A_134 = arith.constant 0 : i32
      %dma_wait3A_135 = tpu.memref_slice %arg9[%dma_wait3A_133, %dma_wait3A_134] : memref<10112x16xf32, #tpu.memory_space<vmem_shared>> -> memref<128x16xf32, #tpu.memory_space<vmem_shared>>
      tpu.wait_dma2 semaphore(%arg8 : memref<!tpu.dma_semaphore, #tpu.memory_space<semaphore_mem>>) src(%arg7 : memref<128x16xf32, #tpu.memory_space<vmem>>) dst(%dma_wait3A_135 : memref<128x16xf32, #tpu.memory_space<vmem_shared>>)
      %dma_wait3A_136 = arith.constant 0 : i32
      %dma_wait3A_137 = arith.constant 0 : i32
      %dma_wait3A_138 = tpu.memref_slice %arg9[%dma_wait3A_136, %dma_wait3A_137] : memref<10112x16xf32, #tpu.memory_space<vmem_shared>> -> memref<128x16xf32, #tpu.memory_space<vmem_shared>>
      %dma_wait3A_139 = arith.constant 0 : i32
      %dma_wait3A_140 = arith.constant 0 : i32
      %dma_wait3A_141 = tpu.memref_slice %arg9[%dma_wait3A_139, %dma_wait3A_140] : memref<10112x16xf32, #tpu.memory_space<vmem_shared>> -> memref<128x16xf32, #tpu.memory_space<vmem_shared>>
      tpu.wait_dma2 semaphore(%arg8 : memref<!tpu.dma_semaphore, #tpu.memory_space<semaphore_mem>>) src(%arg7 : memref<128x16xf32, #tpu.memory_space<vmem>>) dst(%dma_wait3A_141 : memref<128x16xf32, #tpu.memory_space<vmem_shared>>)
    }
    %scan3A_9 = arith.constant 10 : i32
    %barrier3A_10 = arith.constant 0 : index
    tpu.barrier barrier_id(%barrier3A_10)
    %mul3A_11 = arith.constant 632 : i32
    %mul3A_12 = arith.muli %arg1, %mul3A_11 : i32
    %mul3A_13 = arith.constant 632 : i32
    %mul3A_14 = arith.muli %arg1, %mul3A_13 : i32
    "tpu.region"() ({
      %run_scoped3A = tpu.sem_alloc : memref<!tpu.dma_semaphore, #tpu.memory_space<semaphore_mem>>
      %dma_start3A = arith.constant 0 : i32
      %dma_start3A_15 = tpu.memref_slice %arg5[%arg0, %mul3A_14, %dma_start3A] : memref<2x10112x16xf32, #tpu.memory_space<hbm>> -> memref<1x632x16xf32, #tpu.memory_space<hbm>>
      %dma_start3A_16 = tpu.memref_squeeze %dma_start3A_15 : memref<1x632x16xf32, #tpu.memory_space<hbm>> -> memref<632x16xf32, #tpu.memory_space<hbm>>
      %dma_start3A_17 = arith.constant 0 : i32
      %dma_start3A_18 = tpu.memref_slice %arg9[%mul3A_12, %dma_start3A_17] : memref<10112x16xf32, #tpu.memory_space<vmem_shared>> -> memref<632x16xf32, #tpu.memory_space<vmem_shared>>
      tpu.enqueue_dma source(%dma_start3A_18 : memref<632x16xf32, #tpu.memory_space<vmem_shared>>) target(%dma_start3A_16 : memref<632x16xf32, #tpu.memory_space<hbm>>) target_semaphore(%run_scoped3A : memref<!tpu.dma_semaphore, #tpu.memory_space<semaphore_mem>>)
      %dma_wait3A = arith.constant 0 : i32
      %dma_wait3A_19 = tpu.memref_slice %arg5[%arg0, %mul3A_14, %dma_wait3A] : memref<2x10112x16xf32, #tpu.memory_space<hbm>> -> memref<1x632x16xf32, #tpu.memory_space<hbm>>
      %dma_wait3A_20 = tpu.memref_squeeze %dma_wait3A_19 : memref<1x632x16xf32, #tpu.memory_space<hbm>> -> memref<632x16xf32, #tpu.memory_space<hbm>>
      %dma_wait3A_21 = arith.constant 0 : i32
      %dma_wait3A_22 = tpu.memref_slice %arg9[%mul3A_12, %dma_wait3A_21] : memref<10112x16xf32, #tpu.memory_space<vmem_shared>> -> memref<632x16xf32, #tpu.memory_space<vmem_shared>>
      tpu.wait_dma2 semaphore(%run_scoped3A : memref<!tpu.dma_semaphore, #tpu.memory_space<semaphore_mem>>) src(%dma_wait3A_22 : memref<632x16xf32, #tpu.memory_space<vmem_shared>>) dst(%dma_wait3A_20 : memref<632x16xf32, #tpu.memory_space<hbm>>)
      tpu.yield
    }) : () -> ()
    return
  }
}

#map = affine_map<(d0, d1) -> (0, 0)>
#map1 = affine_map<(d0, d1) -> (0, 0, 0, 0)>
module attributes {stable_mosaic.version = 14 : i64} {
  func.func @agg_kernel(%arg0: i32, %arg1: i32, %arg2: memref<12048x64xf32, #tpu.memory_space<hbm>>, %arg3: memref<12048x64xf32, #tpu.memory_space<hbm>>, %arg4: memref<2560x128xi32, #tpu.memory_space<hbm>>, %arg5: memref<2560x128xi32, #tpu.memory_space<hbm>>, %arg6: memref<632x64xf32, #tpu.memory_space<hbm>>, %arg7: memref<2x2x10112x64xf32, #tpu.memory_space<hbm>>, %arg8: memref<80x128xi32, #tpu.memory_space<vmem>>, %arg9: memref<80x128xi32, #tpu.memory_space<vmem>>, %arg10: memref<128x64xf32, #tpu.memory_space<vmem>>, %arg11: memref<128x64xf32, #tpu.memory_space<vmem>>, %arg12: memref<128x64xf32, #tpu.memory_space<vmem>>, %arg13: memref<128x64xf32, #tpu.memory_space<vmem>>, %arg14: memref<128x64xf32, #tpu.memory_space<vmem>>, %arg15: memref<128x64xf32, #tpu.memory_space<vmem>>, %arg16: memref<128x64xf32, #tpu.memory_space<vmem>>, %arg17: memref<128x64xf32, #tpu.memory_space<vmem>>, %arg18: memref<!tpu.dma_semaphore, #tpu.memory_space<semaphore_mem>>, %arg19: memref<!tpu.dma_semaphore, #tpu.memory_space<semaphore_mem>>, %arg20: memref<!tpu.dma_semaphore, #tpu.memory_space<semaphore_mem>>, %arg21: memref<!tpu.dma_semaphore, #tpu.memory_space<semaphore_mem>>, %arg22: memref<!tpu.dma_semaphore, #tpu.memory_space<semaphore_mem>>, %arg23: memref<!tpu.dma_semaphore, #tpu.memory_space<semaphore_mem>>, %arg24: memref<!tpu.dma_semaphore, #tpu.memory_space<semaphore_mem>>, %arg25: memref<!tpu.dma_semaphore, #tpu.memory_space<semaphore_mem>>, %arg26: memref<!tpu.dma_semaphore, #tpu.memory_space<semaphore_mem>>, %arg27: memref<!tpu.dma_semaphore, #tpu.memory_space<semaphore_mem>>, %arg28: memref<!tpu.dma_semaphore, #tpu.memory_space<semaphore_mem>>, %arg29: memref<!tpu.dma_semaphore, #tpu.memory_space<semaphore_mem>>, %arg30: memref<!tpu.dma_semaphore, #tpu.memory_space<semaphore_mem>>, %arg31: memref<!tpu.dma_semaphore, #tpu.memory_space<semaphore_mem>>, %arg32: memref<!tpu.dma_semaphore, #tpu.memory_space<semaphore_mem>>, %arg33: memref<!tpu.dma_semaphore, #tpu.memory_space<semaphore_mem>>, %arg34: memref<10112x64xf32, #tpu.memory_space<vmem_shared>>) attributes {dimension_semantics = [#tpu.dimension_semantics<core_parallel>, #tpu.dimension_semantics<subcore_parallel>], iteration_bounds = array<i64: 2, 16>, scalar_prefetch = 0 : i64, scratch_operands = 27 : i64, tpu.core_type = #tpu.core_type<sc_vector_subcore>, window_params = [{transform_indices = #map}, {transform_indices = #map}, {transform_indices = #map}, {transform_indices = #map}, {transform_indices = #map}, {transform_indices = #map1}]} {
    %mul3A = arith.constant 16 : i32
    %mul3A_0 = arith.muli %arg0, %mul3A : i32
    %add3A = arith.addi %mul3A_0, %arg1 : i32
    %mul3A_1 = arith.constant 80 : i32
    %mul3A_2 = arith.muli %add3A, %mul3A_1 : i32
    %mul3A_3 = arith.constant 632 : i32
    %mul3A_4 = arith.muli %arg1, %mul3A_3 : i32
    "tpu.region"() ({
      %run_scoped3A_184 = tpu.sem_alloc : memref<!tpu.dma_semaphore, #tpu.memory_space<semaphore_mem>>
      %dma_start3A_185 = arith.constant 0 : i32
      %dma_start3A_186 = tpu.memref_slice %arg34[%mul3A_4, %dma_start3A_185] : memref<10112x64xf32, #tpu.memory_space<vmem_shared>> -> memref<632x64xf32, #tpu.memory_space<vmem_shared>>
      tpu.enqueue_dma source(%arg6 : memref<632x64xf32, #tpu.memory_space<hbm>>) target(%dma_start3A_186 : memref<632x64xf32, #tpu.memory_space<vmem_shared>>) target_semaphore(%run_scoped3A_184 : memref<!tpu.dma_semaphore, #tpu.memory_space<semaphore_mem>>)
      %dma_wait3A_187 = arith.constant 0 : i32
      %dma_wait3A_188 = tpu.memref_slice %arg34[%mul3A_4, %dma_wait3A_187] : memref<10112x64xf32, #tpu.memory_space<vmem_shared>> -> memref<632x64xf32, #tpu.memory_space<vmem_shared>>
      tpu.wait_dma2 semaphore(%run_scoped3A_184 : memref<!tpu.dma_semaphore, #tpu.memory_space<semaphore_mem>>) src(%arg6 : memref<632x64xf32, #tpu.memory_space<hbm>>) dst(%dma_wait3A_188 : memref<632x64xf32, #tpu.memory_space<vmem_shared>>)
      tpu.yield
    }) : () -> ()
    %barrier3A = arith.constant 0 : index
    tpu.barrier barrier_id(%barrier3A)
    %add3A_5 = arith.constant 0 : i32
    %add3A_6 = arith.addi %mul3A_2, %add3A_5 : i32
    "tpu.region"() ({
      %run_scoped3A_184 = tpu.sem_alloc : memref<!tpu.dma_semaphore, #tpu.memory_space<semaphore_mem>>
      %dma_start3A_185 = arith.constant 0 : i32
      %dma_start3A_186 = tpu.memref_slice %arg4[%add3A_6, %dma_start3A_185] : memref<2560x128xi32, #tpu.memory_space<hbm>> -> memref<80x128xi32, #tpu.memory_space<hbm>>
      %dma_start3A_187 = arith.constant 0 : i32
      %dma_start3A_188 = tpu.memref_slice %arg4[%add3A_6, %dma_start3A_187] : memref<2560x128xi32, #tpu.memory_space<hbm>> -> memref<80x128xi32, #tpu.memory_space<hbm>>
      tpu.enqueue_dma source(%dma_start3A_188 : memref<80x128xi32, #tpu.memory_space<hbm>>) target(%arg8 : memref<80x128xi32, #tpu.memory_space<vmem>>) target_semaphore(%run_scoped3A_184 : memref<!tpu.dma_semaphore, #tpu.memory_space<semaphore_mem>>)
      %dma_wait3A_189 = arith.constant 0 : i32
      %dma_wait3A_190 = tpu.memref_slice %arg4[%add3A_6, %dma_wait3A_189] : memref<2560x128xi32, #tpu.memory_space<hbm>> -> memref<80x128xi32, #tpu.memory_space<hbm>>
      %dma_wait3A_191 = arith.constant 0 : i32
      %dma_wait3A_192 = tpu.memref_slice %arg4[%add3A_6, %dma_wait3A_191] : memref<2560x128xi32, #tpu.memory_space<hbm>> -> memref<80x128xi32, #tpu.memory_space<hbm>>
      tpu.wait_dma2 semaphore(%run_scoped3A_184 : memref<!tpu.dma_semaphore, #tpu.memory_space<semaphore_mem>>) src(%dma_wait3A_192 : memref<80x128xi32, #tpu.memory_space<hbm>>) dst(%arg8 : memref<80x128xi32, #tpu.memory_space<vmem>>)
      tpu.yield
    }) : () -> ()
    "tpu.region"() ({
      %run_scoped3A_184 = tpu.sem_alloc : memref<!tpu.dma_semaphore, #tpu.memory_space<semaphore_mem>>
      %dma_start3A_185 = arith.constant 0 : i32
      %dma_start3A_186 = tpu.memref_slice %arg5[%add3A_6, %dma_start3A_185] : memref<2560x128xi32, #tpu.memory_space<hbm>> -> memref<80x128xi32, #tpu.memory_space<hbm>>
      %dma_start3A_187 = arith.constant 0 : i32
      %dma_start3A_188 = tpu.memref_slice %arg5[%add3A_6, %dma_start3A_187] : memref<2560x128xi32, #tpu.memory_space<hbm>> -> memref<80x128xi32, #tpu.memory_space<hbm>>
      tpu.enqueue_dma source(%dma_start3A_188 : memref<80x128xi32, #tpu.memory_space<hbm>>) target(%arg9 : memref<80x128xi32, #tpu.memory_space<vmem>>) target_semaphore(%run_scoped3A_184 : memref<!tpu.dma_semaphore, #tpu.memory_space<semaphore_mem>>)
      %dma_wait3A_189 = arith.constant 0 : i32
      %dma_wait3A_190 = tpu.memref_slice %arg5[%add3A_6, %dma_wait3A_189] : memref<2560x128xi32, #tpu.memory_space<hbm>> -> memref<80x128xi32, #tpu.memory_space<hbm>>
      %dma_wait3A_191 = arith.constant 0 : i32
      %dma_wait3A_192 = tpu.memref_slice %arg5[%add3A_6, %dma_wait3A_191] : memref<2560x128xi32, #tpu.memory_space<hbm>> -> memref<80x128xi32, #tpu.memory_space<hbm>>
      tpu.wait_dma2 semaphore(%run_scoped3A_184 : memref<!tpu.dma_semaphore, #tpu.memory_space<semaphore_mem>>) src(%dma_wait3A_192 : memref<80x128xi32, #tpu.memory_space<hbm>>) dst(%arg9 : memref<80x128xi32, #tpu.memory_space<vmem>>)
      tpu.yield
    }) : () -> ()
    %dma_start3A = arith.constant 0 : i32
    %dma_start3A_7 = arith.constant 0 : i32
    %dma_start3A_8 = tpu.memref_slice %arg8[%dma_start3A, %dma_start3A_7] : memref<80x128xi32, #tpu.memory_space<vmem>> -> memref<1x128xi32, #tpu.memory_space<vmem>>
    %dma_start3A_9 = tpu.memref_squeeze %dma_start3A_8 : memref<1x128xi32, #tpu.memory_space<vmem>> -> memref<128xi32, #tpu.memory_space<vmem>>
    %dma_start3A_10 = arith.constant 0 : i32
    %dma_start3A_11 = arith.constant 0 : i32
    %dma_start3A_12 = tpu.memref_slice %arg2[%dma_start3A_10, %dma_start3A_11] : memref<12048x64xf32, #tpu.memory_space<hbm>> -> memref<12048x64xf32, #tpu.memory_space<hbm>>
    tpu.enqueue_indirect_dma source(%dma_start3A_12 : memref<12048x64xf32, #tpu.memory_space<hbm>>) target(%arg10 : memref<128x64xf32, #tpu.memory_space<vmem>>) offsets(%dma_start3A_9 : memref<128xi32, #tpu.memory_space<vmem>>) semaphore(%arg18 : memref<!tpu.dma_semaphore, #tpu.memory_space<semaphore_mem>>)
    %dma_start3A_13 = arith.constant 1 : i32
    %dma_start3A_14 = arith.constant 0 : i32
    %dma_start3A_15 = tpu.memref_slice %arg8[%dma_start3A_13, %dma_start3A_14] : memref<80x128xi32, #tpu.memory_space<vmem>> -> memref<1x128xi32, #tpu.memory_space<vmem>>
    %dma_start3A_16 = tpu.memref_squeeze %dma_start3A_15 : memref<1x128xi32, #tpu.memory_space<vmem>> -> memref<128xi32, #tpu.memory_space<vmem>>
    %dma_start3A_17 = arith.constant 0 : i32
    %dma_start3A_18 = arith.constant 0 : i32
    %dma_start3A_19 = tpu.memref_slice %arg2[%dma_start3A_17, %dma_start3A_18] : memref<12048x64xf32, #tpu.memory_space<hbm>> -> memref<12048x64xf32, #tpu.memory_space<hbm>>
    tpu.enqueue_indirect_dma source(%dma_start3A_19 : memref<12048x64xf32, #tpu.memory_space<hbm>>) target(%arg11 : memref<128x64xf32, #tpu.memory_space<vmem>>) offsets(%dma_start3A_16 : memref<128xi32, #tpu.memory_space<vmem>>) semaphore(%arg19 : memref<!tpu.dma_semaphore, #tpu.memory_space<semaphore_mem>>)
    %dma_start3A_20 = arith.constant 2 : i32
    %dma_start3A_21 = arith.constant 0 : i32
    %dma_start3A_22 = tpu.memref_slice %arg8[%dma_start3A_20, %dma_start3A_21] : memref<80x128xi32, #tpu.memory_space<vmem>> -> memref<1x128xi32, #tpu.memory_space<vmem>>
    %dma_start3A_23 = tpu.memref_squeeze %dma_start3A_22 : memref<1x128xi32, #tpu.memory_space<vmem>> -> memref<128xi32, #tpu.memory_space<vmem>>
    %dma_start3A_24 = arith.constant 0 : i32
    %dma_start3A_25 = arith.constant 0 : i32
    %dma_start3A_26 = tpu.memref_slice %arg2[%dma_start3A_24, %dma_start3A_25] : memref<12048x64xf32, #tpu.memory_space<hbm>> -> memref<12048x64xf32, #tpu.memory_space<hbm>>
    tpu.enqueue_indirect_dma source(%dma_start3A_26 : memref<12048x64xf32, #tpu.memory_space<hbm>>) target(%arg12 : memref<128x64xf32, #tpu.memory_space<vmem>>) offsets(%dma_start3A_23 : memref<128xi32, #tpu.memory_space<vmem>>) semaphore(%arg20 : memref<!tpu.dma_semaphore, #tpu.memory_space<semaphore_mem>>)
    %dma_start3A_27 = arith.constant 3 : i32
    %dma_start3A_28 = arith.constant 0 : i32
    %dma_start3A_29 = tpu.memref_slice %arg8[%dma_start3A_27, %dma_start3A_28] : memref<80x128xi32, #tpu.memory_space<vmem>> -> memref<1x128xi32, #tpu.memory_space<vmem>>
    %dma_start3A_30 = tpu.memref_squeeze %dma_start3A_29 : memref<1x128xi32, #tpu.memory_space<vmem>> -> memref<128xi32, #tpu.memory_space<vmem>>
    %dma_start3A_31 = arith.constant 0 : i32
    %dma_start3A_32 = arith.constant 0 : i32
    %dma_start3A_33 = tpu.memref_slice %arg2[%dma_start3A_31, %dma_start3A_32] : memref<12048x64xf32, #tpu.memory_space<hbm>> -> memref<12048x64xf32, #tpu.memory_space<hbm>>
    tpu.enqueue_indirect_dma source(%dma_start3A_33 : memref<12048x64xf32, #tpu.memory_space<hbm>>) target(%arg13 : memref<128x64xf32, #tpu.memory_space<vmem>>) offsets(%dma_start3A_30 : memref<128xi32, #tpu.memory_space<vmem>>) semaphore(%arg21 : memref<!tpu.dma_semaphore, #tpu.memory_space<semaphore_mem>>)
    %scan3A = arith.constant 0 : i32
    %scan3A_34 = arith.constant 0 : i32
    %scan3A_35 = arith.constant 10 : i32
    %scan3A_36 = arith.addi %scan3A_34, %scan3A_35 : i32
    %scan3A_37 = arith.constant 1 : i32
    scf.for %scan3A_184 = %scan3A_34 to %scan3A_36 step %scan3A_37  : i32 {
      %mul3A_185 = arith.constant 8 : i32
      %mul3A_186 = arith.muli %scan3A_184, %mul3A_185 : i32
      %add3A_187 = arith.constant 0 : i32
      %add3A_188 = arith.addi %mul3A_186, %add3A_187 : i32
      %dma_wait3A_189 = arith.constant 0 : i32
      %dma_wait3A_190 = arith.constant 0 : i32
      %dma_wait3A_191 = tpu.memref_slice %arg2[%dma_wait3A_189, %dma_wait3A_190] : memref<12048x64xf32, #tpu.memory_space<hbm>> -> memref<128x64xf32, #tpu.memory_space<hbm>>
      %dma_wait3A_192 = arith.constant 0 : i32
      %dma_wait3A_193 = arith.constant 0 : i32
      %dma_wait3A_194 = tpu.memref_slice %arg2[%dma_wait3A_192, %dma_wait3A_193] : memref<12048x64xf32, #tpu.memory_space<hbm>> -> memref<128x64xf32, #tpu.memory_space<hbm>>
      tpu.wait_dma2 semaphore(%arg18 : memref<!tpu.dma_semaphore, #tpu.memory_space<semaphore_mem>>) src(%dma_wait3A_194 : memref<128x64xf32, #tpu.memory_space<hbm>>) dst(%arg10 : memref<128x64xf32, #tpu.memory_space<vmem>>)
      %dma_start3A_195 = arith.constant 0 : i32
      %dma_start3A_196 = tpu.memref_slice %arg9[%add3A_188, %dma_start3A_195] : memref<80x128xi32, #tpu.memory_space<vmem>> -> memref<1x128xi32, #tpu.memory_space<vmem>>
      %dma_start3A_197 = tpu.memref_squeeze %dma_start3A_196 : memref<1x128xi32, #tpu.memory_space<vmem>> -> memref<128xi32, #tpu.memory_space<vmem>>
      %dma_start3A_198 = arith.constant 0 : i32
      %dma_start3A_199 = arith.constant 0 : i32
      %dma_start3A_200 = tpu.memref_slice %arg34[%dma_start3A_198, %dma_start3A_199] : memref<10112x64xf32, #tpu.memory_space<vmem_shared>> -> memref<10112x64xf32, #tpu.memory_space<vmem_shared>>
      tpu.enqueue_indirect_dma source(%arg10 : memref<128x64xf32, #tpu.memory_space<vmem>>) target(%dma_start3A_200 : memref<10112x64xf32, #tpu.memory_space<vmem_shared>>) offsets(%dma_start3A_197 : memref<128xi32, #tpu.memory_space<vmem>>) semaphore(%arg26 : memref<!tpu.dma_semaphore, #tpu.memory_space<semaphore_mem>>) {add = true}
      %ge3A = arith.constant 4 : i32
      %ge3A_201 = arith.cmpi sge, %add3A_188, %ge3A : i32
      %add3A_202 = arith.constant 4 : i32
      %add3A_203 = arith.addi %add3A_188, %add3A_202 : i32
      %lt3A = arith.constant 80 : i32
      %lt3A_204 = arith.cmpi slt, %add3A_203, %lt3A : i32
      %and3A = arith.andi %ge3A_201, %lt3A_204 : i1
      %convert_element_type3A = arith.extui %and3A : i1 to i32
      %cond3A = arith.constant 0 : i32
      %cond3A_205 = arith.cmpi ne, %convert_element_type3A, %cond3A : i32
      scf.if %cond3A_205 {
        %dma_wait3A_444 = arith.constant 0 : i32
        %dma_wait3A_445 = arith.constant 0 : i32
        %dma_wait3A_446 = tpu.memref_slice %arg34[%dma_wait3A_444, %dma_wait3A_445] : memref<10112x64xf32, #tpu.memory_space<vmem_shared>> -> memref<128x64xf32, #tpu.memory_space<vmem_shared>>
        %dma_wait3A_447 = arith.constant 0 : i32
        %dma_wait3A_448 = arith.constant 0 : i32
        %dma_wait3A_449 = tpu.memref_slice %arg34[%dma_wait3A_447, %dma_wait3A_448] : memref<10112x64xf32, #tpu.memory_space<vmem_shared>> -> memref<128x64xf32, #tpu.memory_space<vmem_shared>>
        tpu.wait_dma2 semaphore(%arg30 : memref<!tpu.dma_semaphore, #tpu.memory_space<semaphore_mem>>) src(%arg14 : memref<128x64xf32, #tpu.memory_space<vmem>>) dst(%dma_wait3A_449 : memref<128x64xf32, #tpu.memory_space<vmem_shared>>)
      } else {
      }
      %add3A_206 = arith.constant 4 : i32
      %add3A_207 = arith.addi %add3A_188, %add3A_206 : i32
      %lt3A_208 = arith.constant 80 : i32
      %lt3A_209 = arith.cmpi slt, %add3A_207, %lt3A_208 : i32
      %convert_element_type3A_210 = arith.extui %lt3A_209 : i1 to i32
      %cond3A_211 = arith.constant 0 : i32
      %cond3A_212 = arith.cmpi ne, %convert_element_type3A_210, %cond3A_211 : i32
      scf.if %cond3A_212 {
        %add3A_444 = arith.constant 4 : i32
        %add3A_445 = arith.addi %add3A_188, %add3A_444 : i32
        %dma_start3A_446 = arith.constant 0 : i32
        %dma_start3A_447 = tpu.memref_slice %arg8[%add3A_445, %dma_start3A_446] : memref<80x128xi32, #tpu.memory_space<vmem>> -> memref<1x128xi32, #tpu.memory_space<vmem>>
        %dma_start3A_448 = tpu.memref_squeeze %dma_start3A_447 : memref<1x128xi32, #tpu.memory_space<vmem>> -> memref<128xi32, #tpu.memory_space<vmem>>
        %dma_start3A_449 = arith.constant 0 : i32
        %dma_start3A_450 = arith.constant 0 : i32
        %dma_start3A_451 = tpu.memref_slice %arg2[%dma_start3A_449, %dma_start3A_450] : memref<12048x64xf32, #tpu.memory_space<hbm>> -> memref<12048x64xf32, #tpu.memory_space<hbm>>
        tpu.enqueue_indirect_dma source(%dma_start3A_451 : memref<12048x64xf32, #tpu.memory_space<hbm>>) target(%arg14 : memref<128x64xf32, #tpu.memory_space<vmem>>) offsets(%dma_start3A_448 : memref<128xi32, #tpu.memory_space<vmem>>) semaphore(%arg22 : memref<!tpu.dma_semaphore, #tpu.memory_space<semaphore_mem>>)
      } else {
      }
      %mul3A_213 = arith.constant 8 : i32
      %mul3A_214 = arith.muli %scan3A_184, %mul3A_213 : i32
      %add3A_215 = arith.constant 1 : i32
      %add3A_216 = arith.addi %mul3A_214, %add3A_215 : i32
      %dma_wait3A_217 = arith.constant 0 : i32
      %dma_wait3A_218 = arith.constant 0 : i32
      %dma_wait3A_219 = tpu.memref_slice %arg2[%dma_wait3A_217, %dma_wait3A_218] : memref<12048x64xf32, #tpu.memory_space<hbm>> -> memref<128x64xf32, #tpu.memory_space<hbm>>
      %dma_wait3A_220 = arith.constant 0 : i32
      %dma_wait3A_221 = arith.constant 0 : i32
      %dma_wait3A_222 = tpu.memref_slice %arg2[%dma_wait3A_220, %dma_wait3A_221] : memref<12048x64xf32, #tpu.memory_space<hbm>> -> memref<128x64xf32, #tpu.memory_space<hbm>>
      tpu.wait_dma2 semaphore(%arg19 : memref<!tpu.dma_semaphore, #tpu.memory_space<semaphore_mem>>) src(%dma_wait3A_222 : memref<128x64xf32, #tpu.memory_space<hbm>>) dst(%arg11 : memref<128x64xf32, #tpu.memory_space<vmem>>)
      %dma_start3A_223 = arith.constant 0 : i32
      %dma_start3A_224 = tpu.memref_slice %arg9[%add3A_216, %dma_start3A_223] : memref<80x128xi32, #tpu.memory_space<vmem>> -> memref<1x128xi32, #tpu.memory_space<vmem>>
      %dma_start3A_225 = tpu.memref_squeeze %dma_start3A_224 : memref<1x128xi32, #tpu.memory_space<vmem>> -> memref<128xi32, #tpu.memory_space<vmem>>
      %dma_start3A_226 = arith.constant 0 : i32
      %dma_start3A_227 = arith.constant 0 : i32
      %dma_start3A_228 = tpu.memref_slice %arg34[%dma_start3A_226, %dma_start3A_227] : memref<10112x64xf32, #tpu.memory_space<vmem_shared>> -> memref<10112x64xf32, #tpu.memory_space<vmem_shared>>
      tpu.enqueue_indirect_dma source(%arg11 : memref<128x64xf32, #tpu.memory_space<vmem>>) target(%dma_start3A_228 : memref<10112x64xf32, #tpu.memory_space<vmem_shared>>) offsets(%dma_start3A_225 : memref<128xi32, #tpu.memory_space<vmem>>) semaphore(%arg27 : memref<!tpu.dma_semaphore, #tpu.memory_space<semaphore_mem>>) {add = true}
      %ge3A_229 = arith.constant 4 : i32
      %ge3A_230 = arith.cmpi sge, %add3A_216, %ge3A_229 : i32
      %add3A_231 = arith.constant 4 : i32
      %add3A_232 = arith.addi %add3A_216, %add3A_231 : i32
      %lt3A_233 = arith.constant 80 : i32
      %lt3A_234 = arith.cmpi slt, %add3A_232, %lt3A_233 : i32
      %and3A_235 = arith.andi %ge3A_230, %lt3A_234 : i1
      %convert_element_type3A_236 = arith.extui %and3A_235 : i1 to i32
      %cond3A_237 = arith.constant 0 : i32
      %cond3A_238 = arith.cmpi ne, %convert_element_type3A_236, %cond3A_237 : i32
      scf.if %cond3A_238 {
        %dma_wait3A_444 = arith.constant 0 : i32
        %dma_wait3A_445 = arith.constant 0 : i32
        %dma_wait3A_446 = tpu.memref_slice %arg34[%dma_wait3A_444, %dma_wait3A_445] : memref<10112x64xf32, #tpu.memory_space<vmem_shared>> -> memref<128x64xf32, #tpu.memory_space<vmem_shared>>
        %dma_wait3A_447 = arith.constant 0 : i32
        %dma_wait3A_448 = arith.constant 0 : i32
        %dma_wait3A_449 = tpu.memref_slice %arg34[%dma_wait3A_447, %dma_wait3A_448] : memref<10112x64xf32, #tpu.memory_space<vmem_shared>> -> memref<128x64xf32, #tpu.memory_space<vmem_shared>>
        tpu.wait_dma2 semaphore(%arg31 : memref<!tpu.dma_semaphore, #tpu.memory_space<semaphore_mem>>) src(%arg15 : memref<128x64xf32, #tpu.memory_space<vmem>>) dst(%dma_wait3A_449 : memref<128x64xf32, #tpu.memory_space<vmem_shared>>)
      } else {
      }
      %add3A_239 = arith.constant 4 : i32
      %add3A_240 = arith.addi %add3A_216, %add3A_239 : i32
      %lt3A_241 = arith.constant 80 : i32
      %lt3A_242 = arith.cmpi slt, %add3A_240, %lt3A_241 : i32
      %convert_element_type3A_243 = arith.extui %lt3A_242 : i1 to i32
      %cond3A_244 = arith.constant 0 : i32
      %cond3A_245 = arith.cmpi ne, %convert_element_type3A_243, %cond3A_244 : i32
      scf.if %cond3A_245 {
        %add3A_444 = arith.constant 4 : i32
        %add3A_445 = arith.addi %add3A_216, %add3A_444 : i32
        %dma_start3A_446 = arith.constant 0 : i32
        %dma_start3A_447 = tpu.memref_slice %arg8[%add3A_445, %dma_start3A_446] : memref<80x128xi32, #tpu.memory_space<vmem>> -> memref<1x128xi32, #tpu.memory_space<vmem>>
        %dma_start3A_448 = tpu.memref_squeeze %dma_start3A_447 : memref<1x128xi32, #tpu.memory_space<vmem>> -> memref<128xi32, #tpu.memory_space<vmem>>
        %dma_start3A_449 = arith.constant 0 : i32
        %dma_start3A_450 = arith.constant 0 : i32
        %dma_start3A_451 = tpu.memref_slice %arg2[%dma_start3A_449, %dma_start3A_450] : memref<12048x64xf32, #tpu.memory_space<hbm>> -> memref<12048x64xf32, #tpu.memory_space<hbm>>
        tpu.enqueue_indirect_dma source(%dma_start3A_451 : memref<12048x64xf32, #tpu.memory_space<hbm>>) target(%arg15 : memref<128x64xf32, #tpu.memory_space<vmem>>) offsets(%dma_start3A_448 : memref<128xi32, #tpu.memory_space<vmem>>) semaphore(%arg23 : memref<!tpu.dma_semaphore, #tpu.memory_space<semaphore_mem>>)
      } else {
      }
      %mul3A_246 = arith.constant 8 : i32
      %mul3A_247 = arith.muli %scan3A_184, %mul3A_246 : i32
      %add3A_248 = arith.constant 2 : i32
      %add3A_249 = arith.addi %mul3A_247, %add3A_248 : i32
      %dma_wait3A_250 = arith.constant 0 : i32
      %dma_wait3A_251 = arith.constant 0 : i32
      %dma_wait3A_252 = tpu.memref_slice %arg2[%dma_wait3A_250, %dma_wait3A_251] : memref<12048x64xf32, #tpu.memory_space<hbm>> -> memref<128x64xf32, #tpu.memory_space<hbm>>
      %dma_wait3A_253 = arith.constant 0 : i32
      %dma_wait3A_254 = arith.constant 0 : i32
      %dma_wait3A_255 = tpu.memref_slice %arg2[%dma_wait3A_253, %dma_wait3A_254] : memref<12048x64xf32, #tpu.memory_space<hbm>> -> memref<128x64xf32, #tpu.memory_space<hbm>>
      tpu.wait_dma2 semaphore(%arg20 : memref<!tpu.dma_semaphore, #tpu.memory_space<semaphore_mem>>) src(%dma_wait3A_255 : memref<128x64xf32, #tpu.memory_space<hbm>>) dst(%arg12 : memref<128x64xf32, #tpu.memory_space<vmem>>)
      %dma_start3A_256 = arith.constant 0 : i32
      %dma_start3A_257 = tpu.memref_slice %arg9[%add3A_249, %dma_start3A_256] : memref<80x128xi32, #tpu.memory_space<vmem>> -> memref<1x128xi32, #tpu.memory_space<vmem>>
      %dma_start3A_258 = tpu.memref_squeeze %dma_start3A_257 : memref<1x128xi32, #tpu.memory_space<vmem>> -> memref<128xi32, #tpu.memory_space<vmem>>
      %dma_start3A_259 = arith.constant 0 : i32
      %dma_start3A_260 = arith.constant 0 : i32
      %dma_start3A_261 = tpu.memref_slice %arg34[%dma_start3A_259, %dma_start3A_260] : memref<10112x64xf32, #tpu.memory_space<vmem_shared>> -> memref<10112x64xf32, #tpu.memory_space<vmem_shared>>
      tpu.enqueue_indirect_dma source(%arg12 : memref<128x64xf32, #tpu.memory_space<vmem>>) target(%dma_start3A_261 : memref<10112x64xf32, #tpu.memory_space<vmem_shared>>) offsets(%dma_start3A_258 : memref<128xi32, #tpu.memory_space<vmem>>) semaphore(%arg28 : memref<!tpu.dma_semaphore, #tpu.memory_space<semaphore_mem>>) {add = true}
      %ge3A_262 = arith.constant 4 : i32
      %ge3A_263 = arith.cmpi sge, %add3A_249, %ge3A_262 : i32
      %add3A_264 = arith.constant 4 : i32
      %add3A_265 = arith.addi %add3A_249, %add3A_264 : i32
      %lt3A_266 = arith.constant 80 : i32
      %lt3A_267 = arith.cmpi slt, %add3A_265, %lt3A_266 : i32
      %and3A_268 = arith.andi %ge3A_263, %lt3A_267 : i1
      %convert_element_type3A_269 = arith.extui %and3A_268 : i1 to i32
      %cond3A_270 = arith.constant 0 : i32
      %cond3A_271 = arith.cmpi ne, %convert_element_type3A_269, %cond3A_270 : i32
      scf.if %cond3A_271 {
        %dma_wait3A_444 = arith.constant 0 : i32
        %dma_wait3A_445 = arith.constant 0 : i32
        %dma_wait3A_446 = tpu.memref_slice %arg34[%dma_wait3A_444, %dma_wait3A_445] : memref<10112x64xf32, #tpu.memory_space<vmem_shared>> -> memref<128x64xf32, #tpu.memory_space<vmem_shared>>
        %dma_wait3A_447 = arith.constant 0 : i32
        %dma_wait3A_448 = arith.constant 0 : i32
        %dma_wait3A_449 = tpu.memref_slice %arg34[%dma_wait3A_447, %dma_wait3A_448] : memref<10112x64xf32, #tpu.memory_space<vmem_shared>> -> memref<128x64xf32, #tpu.memory_space<vmem_shared>>
        tpu.wait_dma2 semaphore(%arg32 : memref<!tpu.dma_semaphore, #tpu.memory_space<semaphore_mem>>) src(%arg16 : memref<128x64xf32, #tpu.memory_space<vmem>>) dst(%dma_wait3A_449 : memref<128x64xf32, #tpu.memory_space<vmem_shared>>)
      } else {
      }
      %add3A_272 = arith.constant 4 : i32
      %add3A_273 = arith.addi %add3A_249, %add3A_272 : i32
      %lt3A_274 = arith.constant 80 : i32
      %lt3A_275 = arith.cmpi slt, %add3A_273, %lt3A_274 : i32
      %convert_element_type3A_276 = arith.extui %lt3A_275 : i1 to i32
      %cond3A_277 = arith.constant 0 : i32
      %cond3A_278 = arith.cmpi ne, %convert_element_type3A_276, %cond3A_277 : i32
      scf.if %cond3A_278 {
        %add3A_444 = arith.constant 4 : i32
        %add3A_445 = arith.addi %add3A_249, %add3A_444 : i32
        %dma_start3A_446 = arith.constant 0 : i32
        %dma_start3A_447 = tpu.memref_slice %arg8[%add3A_445, %dma_start3A_446] : memref<80x128xi32, #tpu.memory_space<vmem>> -> memref<1x128xi32, #tpu.memory_space<vmem>>
        %dma_start3A_448 = tpu.memref_squeeze %dma_start3A_447 : memref<1x128xi32, #tpu.memory_space<vmem>> -> memref<128xi32, #tpu.memory_space<vmem>>
        %dma_start3A_449 = arith.constant 0 : i32
        %dma_start3A_450 = arith.constant 0 : i32
        %dma_start3A_451 = tpu.memref_slice %arg2[%dma_start3A_449, %dma_start3A_450] : memref<12048x64xf32, #tpu.memory_space<hbm>> -> memref<12048x64xf32, #tpu.memory_space<hbm>>
        tpu.enqueue_indirect_dma source(%dma_start3A_451 : memref<12048x64xf32, #tpu.memory_space<hbm>>) target(%arg16 : memref<128x64xf32, #tpu.memory_space<vmem>>) offsets(%dma_start3A_448 : memref<128xi32, #tpu.memory_space<vmem>>) semaphore(%arg24 : memref<!tpu.dma_semaphore, #tpu.memory_space<semaphore_mem>>)
      } else {
      }
      %mul3A_279 = arith.constant 8 : i32
      %mul3A_280 = arith.muli %scan3A_184, %mul3A_279 : i32
      %add3A_281 = arith.constant 3 : i32
      %add3A_282 = arith.addi %mul3A_280, %add3A_281 : i32
      %dma_wait3A_283 = arith.constant 0 : i32
      %dma_wait3A_284 = arith.constant 0 : i32
      %dma_wait3A_285 = tpu.memref_slice %arg2[%dma_wait3A_283, %dma_wait3A_284] : memref<12048x64xf32, #tpu.memory_space<hbm>> -> memref<128x64xf32, #tpu.memory_space<hbm>>
      %dma_wait3A_286 = arith.constant 0 : i32
      %dma_wait3A_287 = arith.constant 0 : i32
      %dma_wait3A_288 = tpu.memref_slice %arg2[%dma_wait3A_286, %dma_wait3A_287] : memref<12048x64xf32, #tpu.memory_space<hbm>> -> memref<128x64xf32, #tpu.memory_space<hbm>>
      tpu.wait_dma2 semaphore(%arg21 : memref<!tpu.dma_semaphore, #tpu.memory_space<semaphore_mem>>) src(%dma_wait3A_288 : memref<128x64xf32, #tpu.memory_space<hbm>>) dst(%arg13 : memref<128x64xf32, #tpu.memory_space<vmem>>)
      %dma_start3A_289 = arith.constant 0 : i32
      %dma_start3A_290 = tpu.memref_slice %arg9[%add3A_282, %dma_start3A_289] : memref<80x128xi32, #tpu.memory_space<vmem>> -> memref<1x128xi32, #tpu.memory_space<vmem>>
      %dma_start3A_291 = tpu.memref_squeeze %dma_start3A_290 : memref<1x128xi32, #tpu.memory_space<vmem>> -> memref<128xi32, #tpu.memory_space<vmem>>
      %dma_start3A_292 = arith.constant 0 : i32
      %dma_start3A_293 = arith.constant 0 : i32
      %dma_start3A_294 = tpu.memref_slice %arg34[%dma_start3A_292, %dma_start3A_293] : memref<10112x64xf32, #tpu.memory_space<vmem_shared>> -> memref<10112x64xf32, #tpu.memory_space<vmem_shared>>
      tpu.enqueue_indirect_dma source(%arg13 : memref<128x64xf32, #tpu.memory_space<vmem>>) target(%dma_start3A_294 : memref<10112x64xf32, #tpu.memory_space<vmem_shared>>) offsets(%dma_start3A_291 : memref<128xi32, #tpu.memory_space<vmem>>) semaphore(%arg29 : memref<!tpu.dma_semaphore, #tpu.memory_space<semaphore_mem>>) {add = true}
      %ge3A_295 = arith.constant 4 : i32
      %ge3A_296 = arith.cmpi sge, %add3A_282, %ge3A_295 : i32
      %add3A_297 = arith.constant 4 : i32
      %add3A_298 = arith.addi %add3A_282, %add3A_297 : i32
      %lt3A_299 = arith.constant 80 : i32
      %lt3A_300 = arith.cmpi slt, %add3A_298, %lt3A_299 : i32
      %and3A_301 = arith.andi %ge3A_296, %lt3A_300 : i1
      %convert_element_type3A_302 = arith.extui %and3A_301 : i1 to i32
      %cond3A_303 = arith.constant 0 : i32
      %cond3A_304 = arith.cmpi ne, %convert_element_type3A_302, %cond3A_303 : i32
      scf.if %cond3A_304 {
        %dma_wait3A_444 = arith.constant 0 : i32
        %dma_wait3A_445 = arith.constant 0 : i32
        %dma_wait3A_446 = tpu.memref_slice %arg34[%dma_wait3A_444, %dma_wait3A_445] : memref<10112x64xf32, #tpu.memory_space<vmem_shared>> -> memref<128x64xf32, #tpu.memory_space<vmem_shared>>
        %dma_wait3A_447 = arith.constant 0 : i32
        %dma_wait3A_448 = arith.constant 0 : i32
        %dma_wait3A_449 = tpu.memref_slice %arg34[%dma_wait3A_447, %dma_wait3A_448] : memref<10112x64xf32, #tpu.memory_space<vmem_shared>> -> memref<128x64xf32, #tpu.memory_space<vmem_shared>>
        tpu.wait_dma2 semaphore(%arg33 : memref<!tpu.dma_semaphore, #tpu.memory_space<semaphore_mem>>) src(%arg17 : memref<128x64xf32, #tpu.memory_space<vmem>>) dst(%dma_wait3A_449 : memref<128x64xf32, #tpu.memory_space<vmem_shared>>)
      } else {
      }
      %add3A_305 = arith.constant 4 : i32
      %add3A_306 = arith.addi %add3A_282, %add3A_305 : i32
      %lt3A_307 = arith.constant 80 : i32
      %lt3A_308 = arith.cmpi slt, %add3A_306, %lt3A_307 : i32
      %convert_element_type3A_309 = arith.extui %lt3A_308 : i1 to i32
      %cond3A_310 = arith.constant 0 : i32
      %cond3A_311 = arith.cmpi ne, %convert_element_type3A_309, %cond3A_310 : i32
      scf.if %cond3A_311 {
        %add3A_444 = arith.constant 4 : i32
        %add3A_445 = arith.addi %add3A_282, %add3A_444 : i32
        %dma_start3A_446 = arith.constant 0 : i32
        %dma_start3A_447 = tpu.memref_slice %arg8[%add3A_445, %dma_start3A_446] : memref<80x128xi32, #tpu.memory_space<vmem>> -> memref<1x128xi32, #tpu.memory_space<vmem>>
        %dma_start3A_448 = tpu.memref_squeeze %dma_start3A_447 : memref<1x128xi32, #tpu.memory_space<vmem>> -> memref<128xi32, #tpu.memory_space<vmem>>
        %dma_start3A_449 = arith.constant 0 : i32
        %dma_start3A_450 = arith.constant 0 : i32
        %dma_start3A_451 = tpu.memref_slice %arg2[%dma_start3A_449, %dma_start3A_450] : memref<12048x64xf32, #tpu.memory_space<hbm>> -> memref<12048x64xf32, #tpu.memory_space<hbm>>
        tpu.enqueue_indirect_dma source(%dma_start3A_451 : memref<12048x64xf32, #tpu.memory_space<hbm>>) target(%arg17 : memref<128x64xf32, #tpu.memory_space<vmem>>) offsets(%dma_start3A_448 : memref<128xi32, #tpu.memory_space<vmem>>) semaphore(%arg25 : memref<!tpu.dma_semaphore, #tpu.memory_space<semaphore_mem>>)
      } else {
      }
      %mul3A_312 = arith.constant 8 : i32
      %mul3A_313 = arith.muli %scan3A_184, %mul3A_312 : i32
      %add3A_314 = arith.constant 4 : i32
      %add3A_315 = arith.addi %mul3A_313, %add3A_314 : i32
      %dma_wait3A_316 = arith.constant 0 : i32
      %dma_wait3A_317 = arith.constant 0 : i32
      %dma_wait3A_318 = tpu.memref_slice %arg2[%dma_wait3A_316, %dma_wait3A_317] : memref<12048x64xf32, #tpu.memory_space<hbm>> -> memref<128x64xf32, #tpu.memory_space<hbm>>
      %dma_wait3A_319 = arith.constant 0 : i32
      %dma_wait3A_320 = arith.constant 0 : i32
      %dma_wait3A_321 = tpu.memref_slice %arg2[%dma_wait3A_319, %dma_wait3A_320] : memref<12048x64xf32, #tpu.memory_space<hbm>> -> memref<128x64xf32, #tpu.memory_space<hbm>>
      tpu.wait_dma2 semaphore(%arg22 : memref<!tpu.dma_semaphore, #tpu.memory_space<semaphore_mem>>) src(%dma_wait3A_321 : memref<128x64xf32, #tpu.memory_space<hbm>>) dst(%arg14 : memref<128x64xf32, #tpu.memory_space<vmem>>)
      %dma_start3A_322 = arith.constant 0 : i32
      %dma_start3A_323 = tpu.memref_slice %arg9[%add3A_315, %dma_start3A_322] : memref<80x128xi32, #tpu.memory_space<vmem>> -> memref<1x128xi32, #tpu.memory_space<vmem>>
      %dma_start3A_324 = tpu.memref_squeeze %dma_start3A_323 : memref<1x128xi32, #tpu.memory_space<vmem>> -> memref<128xi32, #tpu.memory_space<vmem>>
      %dma_start3A_325 = arith.constant 0 : i32
      %dma_start3A_326 = arith.constant 0 : i32
      %dma_start3A_327 = tpu.memref_slice %arg34[%dma_start3A_325, %dma_start3A_326] : memref<10112x64xf32, #tpu.memory_space<vmem_shared>> -> memref<10112x64xf32, #tpu.memory_space<vmem_shared>>
      tpu.enqueue_indirect_dma source(%arg14 : memref<128x64xf32, #tpu.memory_space<vmem>>) target(%dma_start3A_327 : memref<10112x64xf32, #tpu.memory_space<vmem_shared>>) offsets(%dma_start3A_324 : memref<128xi32, #tpu.memory_space<vmem>>) semaphore(%arg30 : memref<!tpu.dma_semaphore, #tpu.memory_space<semaphore_mem>>) {add = true}
      %ge3A_328 = arith.constant 4 : i32
      %ge3A_329 = arith.cmpi sge, %add3A_315, %ge3A_328 : i32
      %add3A_330 = arith.constant 4 : i32
      %add3A_331 = arith.addi %add3A_315, %add3A_330 : i32
      %lt3A_332 = arith.constant 80 : i32
      %lt3A_333 = arith.cmpi slt, %add3A_331, %lt3A_332 : i32
      %and3A_334 = arith.andi %ge3A_329, %lt3A_333 : i1
      %convert_element_type3A_335 = arith.extui %and3A_334 : i1 to i32
      %cond3A_336 = arith.constant 0 : i32
      %cond3A_337 = arith.cmpi ne, %convert_element_type3A_335, %cond3A_336 : i32
      scf.if %cond3A_337 {
        %dma_wait3A_444 = arith.constant 0 : i32
        %dma_wait3A_445 = arith.constant 0 : i32
        %dma_wait3A_446 = tpu.memref_slice %arg34[%dma_wait3A_444, %dma_wait3A_445] : memref<10112x64xf32, #tpu.memory_space<vmem_shared>> -> memref<128x64xf32, #tpu.memory_space<vmem_shared>>
        %dma_wait3A_447 = arith.constant 0 : i32
        %dma_wait3A_448 = arith.constant 0 : i32
        %dma_wait3A_449 = tpu.memref_slice %arg34[%dma_wait3A_447, %dma_wait3A_448] : memref<10112x64xf32, #tpu.memory_space<vmem_shared>> -> memref<128x64xf32, #tpu.memory_space<vmem_shared>>
        tpu.wait_dma2 semaphore(%arg26 : memref<!tpu.dma_semaphore, #tpu.memory_space<semaphore_mem>>) src(%arg10 : memref<128x64xf32, #tpu.memory_space<vmem>>) dst(%dma_wait3A_449 : memref<128x64xf32, #tpu.memory_space<vmem_shared>>)
      } else {
      }
      %add3A_338 = arith.constant 4 : i32
      %add3A_339 = arith.addi %add3A_315, %add3A_338 : i32
      %lt3A_340 = arith.constant 80 : i32
      %lt3A_341 = arith.cmpi slt, %add3A_339, %lt3A_340 : i32
      %convert_element_type3A_342 = arith.extui %lt3A_341 : i1 to i32
      %cond3A_343 = arith.constant 0 : i32
      %cond3A_344 = arith.cmpi ne, %convert_element_type3A_342, %cond3A_343 : i32
      scf.if %cond3A_344 {
        %add3A_444 = arith.constant 4 : i32
        %add3A_445 = arith.addi %add3A_315, %add3A_444 : i32
        %dma_start3A_446 = arith.constant 0 : i32
        %dma_start3A_447 = tpu.memref_slice %arg8[%add3A_445, %dma_start3A_446] : memref<80x128xi32, #tpu.memory_space<vmem>> -> memref<1x128xi32, #tpu.memory_space<vmem>>
        %dma_start3A_448 = tpu.memref_squeeze %dma_start3A_447 : memref<1x128xi32, #tpu.memory_space<vmem>> -> memref<128xi32, #tpu.memory_space<vmem>>
        %dma_start3A_449 = arith.constant 0 : i32
        %dma_start3A_450 = arith.constant 0 : i32
        %dma_start3A_451 = tpu.memref_slice %arg2[%dma_start3A_449, %dma_start3A_450] : memref<12048x64xf32, #tpu.memory_space<hbm>> -> memref<12048x64xf32, #tpu.memory_space<hbm>>
        tpu.enqueue_indirect_dma source(%dma_start3A_451 : memref<12048x64xf32, #tpu.memory_space<hbm>>) target(%arg10 : memref<128x64xf32, #tpu.memory_space<vmem>>) offsets(%dma_start3A_448 : memref<128xi32, #tpu.memory_space<vmem>>) semaphore(%arg18 : memref<!tpu.dma_semaphore, #tpu.memory_space<semaphore_mem>>)
      } else {
      }
      %mul3A_345 = arith.constant 8 : i32
      %mul3A_346 = arith.muli %scan3A_184, %mul3A_345 : i32
      %add3A_347 = arith.constant 5 : i32
      %add3A_348 = arith.addi %mul3A_346, %add3A_347 : i32
      %dma_wait3A_349 = arith.constant 0 : i32
      %dma_wait3A_350 = arith.constant 0 : i32
      %dma_wait3A_351 = tpu.memref_slice %arg2[%dma_wait3A_349, %dma_wait3A_350] : memref<12048x64xf32, #tpu.memory_space<hbm>> -> memref<128x64xf32, #tpu.memory_space<hbm>>
      %dma_wait3A_352 = arith.constant 0 : i32
      %dma_wait3A_353 = arith.constant 0 : i32
      %dma_wait3A_354 = tpu.memref_slice %arg2[%dma_wait3A_352, %dma_wait3A_353] : memref<12048x64xf32, #tpu.memory_space<hbm>> -> memref<128x64xf32, #tpu.memory_space<hbm>>
      tpu.wait_dma2 semaphore(%arg23 : memref<!tpu.dma_semaphore, #tpu.memory_space<semaphore_mem>>) src(%dma_wait3A_354 : memref<128x64xf32, #tpu.memory_space<hbm>>) dst(%arg15 : memref<128x64xf32, #tpu.memory_space<vmem>>)
      %dma_start3A_355 = arith.constant 0 : i32
      %dma_start3A_356 = tpu.memref_slice %arg9[%add3A_348, %dma_start3A_355] : memref<80x128xi32, #tpu.memory_space<vmem>> -> memref<1x128xi32, #tpu.memory_space<vmem>>
      %dma_start3A_357 = tpu.memref_squeeze %dma_start3A_356 : memref<1x128xi32, #tpu.memory_space<vmem>> -> memref<128xi32, #tpu.memory_space<vmem>>
      %dma_start3A_358 = arith.constant 0 : i32
      %dma_start3A_359 = arith.constant 0 : i32
      %dma_start3A_360 = tpu.memref_slice %arg34[%dma_start3A_358, %dma_start3A_359] : memref<10112x64xf32, #tpu.memory_space<vmem_shared>> -> memref<10112x64xf32, #tpu.memory_space<vmem_shared>>
      tpu.enqueue_indirect_dma source(%arg15 : memref<128x64xf32, #tpu.memory_space<vmem>>) target(%dma_start3A_360 : memref<10112x64xf32, #tpu.memory_space<vmem_shared>>) offsets(%dma_start3A_357 : memref<128xi32, #tpu.memory_space<vmem>>) semaphore(%arg31 : memref<!tpu.dma_semaphore, #tpu.memory_space<semaphore_mem>>) {add = true}
      %ge3A_361 = arith.constant 4 : i32
      %ge3A_362 = arith.cmpi sge, %add3A_348, %ge3A_361 : i32
      %add3A_363 = arith.constant 4 : i32
      %add3A_364 = arith.addi %add3A_348, %add3A_363 : i32
      %lt3A_365 = arith.constant 80 : i32
      %lt3A_366 = arith.cmpi slt, %add3A_364, %lt3A_365 : i32
      %and3A_367 = arith.andi %ge3A_362, %lt3A_366 : i1
      %convert_element_type3A_368 = arith.extui %and3A_367 : i1 to i32
      %cond3A_369 = arith.constant 0 : i32
      %cond3A_370 = arith.cmpi ne, %convert_element_type3A_368, %cond3A_369 : i32
      scf.if %cond3A_370 {
        %dma_wait3A_444 = arith.constant 0 : i32
        %dma_wait3A_445 = arith.constant 0 : i32
        %dma_wait3A_446 = tpu.memref_slice %arg34[%dma_wait3A_444, %dma_wait3A_445] : memref<10112x64xf32, #tpu.memory_space<vmem_shared>> -> memref<128x64xf32, #tpu.memory_space<vmem_shared>>
        %dma_wait3A_447 = arith.constant 0 : i32
        %dma_wait3A_448 = arith.constant 0 : i32
        %dma_wait3A_449 = tpu.memref_slice %arg34[%dma_wait3A_447, %dma_wait3A_448] : memref<10112x64xf32, #tpu.memory_space<vmem_shared>> -> memref<128x64xf32, #tpu.memory_space<vmem_shared>>
        tpu.wait_dma2 semaphore(%arg27 : memref<!tpu.dma_semaphore, #tpu.memory_space<semaphore_mem>>) src(%arg11 : memref<128x64xf32, #tpu.memory_space<vmem>>) dst(%dma_wait3A_449 : memref<128x64xf32, #tpu.memory_space<vmem_shared>>)
      } else {
      }
      %add3A_371 = arith.constant 4 : i32
      %add3A_372 = arith.addi %add3A_348, %add3A_371 : i32
      %lt3A_373 = arith.constant 80 : i32
      %lt3A_374 = arith.cmpi slt, %add3A_372, %lt3A_373 : i32
      %convert_element_type3A_375 = arith.extui %lt3A_374 : i1 to i32
      %cond3A_376 = arith.constant 0 : i32
      %cond3A_377 = arith.cmpi ne, %convert_element_type3A_375, %cond3A_376 : i32
      scf.if %cond3A_377 {
        %add3A_444 = arith.constant 4 : i32
        %add3A_445 = arith.addi %add3A_348, %add3A_444 : i32
        %dma_start3A_446 = arith.constant 0 : i32
        %dma_start3A_447 = tpu.memref_slice %arg8[%add3A_445, %dma_start3A_446] : memref<80x128xi32, #tpu.memory_space<vmem>> -> memref<1x128xi32, #tpu.memory_space<vmem>>
        %dma_start3A_448 = tpu.memref_squeeze %dma_start3A_447 : memref<1x128xi32, #tpu.memory_space<vmem>> -> memref<128xi32, #tpu.memory_space<vmem>>
        %dma_start3A_449 = arith.constant 0 : i32
        %dma_start3A_450 = arith.constant 0 : i32
        %dma_start3A_451 = tpu.memref_slice %arg2[%dma_start3A_449, %dma_start3A_450] : memref<12048x64xf32, #tpu.memory_space<hbm>> -> memref<12048x64xf32, #tpu.memory_space<hbm>>
        tpu.enqueue_indirect_dma source(%dma_start3A_451 : memref<12048x64xf32, #tpu.memory_space<hbm>>) target(%arg11 : memref<128x64xf32, #tpu.memory_space<vmem>>) offsets(%dma_start3A_448 : memref<128xi32, #tpu.memory_space<vmem>>) semaphore(%arg19 : memref<!tpu.dma_semaphore, #tpu.memory_space<semaphore_mem>>)
      } else {
      }
      %mul3A_378 = arith.constant 8 : i32
      %mul3A_379 = arith.muli %scan3A_184, %mul3A_378 : i32
      %add3A_380 = arith.constant 6 : i32
      %add3A_381 = arith.addi %mul3A_379, %add3A_380 : i32
      %dma_wait3A_382 = arith.constant 0 : i32
      %dma_wait3A_383 = arith.constant 0 : i32
      %dma_wait3A_384 = tpu.memref_slice %arg2[%dma_wait3A_382, %dma_wait3A_383] : memref<12048x64xf32, #tpu.memory_space<hbm>> -> memref<128x64xf32, #tpu.memory_space<hbm>>
      %dma_wait3A_385 = arith.constant 0 : i32
      %dma_wait3A_386 = arith.constant 0 : i32
      %dma_wait3A_387 = tpu.memref_slice %arg2[%dma_wait3A_385, %dma_wait3A_386] : memref<12048x64xf32, #tpu.memory_space<hbm>> -> memref<128x64xf32, #tpu.memory_space<hbm>>
      tpu.wait_dma2 semaphore(%arg24 : memref<!tpu.dma_semaphore, #tpu.memory_space<semaphore_mem>>) src(%dma_wait3A_387 : memref<128x64xf32, #tpu.memory_space<hbm>>) dst(%arg16 : memref<128x64xf32, #tpu.memory_space<vmem>>)
      %dma_start3A_388 = arith.constant 0 : i32
      %dma_start3A_389 = tpu.memref_slice %arg9[%add3A_381, %dma_start3A_388] : memref<80x128xi32, #tpu.memory_space<vmem>> -> memref<1x128xi32, #tpu.memory_space<vmem>>
      %dma_start3A_390 = tpu.memref_squeeze %dma_start3A_389 : memref<1x128xi32, #tpu.memory_space<vmem>> -> memref<128xi32, #tpu.memory_space<vmem>>
      %dma_start3A_391 = arith.constant 0 : i32
      %dma_start3A_392 = arith.constant 0 : i32
      %dma_start3A_393 = tpu.memref_slice %arg34[%dma_start3A_391, %dma_start3A_392] : memref<10112x64xf32, #tpu.memory_space<vmem_shared>> -> memref<10112x64xf32, #tpu.memory_space<vmem_shared>>
      tpu.enqueue_indirect_dma source(%arg16 : memref<128x64xf32, #tpu.memory_space<vmem>>) target(%dma_start3A_393 : memref<10112x64xf32, #tpu.memory_space<vmem_shared>>) offsets(%dma_start3A_390 : memref<128xi32, #tpu.memory_space<vmem>>) semaphore(%arg32 : memref<!tpu.dma_semaphore, #tpu.memory_space<semaphore_mem>>) {add = true}
      %ge3A_394 = arith.constant 4 : i32
      %ge3A_395 = arith.cmpi sge, %add3A_381, %ge3A_394 : i32
      %add3A_396 = arith.constant 4 : i32
      %add3A_397 = arith.addi %add3A_381, %add3A_396 : i32
      %lt3A_398 = arith.constant 80 : i32
      %lt3A_399 = arith.cmpi slt, %add3A_397, %lt3A_398 : i32
      %and3A_400 = arith.andi %ge3A_395, %lt3A_399 : i1
      %convert_element_type3A_401 = arith.extui %and3A_400 : i1 to i32
      %cond3A_402 = arith.constant 0 : i32
      %cond3A_403 = arith.cmpi ne, %convert_element_type3A_401, %cond3A_402 : i32
      scf.if %cond3A_403 {
        %dma_wait3A_444 = arith.constant 0 : i32
        %dma_wait3A_445 = arith.constant 0 : i32
        %dma_wait3A_446 = tpu.memref_slice %arg34[%dma_wait3A_444, %dma_wait3A_445] : memref<10112x64xf32, #tpu.memory_space<vmem_shared>> -> memref<128x64xf32, #tpu.memory_space<vmem_shared>>
        %dma_wait3A_447 = arith.constant 0 : i32
        %dma_wait3A_448 = arith.constant 0 : i32
        %dma_wait3A_449 = tpu.memref_slice %arg34[%dma_wait3A_447, %dma_wait3A_448] : memref<10112x64xf32, #tpu.memory_space<vmem_shared>> -> memref<128x64xf32, #tpu.memory_space<vmem_shared>>
        tpu.wait_dma2 semaphore(%arg28 : memref<!tpu.dma_semaphore, #tpu.memory_space<semaphore_mem>>) src(%arg12 : memref<128x64xf32, #tpu.memory_space<vmem>>) dst(%dma_wait3A_449 : memref<128x64xf32, #tpu.memory_space<vmem_shared>>)
      } else {
      }
      %add3A_404 = arith.constant 4 : i32
      %add3A_405 = arith.addi %add3A_381, %add3A_404 : i32
      %lt3A_406 = arith.constant 80 : i32
      %lt3A_407 = arith.cmpi slt, %add3A_405, %lt3A_406 : i32
      %convert_element_type3A_408 = arith.extui %lt3A_407 : i1 to i32
      %cond3A_409 = arith.constant 0 : i32
      %cond3A_410 = arith.cmpi ne, %convert_element_type3A_408, %cond3A_409 : i32
      scf.if %cond3A_410 {
        %add3A_444 = arith.constant 4 : i32
        %add3A_445 = arith.addi %add3A_381, %add3A_444 : i32
        %dma_start3A_446 = arith.constant 0 : i32
        %dma_start3A_447 = tpu.memref_slice %arg8[%add3A_445, %dma_start3A_446] : memref<80x128xi32, #tpu.memory_space<vmem>> -> memref<1x128xi32, #tpu.memory_space<vmem>>
        %dma_start3A_448 = tpu.memref_squeeze %dma_start3A_447 : memref<1x128xi32, #tpu.memory_space<vmem>> -> memref<128xi32, #tpu.memory_space<vmem>>
        %dma_start3A_449 = arith.constant 0 : i32
        %dma_start3A_450 = arith.constant 0 : i32
        %dma_start3A_451 = tpu.memref_slice %arg2[%dma_start3A_449, %dma_start3A_450] : memref<12048x64xf32, #tpu.memory_space<hbm>> -> memref<12048x64xf32, #tpu.memory_space<hbm>>
        tpu.enqueue_indirect_dma source(%dma_start3A_451 : memref<12048x64xf32, #tpu.memory_space<hbm>>) target(%arg12 : memref<128x64xf32, #tpu.memory_space<vmem>>) offsets(%dma_start3A_448 : memref<128xi32, #tpu.memory_space<vmem>>) semaphore(%arg20 : memref<!tpu.dma_semaphore, #tpu.memory_space<semaphore_mem>>)
      } else {
      }
      %mul3A_411 = arith.constant 8 : i32
      %mul3A_412 = arith.muli %scan3A_184, %mul3A_411 : i32
      %add3A_413 = arith.constant 7 : i32
      %add3A_414 = arith.addi %mul3A_412, %add3A_413 : i32
      %dma_wait3A_415 = arith.constant 0 : i32
      %dma_wait3A_416 = arith.constant 0 : i32
      %dma_wait3A_417 = tpu.memref_slice %arg2[%dma_wait3A_415, %dma_wait3A_416] : memref<12048x64xf32, #tpu.memory_space<hbm>> -> memref<128x64xf32, #tpu.memory_space<hbm>>
      %dma_wait3A_418 = arith.constant 0 : i32
      %dma_wait3A_419 = arith.constant 0 : i32
      %dma_wait3A_420 = tpu.memref_slice %arg2[%dma_wait3A_418, %dma_wait3A_419] : memref<12048x64xf32, #tpu.memory_space<hbm>> -> memref<128x64xf32, #tpu.memory_space<hbm>>
      tpu.wait_dma2 semaphore(%arg25 : memref<!tpu.dma_semaphore, #tpu.memory_space<semaphore_mem>>) src(%dma_wait3A_420 : memref<128x64xf32, #tpu.memory_space<hbm>>) dst(%arg17 : memref<128x64xf32, #tpu.memory_space<vmem>>)
      %dma_start3A_421 = arith.constant 0 : i32
      %dma_start3A_422 = tpu.memref_slice %arg9[%add3A_414, %dma_start3A_421] : memref<80x128xi32, #tpu.memory_space<vmem>> -> memref<1x128xi32, #tpu.memory_space<vmem>>
      %dma_start3A_423 = tpu.memref_squeeze %dma_start3A_422 : memref<1x128xi32, #tpu.memory_space<vmem>> -> memref<128xi32, #tpu.memory_space<vmem>>
      %dma_start3A_424 = arith.constant 0 : i32
      %dma_start3A_425 = arith.constant 0 : i32
      %dma_start3A_426 = tpu.memref_slice %arg34[%dma_start3A_424, %dma_start3A_425] : memref<10112x64xf32, #tpu.memory_space<vmem_shared>> -> memref<10112x64xf32, #tpu.memory_space<vmem_shared>>
      tpu.enqueue_indirect_dma source(%arg17 : memref<128x64xf32, #tpu.memory_space<vmem>>) target(%dma_start3A_426 : memref<10112x64xf32, #tpu.memory_space<vmem_shared>>) offsets(%dma_start3A_423 : memref<128xi32, #tpu.memory_space<vmem>>) semaphore(%arg33 : memref<!tpu.dma_semaphore, #tpu.memory_space<semaphore_mem>>) {add = true}
      %ge3A_427 = arith.constant 4 : i32
      %ge3A_428 = arith.cmpi sge, %add3A_414, %ge3A_427 : i32
      %add3A_429 = arith.constant 4 : i32
      %add3A_430 = arith.addi %add3A_414, %add3A_429 : i32
      %lt3A_431 = arith.constant 80 : i32
      %lt3A_432 = arith.cmpi slt, %add3A_430, %lt3A_431 : i32
      %and3A_433 = arith.andi %ge3A_428, %lt3A_432 : i1
      %convert_element_type3A_434 = arith.extui %and3A_433 : i1 to i32
      %cond3A_435 = arith.constant 0 : i32
      %cond3A_436 = arith.cmpi ne, %convert_element_type3A_434, %cond3A_435 : i32
      scf.if %cond3A_436 {
        %dma_wait3A_444 = arith.constant 0 : i32
        %dma_wait3A_445 = arith.constant 0 : i32
        %dma_wait3A_446 = tpu.memref_slice %arg34[%dma_wait3A_444, %dma_wait3A_445] : memref<10112x64xf32, #tpu.memory_space<vmem_shared>> -> memref<128x64xf32, #tpu.memory_space<vmem_shared>>
        %dma_wait3A_447 = arith.constant 0 : i32
        %dma_wait3A_448 = arith.constant 0 : i32
        %dma_wait3A_449 = tpu.memref_slice %arg34[%dma_wait3A_447, %dma_wait3A_448] : memref<10112x64xf32, #tpu.memory_space<vmem_shared>> -> memref<128x64xf32, #tpu.memory_space<vmem_shared>>
        tpu.wait_dma2 semaphore(%arg29 : memref<!tpu.dma_semaphore, #tpu.memory_space<semaphore_mem>>) src(%arg13 : memref<128x64xf32, #tpu.memory_space<vmem>>) dst(%dma_wait3A_449 : memref<128x64xf32, #tpu.memory_space<vmem_shared>>)
      } else {
      }
      %add3A_437 = arith.constant 4 : i32
      %add3A_438 = arith.addi %add3A_414, %add3A_437 : i32
      %lt3A_439 = arith.constant 80 : i32
      %lt3A_440 = arith.cmpi slt, %add3A_438, %lt3A_439 : i32
      %convert_element_type3A_441 = arith.extui %lt3A_440 : i1 to i32
      %cond3A_442 = arith.constant 0 : i32
      %cond3A_443 = arith.cmpi ne, %convert_element_type3A_441, %cond3A_442 : i32
      scf.if %cond3A_443 {
        %add3A_444 = arith.constant 4 : i32
        %add3A_445 = arith.addi %add3A_414, %add3A_444 : i32
        %dma_start3A_446 = arith.constant 0 : i32
        %dma_start3A_447 = tpu.memref_slice %arg8[%add3A_445, %dma_start3A_446] : memref<80x128xi32, #tpu.memory_space<vmem>> -> memref<1x128xi32, #tpu.memory_space<vmem>>
        %dma_start3A_448 = tpu.memref_squeeze %dma_start3A_447 : memref<1x128xi32, #tpu.memory_space<vmem>> -> memref<128xi32, #tpu.memory_space<vmem>>
        %dma_start3A_449 = arith.constant 0 : i32
        %dma_start3A_450 = arith.constant 0 : i32
        %dma_start3A_451 = tpu.memref_slice %arg2[%dma_start3A_449, %dma_start3A_450] : memref<12048x64xf32, #tpu.memory_space<hbm>> -> memref<12048x64xf32, #tpu.memory_space<hbm>>
        tpu.enqueue_indirect_dma source(%dma_start3A_451 : memref<12048x64xf32, #tpu.memory_space<hbm>>) target(%arg13 : memref<128x64xf32, #tpu.memory_space<vmem>>) offsets(%dma_start3A_448 : memref<128xi32, #tpu.memory_space<vmem>>) semaphore(%arg21 : memref<!tpu.dma_semaphore, #tpu.memory_space<semaphore_mem>>)
      } else {
      }
    }
    %scan3A_38 = arith.constant 10 : i32
    %dma_wait3A = arith.constant 0 : i32
    %dma_wait3A_39 = arith.constant 0 : i32
    %dma_wait3A_40 = tpu.memref_slice %arg34[%dma_wait3A, %dma_wait3A_39] : memref<10112x64xf32, #tpu.memory_space<vmem_shared>> -> memref<128x64xf32, #tpu.memory_space<vmem_shared>>
    %dma_wait3A_41 = arith.constant 0 : i32
    %dma_wait3A_42 = arith.constant 0 : i32
    %dma_wait3A_43 = tpu.memref_slice %arg34[%dma_wait3A_41, %dma_wait3A_42] : memref<10112x64xf32, #tpu.memory_space<vmem_shared>> -> memref<128x64xf32, #tpu.memory_space<vmem_shared>>
    tpu.wait_dma2 semaphore(%arg26 : memref<!tpu.dma_semaphore, #tpu.memory_space<semaphore_mem>>) src(%arg10 : memref<128x64xf32, #tpu.memory_space<vmem>>) dst(%dma_wait3A_43 : memref<128x64xf32, #tpu.memory_space<vmem_shared>>)
    %dma_wait3A_44 = arith.constant 0 : i32
    %dma_wait3A_45 = arith.constant 0 : i32
    %dma_wait3A_46 = tpu.memref_slice %arg34[%dma_wait3A_44, %dma_wait3A_45] : memref<10112x64xf32, #tpu.memory_space<vmem_shared>> -> memref<128x64xf32, #tpu.memory_space<vmem_shared>>
    %dma_wait3A_47 = arith.constant 0 : i32
    %dma_wait3A_48 = arith.constant 0 : i32
    %dma_wait3A_49 = tpu.memref_slice %arg34[%dma_wait3A_47, %dma_wait3A_48] : memref<10112x64xf32, #tpu.memory_space<vmem_shared>> -> memref<128x64xf32, #tpu.memory_space<vmem_shared>>
    tpu.wait_dma2 semaphore(%arg27 : memref<!tpu.dma_semaphore, #tpu.memory_space<semaphore_mem>>) src(%arg11 : memref<128x64xf32, #tpu.memory_space<vmem>>) dst(%dma_wait3A_49 : memref<128x64xf32, #tpu.memory_space<vmem_shared>>)
    %dma_wait3A_50 = arith.constant 0 : i32
    %dma_wait3A_51 = arith.constant 0 : i32
    %dma_wait3A_52 = tpu.memref_slice %arg34[%dma_wait3A_50, %dma_wait3A_51] : memref<10112x64xf32, #tpu.memory_space<vmem_shared>> -> memref<128x64xf32, #tpu.memory_space<vmem_shared>>
    %dma_wait3A_53 = arith.constant 0 : i32
    %dma_wait3A_54 = arith.constant 0 : i32
    %dma_wait3A_55 = tpu.memref_slice %arg34[%dma_wait3A_53, %dma_wait3A_54] : memref<10112x64xf32, #tpu.memory_space<vmem_shared>> -> memref<128x64xf32, #tpu.memory_space<vmem_shared>>
    tpu.wait_dma2 semaphore(%arg28 : memref<!tpu.dma_semaphore, #tpu.memory_space<semaphore_mem>>) src(%arg12 : memref<128x64xf32, #tpu.memory_space<vmem>>) dst(%dma_wait3A_55 : memref<128x64xf32, #tpu.memory_space<vmem_shared>>)
    %dma_wait3A_56 = arith.constant 0 : i32
    %dma_wait3A_57 = arith.constant 0 : i32
    %dma_wait3A_58 = tpu.memref_slice %arg34[%dma_wait3A_56, %dma_wait3A_57] : memref<10112x64xf32, #tpu.memory_space<vmem_shared>> -> memref<128x64xf32, #tpu.memory_space<vmem_shared>>
    %dma_wait3A_59 = arith.constant 0 : i32
    %dma_wait3A_60 = arith.constant 0 : i32
    %dma_wait3A_61 = tpu.memref_slice %arg34[%dma_wait3A_59, %dma_wait3A_60] : memref<10112x64xf32, #tpu.memory_space<vmem_shared>> -> memref<128x64xf32, #tpu.memory_space<vmem_shared>>
    tpu.wait_dma2 semaphore(%arg29 : memref<!tpu.dma_semaphore, #tpu.memory_space<semaphore_mem>>) src(%arg13 : memref<128x64xf32, #tpu.memory_space<vmem>>) dst(%dma_wait3A_61 : memref<128x64xf32, #tpu.memory_space<vmem_shared>>)
    %dma_wait3A_62 = arith.constant 0 : i32
    %dma_wait3A_63 = arith.constant 0 : i32
    %dma_wait3A_64 = tpu.memref_slice %arg34[%dma_wait3A_62, %dma_wait3A_63] : memref<10112x64xf32, #tpu.memory_space<vmem_shared>> -> memref<128x64xf32, #tpu.memory_space<vmem_shared>>
    %dma_wait3A_65 = arith.constant 0 : i32
    %dma_wait3A_66 = arith.constant 0 : i32
    %dma_wait3A_67 = tpu.memref_slice %arg34[%dma_wait3A_65, %dma_wait3A_66] : memref<10112x64xf32, #tpu.memory_space<vmem_shared>> -> memref<128x64xf32, #tpu.memory_space<vmem_shared>>
    tpu.wait_dma2 semaphore(%arg30 : memref<!tpu.dma_semaphore, #tpu.memory_space<semaphore_mem>>) src(%arg14 : memref<128x64xf32, #tpu.memory_space<vmem>>) dst(%dma_wait3A_67 : memref<128x64xf32, #tpu.memory_space<vmem_shared>>)
    %dma_wait3A_68 = arith.constant 0 : i32
    %dma_wait3A_69 = arith.constant 0 : i32
    %dma_wait3A_70 = tpu.memref_slice %arg34[%dma_wait3A_68, %dma_wait3A_69] : memref<10112x64xf32, #tpu.memory_space<vmem_shared>> -> memref<128x64xf32, #tpu.memory_space<vmem_shared>>
    %dma_wait3A_71 = arith.constant 0 : i32
    %dma_wait3A_72 = arith.constant 0 : i32
    %dma_wait3A_73 = tpu.memref_slice %arg34[%dma_wait3A_71, %dma_wait3A_72] : memref<10112x64xf32, #tpu.memory_space<vmem_shared>> -> memref<128x64xf32, #tpu.memory_space<vmem_shared>>
    tpu.wait_dma2 semaphore(%arg31 : memref<!tpu.dma_semaphore, #tpu.memory_space<semaphore_mem>>) src(%arg15 : memref<128x64xf32, #tpu.memory_space<vmem>>) dst(%dma_wait3A_73 : memref<128x64xf32, #tpu.memory_space<vmem_shared>>)
    %dma_wait3A_74 = arith.constant 0 : i32
    %dma_wait3A_75 = arith.constant 0 : i32
    %dma_wait3A_76 = tpu.memref_slice %arg34[%dma_wait3A_74, %dma_wait3A_75] : memref<10112x64xf32, #tpu.memory_space<vmem_shared>> -> memref<128x64xf32, #tpu.memory_space<vmem_shared>>
    %dma_wait3A_77 = arith.constant 0 : i32
    %dma_wait3A_78 = arith.constant 0 : i32
    %dma_wait3A_79 = tpu.memref_slice %arg34[%dma_wait3A_77, %dma_wait3A_78] : memref<10112x64xf32, #tpu.memory_space<vmem_shared>> -> memref<128x64xf32, #tpu.memory_space<vmem_shared>>
    tpu.wait_dma2 semaphore(%arg32 : memref<!tpu.dma_semaphore, #tpu.memory_space<semaphore_mem>>) src(%arg16 : memref<128x64xf32, #tpu.memory_space<vmem>>) dst(%dma_wait3A_79 : memref<128x64xf32, #tpu.memory_space<vmem_shared>>)
    %dma_wait3A_80 = arith.constant 0 : i32
    %dma_wait3A_81 = arith.constant 0 : i32
    %dma_wait3A_82 = tpu.memref_slice %arg34[%dma_wait3A_80, %dma_wait3A_81] : memref<10112x64xf32, #tpu.memory_space<vmem_shared>> -> memref<128x64xf32, #tpu.memory_space<vmem_shared>>
    %dma_wait3A_83 = arith.constant 0 : i32
    %dma_wait3A_84 = arith.constant 0 : i32
    %dma_wait3A_85 = tpu.memref_slice %arg34[%dma_wait3A_83, %dma_wait3A_84] : memref<10112x64xf32, #tpu.memory_space<vmem_shared>> -> memref<128x64xf32, #tpu.memory_space<vmem_shared>>
    tpu.wait_dma2 semaphore(%arg33 : memref<!tpu.dma_semaphore, #tpu.memory_space<semaphore_mem>>) src(%arg17 : memref<128x64xf32, #tpu.memory_space<vmem>>) dst(%dma_wait3A_85 : memref<128x64xf32, #tpu.memory_space<vmem_shared>>)
    %barrier3A_86 = arith.constant 0 : index
    tpu.barrier barrier_id(%barrier3A_86)
    %mul3A_87 = arith.constant 632 : i32
    %mul3A_88 = arith.muli %arg1, %mul3A_87 : i32
    %mul3A_89 = arith.constant 632 : i32
    %mul3A_90 = arith.muli %arg1, %mul3A_89 : i32
    %run_scoped3A = arith.constant 0 : i32
    "tpu.region"() ({
      %run_scoped3A_184 = tpu.sem_alloc : memref<!tpu.dma_semaphore, #tpu.memory_space<semaphore_mem>>
      %dma_start3A_185 = arith.constant 0 : i32
      %dma_start3A_186 = tpu.memref_slice %arg7[%run_scoped3A, %arg0, %mul3A_90, %dma_start3A_185] : memref<2x2x10112x64xf32, #tpu.memory_space<hbm>> -> memref<1x1x632x64xf32, #tpu.memory_space<hbm>>
      %dma_start3A_187 = tpu.memref_squeeze %dma_start3A_186 : memref<1x1x632x64xf32, #tpu.memory_space<hbm>> -> memref<632x64xf32, #tpu.memory_space<hbm>>
      %dma_start3A_188 = arith.constant 0 : i32
      %dma_start3A_189 = tpu.memref_slice %arg34[%mul3A_88, %dma_start3A_188] : memref<10112x64xf32, #tpu.memory_space<vmem_shared>> -> memref<632x64xf32, #tpu.memory_space<vmem_shared>>
      tpu.enqueue_dma source(%dma_start3A_189 : memref<632x64xf32, #tpu.memory_space<vmem_shared>>) target(%dma_start3A_187 : memref<632x64xf32, #tpu.memory_space<hbm>>) target_semaphore(%run_scoped3A_184 : memref<!tpu.dma_semaphore, #tpu.memory_space<semaphore_mem>>)
      %dma_wait3A_190 = arith.constant 0 : i32
      %dma_wait3A_191 = tpu.memref_slice %arg7[%run_scoped3A, %arg0, %mul3A_90, %dma_wait3A_190] : memref<2x2x10112x64xf32, #tpu.memory_space<hbm>> -> memref<1x1x632x64xf32, #tpu.memory_space<hbm>>
      %dma_wait3A_192 = tpu.memref_squeeze %dma_wait3A_191 : memref<1x1x632x64xf32, #tpu.memory_space<hbm>> -> memref<632x64xf32, #tpu.memory_space<hbm>>
      %dma_wait3A_193 = arith.constant 0 : i32
      %dma_wait3A_194 = tpu.memref_slice %arg34[%mul3A_88, %dma_wait3A_193] : memref<10112x64xf32, #tpu.memory_space<vmem_shared>> -> memref<632x64xf32, #tpu.memory_space<vmem_shared>>
      tpu.wait_dma2 semaphore(%run_scoped3A_184 : memref<!tpu.dma_semaphore, #tpu.memory_space<semaphore_mem>>) src(%dma_wait3A_194 : memref<632x64xf32, #tpu.memory_space<vmem_shared>>) dst(%dma_wait3A_192 : memref<632x64xf32, #tpu.memory_space<hbm>>)
      tpu.yield
    }) : () -> ()
    %mul3A_91 = arith.constant 632 : i32
    %mul3A_92 = arith.muli %arg1, %mul3A_91 : i32
    "tpu.region"() ({
      %run_scoped3A_184 = tpu.sem_alloc : memref<!tpu.dma_semaphore, #tpu.memory_space<semaphore_mem>>
      %dma_start3A_185 = arith.constant 0 : i32
      %dma_start3A_186 = tpu.memref_slice %arg34[%mul3A_92, %dma_start3A_185] : memref<10112x64xf32, #tpu.memory_space<vmem_shared>> -> memref<632x64xf32, #tpu.memory_space<vmem_shared>>
      tpu.enqueue_dma source(%arg6 : memref<632x64xf32, #tpu.memory_space<hbm>>) target(%dma_start3A_186 : memref<632x64xf32, #tpu.memory_space<vmem_shared>>) target_semaphore(%run_scoped3A_184 : memref<!tpu.dma_semaphore, #tpu.memory_space<semaphore_mem>>)
      %dma_wait3A_187 = arith.constant 0 : i32
      %dma_wait3A_188 = tpu.memref_slice %arg34[%mul3A_92, %dma_wait3A_187] : memref<10112x64xf32, #tpu.memory_space<vmem_shared>> -> memref<632x64xf32, #tpu.memory_space<vmem_shared>>
      tpu.wait_dma2 semaphore(%run_scoped3A_184 : memref<!tpu.dma_semaphore, #tpu.memory_space<semaphore_mem>>) src(%arg6 : memref<632x64xf32, #tpu.memory_space<hbm>>) dst(%dma_wait3A_188 : memref<632x64xf32, #tpu.memory_space<vmem_shared>>)
      tpu.yield
    }) : () -> ()
    %barrier3A_93 = arith.constant 0 : index
    tpu.barrier barrier_id(%barrier3A_93)
    %add3A_94 = arith.constant 0 : i32
    %add3A_95 = arith.addi %mul3A_2, %add3A_94 : i32
    "tpu.region"() ({
      %run_scoped3A_184 = tpu.sem_alloc : memref<!tpu.dma_semaphore, #tpu.memory_space<semaphore_mem>>
      %dma_start3A_185 = arith.constant 0 : i32
      %dma_start3A_186 = tpu.memref_slice %arg4[%add3A_95, %dma_start3A_185] : memref<2560x128xi32, #tpu.memory_space<hbm>> -> memref<80x128xi32, #tpu.memory_space<hbm>>
      %dma_start3A_187 = arith.constant 0 : i32
      %dma_start3A_188 = tpu.memref_slice %arg4[%add3A_95, %dma_start3A_187] : memref<2560x128xi32, #tpu.memory_space<hbm>> -> memref<80x128xi32, #tpu.memory_space<hbm>>
      tpu.enqueue_dma source(%dma_start3A_188 : memref<80x128xi32, #tpu.memory_space<hbm>>) target(%arg8 : memref<80x128xi32, #tpu.memory_space<vmem>>) target_semaphore(%run_scoped3A_184 : memref<!tpu.dma_semaphore, #tpu.memory_space<semaphore_mem>>)
      %dma_wait3A_189 = arith.constant 0 : i32
      %dma_wait3A_190 = tpu.memref_slice %arg4[%add3A_95, %dma_wait3A_189] : memref<2560x128xi32, #tpu.memory_space<hbm>> -> memref<80x128xi32, #tpu.memory_space<hbm>>
      %dma_wait3A_191 = arith.constant 0 : i32
      %dma_wait3A_192 = tpu.memref_slice %arg4[%add3A_95, %dma_wait3A_191] : memref<2560x128xi32, #tpu.memory_space<hbm>> -> memref<80x128xi32, #tpu.memory_space<hbm>>
      tpu.wait_dma2 semaphore(%run_scoped3A_184 : memref<!tpu.dma_semaphore, #tpu.memory_space<semaphore_mem>>) src(%dma_wait3A_192 : memref<80x128xi32, #tpu.memory_space<hbm>>) dst(%arg8 : memref<80x128xi32, #tpu.memory_space<vmem>>)
      tpu.yield
    }) : () -> ()
    "tpu.region"() ({
      %run_scoped3A_184 = tpu.sem_alloc : memref<!tpu.dma_semaphore, #tpu.memory_space<semaphore_mem>>
      %dma_start3A_185 = arith.constant 0 : i32
      %dma_start3A_186 = tpu.memref_slice %arg5[%add3A_95, %dma_start3A_185] : memref<2560x128xi32, #tpu.memory_space<hbm>> -> memref<80x128xi32, #tpu.memory_space<hbm>>
      %dma_start3A_187 = arith.constant 0 : i32
      %dma_start3A_188 = tpu.memref_slice %arg5[%add3A_95, %dma_start3A_187] : memref<2560x128xi32, #tpu.memory_space<hbm>> -> memref<80x128xi32, #tpu.memory_space<hbm>>
      tpu.enqueue_dma source(%dma_start3A_188 : memref<80x128xi32, #tpu.memory_space<hbm>>) target(%arg9 : memref<80x128xi32, #tpu.memory_space<vmem>>) target_semaphore(%run_scoped3A_184 : memref<!tpu.dma_semaphore, #tpu.memory_space<semaphore_mem>>)
      %dma_wait3A_189 = arith.constant 0 : i32
      %dma_wait3A_190 = tpu.memref_slice %arg5[%add3A_95, %dma_wait3A_189] : memref<2560x128xi32, #tpu.memory_space<hbm>> -> memref<80x128xi32, #tpu.memory_space<hbm>>
      %dma_wait3A_191 = arith.constant 0 : i32
      %dma_wait3A_192 = tpu.memref_slice %arg5[%add3A_95, %dma_wait3A_191] : memref<2560x128xi32, #tpu.memory_space<hbm>> -> memref<80x128xi32, #tpu.memory_space<hbm>>
      tpu.wait_dma2 semaphore(%run_scoped3A_184 : memref<!tpu.dma_semaphore, #tpu.memory_space<semaphore_mem>>) src(%dma_wait3A_192 : memref<80x128xi32, #tpu.memory_space<hbm>>) dst(%arg9 : memref<80x128xi32, #tpu.memory_space<vmem>>)
      tpu.yield
    }) : () -> ()
    %dma_start3A_96 = arith.constant 0 : i32
    %dma_start3A_97 = arith.constant 0 : i32
    %dma_start3A_98 = tpu.memref_slice %arg8[%dma_start3A_96, %dma_start3A_97] : memref<80x128xi32, #tpu.memory_space<vmem>> -> memref<1x128xi32, #tpu.memory_space<vmem>>
    %dma_start3A_99 = tpu.memref_squeeze %dma_start3A_98 : memref<1x128xi32, #tpu.memory_space<vmem>> -> memref<128xi32, #tpu.memory_space<vmem>>
    %dma_start3A_100 = arith.constant 0 : i32
    %dma_start3A_101 = arith.constant 0 : i32
    %dma_start3A_102 = tpu.memref_slice %arg3[%dma_start3A_100, %dma_start3A_101] : memref<12048x64xf32, #tpu.memory_space<hbm>> -> memref<12048x64xf32, #tpu.memory_space<hbm>>
    tpu.enqueue_indirect_dma source(%dma_start3A_102 : memref<12048x64xf32, #tpu.memory_space<hbm>>) target(%arg10 : memref<128x64xf32, #tpu.memory_space<vmem>>) offsets(%dma_start3A_99 : memref<128xi32, #tpu.memory_space<vmem>>) semaphore(%arg18 : memref<!tpu.dma_semaphore, #tpu.memory_space<semaphore_mem>>)
    %dma_start3A_103 = arith.constant 1 : i32
    %dma_start3A_104 = arith.constant 0 : i32
    %dma_start3A_105 = tpu.memref_slice %arg8[%dma_start3A_103, %dma_start3A_104] : memref<80x128xi32, #tpu.memory_space<vmem>> -> memref<1x128xi32, #tpu.memory_space<vmem>>
    %dma_start3A_106 = tpu.memref_squeeze %dma_start3A_105 : memref<1x128xi32, #tpu.memory_space<vmem>> -> memref<128xi32, #tpu.memory_space<vmem>>
    %dma_start3A_107 = arith.constant 0 : i32
    %dma_start3A_108 = arith.constant 0 : i32
    %dma_start3A_109 = tpu.memref_slice %arg3[%dma_start3A_107, %dma_start3A_108] : memref<12048x64xf32, #tpu.memory_space<hbm>> -> memref<12048x64xf32, #tpu.memory_space<hbm>>
    tpu.enqueue_indirect_dma source(%dma_start3A_109 : memref<12048x64xf32, #tpu.memory_space<hbm>>) target(%arg11 : memref<128x64xf32, #tpu.memory_space<vmem>>) offsets(%dma_start3A_106 : memref<128xi32, #tpu.memory_space<vmem>>) semaphore(%arg19 : memref<!tpu.dma_semaphore, #tpu.memory_space<semaphore_mem>>)
    %dma_start3A_110 = arith.constant 2 : i32
    %dma_start3A_111 = arith.constant 0 : i32
    %dma_start3A_112 = tpu.memref_slice %arg8[%dma_start3A_110, %dma_start3A_111] : memref<80x128xi32, #tpu.memory_space<vmem>> -> memref<1x128xi32, #tpu.memory_space<vmem>>
    %dma_start3A_113 = tpu.memref_squeeze %dma_start3A_112 : memref<1x128xi32, #tpu.memory_space<vmem>> -> memref<128xi32, #tpu.memory_space<vmem>>
    %dma_start3A_114 = arith.constant 0 : i32
    %dma_start3A_115 = arith.constant 0 : i32
    %dma_start3A_116 = tpu.memref_slice %arg3[%dma_start3A_114, %dma_start3A_115] : memref<12048x64xf32, #tpu.memory_space<hbm>> -> memref<12048x64xf32, #tpu.memory_space<hbm>>
    tpu.enqueue_indirect_dma source(%dma_start3A_116 : memref<12048x64xf32, #tpu.memory_space<hbm>>) target(%arg12 : memref<128x64xf32, #tpu.memory_space<vmem>>) offsets(%dma_start3A_113 : memref<128xi32, #tpu.memory_space<vmem>>) semaphore(%arg20 : memref<!tpu.dma_semaphore, #tpu.memory_space<semaphore_mem>>)
    %dma_start3A_117 = arith.constant 3 : i32
    %dma_start3A_118 = arith.constant 0 : i32
    %dma_start3A_119 = tpu.memref_slice %arg8[%dma_start3A_117, %dma_start3A_118] : memref<80x128xi32, #tpu.memory_space<vmem>> -> memref<1x128xi32, #tpu.memory_space<vmem>>
    %dma_start3A_120 = tpu.memref_squeeze %dma_start3A_119 : memref<1x128xi32, #tpu.memory_space<vmem>> -> memref<128xi32, #tpu.memory_space<vmem>>
    %dma_start3A_121 = arith.constant 0 : i32
    %dma_start3A_122 = arith.constant 0 : i32
    %dma_start3A_123 = tpu.memref_slice %arg3[%dma_start3A_121, %dma_start3A_122] : memref<12048x64xf32, #tpu.memory_space<hbm>> -> memref<12048x64xf32, #tpu.memory_space<hbm>>
    tpu.enqueue_indirect_dma source(%dma_start3A_123 : memref<12048x64xf32, #tpu.memory_space<hbm>>) target(%arg13 : memref<128x64xf32, #tpu.memory_space<vmem>>) offsets(%dma_start3A_120 : memref<128xi32, #tpu.memory_space<vmem>>) semaphore(%arg21 : memref<!tpu.dma_semaphore, #tpu.memory_space<semaphore_mem>>)
    %scan3A_124 = arith.constant 0 : i32
    %scan3A_125 = arith.constant 0 : i32
    %scan3A_126 = arith.constant 10 : i32
    %scan3A_127 = arith.addi %scan3A_125, %scan3A_126 : i32
    %scan3A_128 = arith.constant 1 : i32
    scf.for %scan3A_184 = %scan3A_125 to %scan3A_127 step %scan3A_128  : i32 {
      %mul3A_185 = arith.constant 8 : i32
      %mul3A_186 = arith.muli %scan3A_184, %mul3A_185 : i32
      %add3A_187 = arith.constant 0 : i32
      %add3A_188 = arith.addi %mul3A_186, %add3A_187 : i32
      %dma_wait3A_189 = arith.constant 0 : i32
      %dma_wait3A_190 = arith.constant 0 : i32
      %dma_wait3A_191 = tpu.memref_slice %arg3[%dma_wait3A_189, %dma_wait3A_190] : memref<12048x64xf32, #tpu.memory_space<hbm>> -> memref<128x64xf32, #tpu.memory_space<hbm>>
      %dma_wait3A_192 = arith.constant 0 : i32
      %dma_wait3A_193 = arith.constant 0 : i32
      %dma_wait3A_194 = tpu.memref_slice %arg3[%dma_wait3A_192, %dma_wait3A_193] : memref<12048x64xf32, #tpu.memory_space<hbm>> -> memref<128x64xf32, #tpu.memory_space<hbm>>
      tpu.wait_dma2 semaphore(%arg18 : memref<!tpu.dma_semaphore, #tpu.memory_space<semaphore_mem>>) src(%dma_wait3A_194 : memref<128x64xf32, #tpu.memory_space<hbm>>) dst(%arg10 : memref<128x64xf32, #tpu.memory_space<vmem>>)
      %dma_start3A_195 = arith.constant 0 : i32
      %dma_start3A_196 = tpu.memref_slice %arg9[%add3A_188, %dma_start3A_195] : memref<80x128xi32, #tpu.memory_space<vmem>> -> memref<1x128xi32, #tpu.memory_space<vmem>>
      %dma_start3A_197 = tpu.memref_squeeze %dma_start3A_196 : memref<1x128xi32, #tpu.memory_space<vmem>> -> memref<128xi32, #tpu.memory_space<vmem>>
      %dma_start3A_198 = arith.constant 0 : i32
      %dma_start3A_199 = arith.constant 0 : i32
      %dma_start3A_200 = tpu.memref_slice %arg34[%dma_start3A_198, %dma_start3A_199] : memref<10112x64xf32, #tpu.memory_space<vmem_shared>> -> memref<10112x64xf32, #tpu.memory_space<vmem_shared>>
      tpu.enqueue_indirect_dma source(%arg10 : memref<128x64xf32, #tpu.memory_space<vmem>>) target(%dma_start3A_200 : memref<10112x64xf32, #tpu.memory_space<vmem_shared>>) offsets(%dma_start3A_197 : memref<128xi32, #tpu.memory_space<vmem>>) semaphore(%arg26 : memref<!tpu.dma_semaphore, #tpu.memory_space<semaphore_mem>>) {add = true}
      %ge3A = arith.constant 4 : i32
      %ge3A_201 = arith.cmpi sge, %add3A_188, %ge3A : i32
      %add3A_202 = arith.constant 4 : i32
      %add3A_203 = arith.addi %add3A_188, %add3A_202 : i32
      %lt3A = arith.constant 80 : i32
      %lt3A_204 = arith.cmpi slt, %add3A_203, %lt3A : i32
      %and3A = arith.andi %ge3A_201, %lt3A_204 : i1
      %convert_element_type3A = arith.extui %and3A : i1 to i32
      %cond3A = arith.constant 0 : i32
      %cond3A_205 = arith.cmpi ne, %convert_element_type3A, %cond3A : i32
      scf.if %cond3A_205 {
        %dma_wait3A_444 = arith.constant 0 : i32
        %dma_wait3A_445 = arith.constant 0 : i32
        %dma_wait3A_446 = tpu.memref_slice %arg34[%dma_wait3A_444, %dma_wait3A_445] : memref<10112x64xf32, #tpu.memory_space<vmem_shared>> -> memref<128x64xf32, #tpu.memory_space<vmem_shared>>
        %dma_wait3A_447 = arith.constant 0 : i32
        %dma_wait3A_448 = arith.constant 0 : i32
        %dma_wait3A_449 = tpu.memref_slice %arg34[%dma_wait3A_447, %dma_wait3A_448] : memref<10112x64xf32, #tpu.memory_space<vmem_shared>> -> memref<128x64xf32, #tpu.memory_space<vmem_shared>>
        tpu.wait_dma2 semaphore(%arg30 : memref<!tpu.dma_semaphore, #tpu.memory_space<semaphore_mem>>) src(%arg14 : memref<128x64xf32, #tpu.memory_space<vmem>>) dst(%dma_wait3A_449 : memref<128x64xf32, #tpu.memory_space<vmem_shared>>)
      } else {
      }
      %add3A_206 = arith.constant 4 : i32
      %add3A_207 = arith.addi %add3A_188, %add3A_206 : i32
      %lt3A_208 = arith.constant 80 : i32
      %lt3A_209 = arith.cmpi slt, %add3A_207, %lt3A_208 : i32
      %convert_element_type3A_210 = arith.extui %lt3A_209 : i1 to i32
      %cond3A_211 = arith.constant 0 : i32
      %cond3A_212 = arith.cmpi ne, %convert_element_type3A_210, %cond3A_211 : i32
      scf.if %cond3A_212 {
        %add3A_444 = arith.constant 4 : i32
        %add3A_445 = arith.addi %add3A_188, %add3A_444 : i32
        %dma_start3A_446 = arith.constant 0 : i32
        %dma_start3A_447 = tpu.memref_slice %arg8[%add3A_445, %dma_start3A_446] : memref<80x128xi32, #tpu.memory_space<vmem>> -> memref<1x128xi32, #tpu.memory_space<vmem>>
        %dma_start3A_448 = tpu.memref_squeeze %dma_start3A_447 : memref<1x128xi32, #tpu.memory_space<vmem>> -> memref<128xi32, #tpu.memory_space<vmem>>
        %dma_start3A_449 = arith.constant 0 : i32
        %dma_start3A_450 = arith.constant 0 : i32
        %dma_start3A_451 = tpu.memref_slice %arg3[%dma_start3A_449, %dma_start3A_450] : memref<12048x64xf32, #tpu.memory_space<hbm>> -> memref<12048x64xf32, #tpu.memory_space<hbm>>
        tpu.enqueue_indirect_dma source(%dma_start3A_451 : memref<12048x64xf32, #tpu.memory_space<hbm>>) target(%arg14 : memref<128x64xf32, #tpu.memory_space<vmem>>) offsets(%dma_start3A_448 : memref<128xi32, #tpu.memory_space<vmem>>) semaphore(%arg22 : memref<!tpu.dma_semaphore, #tpu.memory_space<semaphore_mem>>)
      } else {
      }
      %mul3A_213 = arith.constant 8 : i32
      %mul3A_214 = arith.muli %scan3A_184, %mul3A_213 : i32
      %add3A_215 = arith.constant 1 : i32
      %add3A_216 = arith.addi %mul3A_214, %add3A_215 : i32
      %dma_wait3A_217 = arith.constant 0 : i32
      %dma_wait3A_218 = arith.constant 0 : i32
      %dma_wait3A_219 = tpu.memref_slice %arg3[%dma_wait3A_217, %dma_wait3A_218] : memref<12048x64xf32, #tpu.memory_space<hbm>> -> memref<128x64xf32, #tpu.memory_space<hbm>>
      %dma_wait3A_220 = arith.constant 0 : i32
      %dma_wait3A_221 = arith.constant 0 : i32
      %dma_wait3A_222 = tpu.memref_slice %arg3[%dma_wait3A_220, %dma_wait3A_221] : memref<12048x64xf32, #tpu.memory_space<hbm>> -> memref<128x64xf32, #tpu.memory_space<hbm>>
      tpu.wait_dma2 semaphore(%arg19 : memref<!tpu.dma_semaphore, #tpu.memory_space<semaphore_mem>>) src(%dma_wait3A_222 : memref<128x64xf32, #tpu.memory_space<hbm>>) dst(%arg11 : memref<128x64xf32, #tpu.memory_space<vmem>>)
      %dma_start3A_223 = arith.constant 0 : i32
      %dma_start3A_224 = tpu.memref_slice %arg9[%add3A_216, %dma_start3A_223] : memref<80x128xi32, #tpu.memory_space<vmem>> -> memref<1x128xi32, #tpu.memory_space<vmem>>
      %dma_start3A_225 = tpu.memref_squeeze %dma_start3A_224 : memref<1x128xi32, #tpu.memory_space<vmem>> -> memref<128xi32, #tpu.memory_space<vmem>>
      %dma_start3A_226 = arith.constant 0 : i32
      %dma_start3A_227 = arith.constant 0 : i32
      %dma_start3A_228 = tpu.memref_slice %arg34[%dma_start3A_226, %dma_start3A_227] : memref<10112x64xf32, #tpu.memory_space<vmem_shared>> -> memref<10112x64xf32, #tpu.memory_space<vmem_shared>>
      tpu.enqueue_indirect_dma source(%arg11 : memref<128x64xf32, #tpu.memory_space<vmem>>) target(%dma_start3A_228 : memref<10112x64xf32, #tpu.memory_space<vmem_shared>>) offsets(%dma_start3A_225 : memref<128xi32, #tpu.memory_space<vmem>>) semaphore(%arg27 : memref<!tpu.dma_semaphore, #tpu.memory_space<semaphore_mem>>) {add = true}
      %ge3A_229 = arith.constant 4 : i32
      %ge3A_230 = arith.cmpi sge, %add3A_216, %ge3A_229 : i32
      %add3A_231 = arith.constant 4 : i32
      %add3A_232 = arith.addi %add3A_216, %add3A_231 : i32
      %lt3A_233 = arith.constant 80 : i32
      %lt3A_234 = arith.cmpi slt, %add3A_232, %lt3A_233 : i32
      %and3A_235 = arith.andi %ge3A_230, %lt3A_234 : i1
      %convert_element_type3A_236 = arith.extui %and3A_235 : i1 to i32
      %cond3A_237 = arith.constant 0 : i32
      %cond3A_238 = arith.cmpi ne, %convert_element_type3A_236, %cond3A_237 : i32
      scf.if %cond3A_238 {
        %dma_wait3A_444 = arith.constant 0 : i32
        %dma_wait3A_445 = arith.constant 0 : i32
        %dma_wait3A_446 = tpu.memref_slice %arg34[%dma_wait3A_444, %dma_wait3A_445] : memref<10112x64xf32, #tpu.memory_space<vmem_shared>> -> memref<128x64xf32, #tpu.memory_space<vmem_shared>>
        %dma_wait3A_447 = arith.constant 0 : i32
        %dma_wait3A_448 = arith.constant 0 : i32
        %dma_wait3A_449 = tpu.memref_slice %arg34[%dma_wait3A_447, %dma_wait3A_448] : memref<10112x64xf32, #tpu.memory_space<vmem_shared>> -> memref<128x64xf32, #tpu.memory_space<vmem_shared>>
        tpu.wait_dma2 semaphore(%arg31 : memref<!tpu.dma_semaphore, #tpu.memory_space<semaphore_mem>>) src(%arg15 : memref<128x64xf32, #tpu.memory_space<vmem>>) dst(%dma_wait3A_449 : memref<128x64xf32, #tpu.memory_space<vmem_shared>>)
      } else {
      }
      %add3A_239 = arith.constant 4 : i32
      %add3A_240 = arith.addi %add3A_216, %add3A_239 : i32
      %lt3A_241 = arith.constant 80 : i32
      %lt3A_242 = arith.cmpi slt, %add3A_240, %lt3A_241 : i32
      %convert_element_type3A_243 = arith.extui %lt3A_242 : i1 to i32
      %cond3A_244 = arith.constant 0 : i32
      %cond3A_245 = arith.cmpi ne, %convert_element_type3A_243, %cond3A_244 : i32
      scf.if %cond3A_245 {
        %add3A_444 = arith.constant 4 : i32
        %add3A_445 = arith.addi %add3A_216, %add3A_444 : i32
        %dma_start3A_446 = arith.constant 0 : i32
        %dma_start3A_447 = tpu.memref_slice %arg8[%add3A_445, %dma_start3A_446] : memref<80x128xi32, #tpu.memory_space<vmem>> -> memref<1x128xi32, #tpu.memory_space<vmem>>
        %dma_start3A_448 = tpu.memref_squeeze %dma_start3A_447 : memref<1x128xi32, #tpu.memory_space<vmem>> -> memref<128xi32, #tpu.memory_space<vmem>>
        %dma_start3A_449 = arith.constant 0 : i32
        %dma_start3A_450 = arith.constant 0 : i32
        %dma_start3A_451 = tpu.memref_slice %arg3[%dma_start3A_449, %dma_start3A_450] : memref<12048x64xf32, #tpu.memory_space<hbm>> -> memref<12048x64xf32, #tpu.memory_space<hbm>>
        tpu.enqueue_indirect_dma source(%dma_start3A_451 : memref<12048x64xf32, #tpu.memory_space<hbm>>) target(%arg15 : memref<128x64xf32, #tpu.memory_space<vmem>>) offsets(%dma_start3A_448 : memref<128xi32, #tpu.memory_space<vmem>>) semaphore(%arg23 : memref<!tpu.dma_semaphore, #tpu.memory_space<semaphore_mem>>)
      } else {
      }
      %mul3A_246 = arith.constant 8 : i32
      %mul3A_247 = arith.muli %scan3A_184, %mul3A_246 : i32
      %add3A_248 = arith.constant 2 : i32
      %add3A_249 = arith.addi %mul3A_247, %add3A_248 : i32
      %dma_wait3A_250 = arith.constant 0 : i32
      %dma_wait3A_251 = arith.constant 0 : i32
      %dma_wait3A_252 = tpu.memref_slice %arg3[%dma_wait3A_250, %dma_wait3A_251] : memref<12048x64xf32, #tpu.memory_space<hbm>> -> memref<128x64xf32, #tpu.memory_space<hbm>>
      %dma_wait3A_253 = arith.constant 0 : i32
      %dma_wait3A_254 = arith.constant 0 : i32
      %dma_wait3A_255 = tpu.memref_slice %arg3[%dma_wait3A_253, %dma_wait3A_254] : memref<12048x64xf32, #tpu.memory_space<hbm>> -> memref<128x64xf32, #tpu.memory_space<hbm>>
      tpu.wait_dma2 semaphore(%arg20 : memref<!tpu.dma_semaphore, #tpu.memory_space<semaphore_mem>>) src(%dma_wait3A_255 : memref<128x64xf32, #tpu.memory_space<hbm>>) dst(%arg12 : memref<128x64xf32, #tpu.memory_space<vmem>>)
      %dma_start3A_256 = arith.constant 0 : i32
      %dma_start3A_257 = tpu.memref_slice %arg9[%add3A_249, %dma_start3A_256] : memref<80x128xi32, #tpu.memory_space<vmem>> -> memref<1x128xi32, #tpu.memory_space<vmem>>
      %dma_start3A_258 = tpu.memref_squeeze %dma_start3A_257 : memref<1x128xi32, #tpu.memory_space<vmem>> -> memref<128xi32, #tpu.memory_space<vmem>>
      %dma_start3A_259 = arith.constant 0 : i32
      %dma_start3A_260 = arith.constant 0 : i32
      %dma_start3A_261 = tpu.memref_slice %arg34[%dma_start3A_259, %dma_start3A_260] : memref<10112x64xf32, #tpu.memory_space<vmem_shared>> -> memref<10112x64xf32, #tpu.memory_space<vmem_shared>>
      tpu.enqueue_indirect_dma source(%arg12 : memref<128x64xf32, #tpu.memory_space<vmem>>) target(%dma_start3A_261 : memref<10112x64xf32, #tpu.memory_space<vmem_shared>>) offsets(%dma_start3A_258 : memref<128xi32, #tpu.memory_space<vmem>>) semaphore(%arg28 : memref<!tpu.dma_semaphore, #tpu.memory_space<semaphore_mem>>) {add = true}
      %ge3A_262 = arith.constant 4 : i32
      %ge3A_263 = arith.cmpi sge, %add3A_249, %ge3A_262 : i32
      %add3A_264 = arith.constant 4 : i32
      %add3A_265 = arith.addi %add3A_249, %add3A_264 : i32
      %lt3A_266 = arith.constant 80 : i32
      %lt3A_267 = arith.cmpi slt, %add3A_265, %lt3A_266 : i32
      %and3A_268 = arith.andi %ge3A_263, %lt3A_267 : i1
      %convert_element_type3A_269 = arith.extui %and3A_268 : i1 to i32
      %cond3A_270 = arith.constant 0 : i32
      %cond3A_271 = arith.cmpi ne, %convert_element_type3A_269, %cond3A_270 : i32
      scf.if %cond3A_271 {
        %dma_wait3A_444 = arith.constant 0 : i32
        %dma_wait3A_445 = arith.constant 0 : i32
        %dma_wait3A_446 = tpu.memref_slice %arg34[%dma_wait3A_444, %dma_wait3A_445] : memref<10112x64xf32, #tpu.memory_space<vmem_shared>> -> memref<128x64xf32, #tpu.memory_space<vmem_shared>>
        %dma_wait3A_447 = arith.constant 0 : i32
        %dma_wait3A_448 = arith.constant 0 : i32
        %dma_wait3A_449 = tpu.memref_slice %arg34[%dma_wait3A_447, %dma_wait3A_448] : memref<10112x64xf32, #tpu.memory_space<vmem_shared>> -> memref<128x64xf32, #tpu.memory_space<vmem_shared>>
        tpu.wait_dma2 semaphore(%arg32 : memref<!tpu.dma_semaphore, #tpu.memory_space<semaphore_mem>>) src(%arg16 : memref<128x64xf32, #tpu.memory_space<vmem>>) dst(%dma_wait3A_449 : memref<128x64xf32, #tpu.memory_space<vmem_shared>>)
      } else {
      }
      %add3A_272 = arith.constant 4 : i32
      %add3A_273 = arith.addi %add3A_249, %add3A_272 : i32
      %lt3A_274 = arith.constant 80 : i32
      %lt3A_275 = arith.cmpi slt, %add3A_273, %lt3A_274 : i32
      %convert_element_type3A_276 = arith.extui %lt3A_275 : i1 to i32
      %cond3A_277 = arith.constant 0 : i32
      %cond3A_278 = arith.cmpi ne, %convert_element_type3A_276, %cond3A_277 : i32
      scf.if %cond3A_278 {
        %add3A_444 = arith.constant 4 : i32
        %add3A_445 = arith.addi %add3A_249, %add3A_444 : i32
        %dma_start3A_446 = arith.constant 0 : i32
        %dma_start3A_447 = tpu.memref_slice %arg8[%add3A_445, %dma_start3A_446] : memref<80x128xi32, #tpu.memory_space<vmem>> -> memref<1x128xi32, #tpu.memory_space<vmem>>
        %dma_start3A_448 = tpu.memref_squeeze %dma_start3A_447 : memref<1x128xi32, #tpu.memory_space<vmem>> -> memref<128xi32, #tpu.memory_space<vmem>>
        %dma_start3A_449 = arith.constant 0 : i32
        %dma_start3A_450 = arith.constant 0 : i32
        %dma_start3A_451 = tpu.memref_slice %arg3[%dma_start3A_449, %dma_start3A_450] : memref<12048x64xf32, #tpu.memory_space<hbm>> -> memref<12048x64xf32, #tpu.memory_space<hbm>>
        tpu.enqueue_indirect_dma source(%dma_start3A_451 : memref<12048x64xf32, #tpu.memory_space<hbm>>) target(%arg16 : memref<128x64xf32, #tpu.memory_space<vmem>>) offsets(%dma_start3A_448 : memref<128xi32, #tpu.memory_space<vmem>>) semaphore(%arg24 : memref<!tpu.dma_semaphore, #tpu.memory_space<semaphore_mem>>)
      } else {
      }
      %mul3A_279 = arith.constant 8 : i32
      %mul3A_280 = arith.muli %scan3A_184, %mul3A_279 : i32
      %add3A_281 = arith.constant 3 : i32
      %add3A_282 = arith.addi %mul3A_280, %add3A_281 : i32
      %dma_wait3A_283 = arith.constant 0 : i32
      %dma_wait3A_284 = arith.constant 0 : i32
      %dma_wait3A_285 = tpu.memref_slice %arg3[%dma_wait3A_283, %dma_wait3A_284] : memref<12048x64xf32, #tpu.memory_space<hbm>> -> memref<128x64xf32, #tpu.memory_space<hbm>>
      %dma_wait3A_286 = arith.constant 0 : i32
      %dma_wait3A_287 = arith.constant 0 : i32
      %dma_wait3A_288 = tpu.memref_slice %arg3[%dma_wait3A_286, %dma_wait3A_287] : memref<12048x64xf32, #tpu.memory_space<hbm>> -> memref<128x64xf32, #tpu.memory_space<hbm>>
      tpu.wait_dma2 semaphore(%arg21 : memref<!tpu.dma_semaphore, #tpu.memory_space<semaphore_mem>>) src(%dma_wait3A_288 : memref<128x64xf32, #tpu.memory_space<hbm>>) dst(%arg13 : memref<128x64xf32, #tpu.memory_space<vmem>>)
      %dma_start3A_289 = arith.constant 0 : i32
      %dma_start3A_290 = tpu.memref_slice %arg9[%add3A_282, %dma_start3A_289] : memref<80x128xi32, #tpu.memory_space<vmem>> -> memref<1x128xi32, #tpu.memory_space<vmem>>
      %dma_start3A_291 = tpu.memref_squeeze %dma_start3A_290 : memref<1x128xi32, #tpu.memory_space<vmem>> -> memref<128xi32, #tpu.memory_space<vmem>>
      %dma_start3A_292 = arith.constant 0 : i32
      %dma_start3A_293 = arith.constant 0 : i32
      %dma_start3A_294 = tpu.memref_slice %arg34[%dma_start3A_292, %dma_start3A_293] : memref<10112x64xf32, #tpu.memory_space<vmem_shared>> -> memref<10112x64xf32, #tpu.memory_space<vmem_shared>>
      tpu.enqueue_indirect_dma source(%arg13 : memref<128x64xf32, #tpu.memory_space<vmem>>) target(%dma_start3A_294 : memref<10112x64xf32, #tpu.memory_space<vmem_shared>>) offsets(%dma_start3A_291 : memref<128xi32, #tpu.memory_space<vmem>>) semaphore(%arg29 : memref<!tpu.dma_semaphore, #tpu.memory_space<semaphore_mem>>) {add = true}
      %ge3A_295 = arith.constant 4 : i32
      %ge3A_296 = arith.cmpi sge, %add3A_282, %ge3A_295 : i32
      %add3A_297 = arith.constant 4 : i32
      %add3A_298 = arith.addi %add3A_282, %add3A_297 : i32
      %lt3A_299 = arith.constant 80 : i32
      %lt3A_300 = arith.cmpi slt, %add3A_298, %lt3A_299 : i32
      %and3A_301 = arith.andi %ge3A_296, %lt3A_300 : i1
      %convert_element_type3A_302 = arith.extui %and3A_301 : i1 to i32
      %cond3A_303 = arith.constant 0 : i32
      %cond3A_304 = arith.cmpi ne, %convert_element_type3A_302, %cond3A_303 : i32
      scf.if %cond3A_304 {
        %dma_wait3A_444 = arith.constant 0 : i32
        %dma_wait3A_445 = arith.constant 0 : i32
        %dma_wait3A_446 = tpu.memref_slice %arg34[%dma_wait3A_444, %dma_wait3A_445] : memref<10112x64xf32, #tpu.memory_space<vmem_shared>> -> memref<128x64xf32, #tpu.memory_space<vmem_shared>>
        %dma_wait3A_447 = arith.constant 0 : i32
        %dma_wait3A_448 = arith.constant 0 : i32
        %dma_wait3A_449 = tpu.memref_slice %arg34[%dma_wait3A_447, %dma_wait3A_448] : memref<10112x64xf32, #tpu.memory_space<vmem_shared>> -> memref<128x64xf32, #tpu.memory_space<vmem_shared>>
        tpu.wait_dma2 semaphore(%arg33 : memref<!tpu.dma_semaphore, #tpu.memory_space<semaphore_mem>>) src(%arg17 : memref<128x64xf32, #tpu.memory_space<vmem>>) dst(%dma_wait3A_449 : memref<128x64xf32, #tpu.memory_space<vmem_shared>>)
      } else {
      }
      %add3A_305 = arith.constant 4 : i32
      %add3A_306 = arith.addi %add3A_282, %add3A_305 : i32
      %lt3A_307 = arith.constant 80 : i32
      %lt3A_308 = arith.cmpi slt, %add3A_306, %lt3A_307 : i32
      %convert_element_type3A_309 = arith.extui %lt3A_308 : i1 to i32
      %cond3A_310 = arith.constant 0 : i32
      %cond3A_311 = arith.cmpi ne, %convert_element_type3A_309, %cond3A_310 : i32
      scf.if %cond3A_311 {
        %add3A_444 = arith.constant 4 : i32
        %add3A_445 = arith.addi %add3A_282, %add3A_444 : i32
        %dma_start3A_446 = arith.constant 0 : i32
        %dma_start3A_447 = tpu.memref_slice %arg8[%add3A_445, %dma_start3A_446] : memref<80x128xi32, #tpu.memory_space<vmem>> -> memref<1x128xi32, #tpu.memory_space<vmem>>
        %dma_start3A_448 = tpu.memref_squeeze %dma_start3A_447 : memref<1x128xi32, #tpu.memory_space<vmem>> -> memref<128xi32, #tpu.memory_space<vmem>>
        %dma_start3A_449 = arith.constant 0 : i32
        %dma_start3A_450 = arith.constant 0 : i32
        %dma_start3A_451 = tpu.memref_slice %arg3[%dma_start3A_449, %dma_start3A_450] : memref<12048x64xf32, #tpu.memory_space<hbm>> -> memref<12048x64xf32, #tpu.memory_space<hbm>>
        tpu.enqueue_indirect_dma source(%dma_start3A_451 : memref<12048x64xf32, #tpu.memory_space<hbm>>) target(%arg17 : memref<128x64xf32, #tpu.memory_space<vmem>>) offsets(%dma_start3A_448 : memref<128xi32, #tpu.memory_space<vmem>>) semaphore(%arg25 : memref<!tpu.dma_semaphore, #tpu.memory_space<semaphore_mem>>)
      } else {
      }
      %mul3A_312 = arith.constant 8 : i32
      %mul3A_313 = arith.muli %scan3A_184, %mul3A_312 : i32
      %add3A_314 = arith.constant 4 : i32
      %add3A_315 = arith.addi %mul3A_313, %add3A_314 : i32
      %dma_wait3A_316 = arith.constant 0 : i32
      %dma_wait3A_317 = arith.constant 0 : i32
      %dma_wait3A_318 = tpu.memref_slice %arg3[%dma_wait3A_316, %dma_wait3A_317] : memref<12048x64xf32, #tpu.memory_space<hbm>> -> memref<128x64xf32, #tpu.memory_space<hbm>>
      %dma_wait3A_319 = arith.constant 0 : i32
      %dma_wait3A_320 = arith.constant 0 : i32
      %dma_wait3A_321 = tpu.memref_slice %arg3[%dma_wait3A_319, %dma_wait3A_320] : memref<12048x64xf32, #tpu.memory_space<hbm>> -> memref<128x64xf32, #tpu.memory_space<hbm>>
      tpu.wait_dma2 semaphore(%arg22 : memref<!tpu.dma_semaphore, #tpu.memory_space<semaphore_mem>>) src(%dma_wait3A_321 : memref<128x64xf32, #tpu.memory_space<hbm>>) dst(%arg14 : memref<128x64xf32, #tpu.memory_space<vmem>>)
      %dma_start3A_322 = arith.constant 0 : i32
      %dma_start3A_323 = tpu.memref_slice %arg9[%add3A_315, %dma_start3A_322] : memref<80x128xi32, #tpu.memory_space<vmem>> -> memref<1x128xi32, #tpu.memory_space<vmem>>
      %dma_start3A_324 = tpu.memref_squeeze %dma_start3A_323 : memref<1x128xi32, #tpu.memory_space<vmem>> -> memref<128xi32, #tpu.memory_space<vmem>>
      %dma_start3A_325 = arith.constant 0 : i32
      %dma_start3A_326 = arith.constant 0 : i32
      %dma_start3A_327 = tpu.memref_slice %arg34[%dma_start3A_325, %dma_start3A_326] : memref<10112x64xf32, #tpu.memory_space<vmem_shared>> -> memref<10112x64xf32, #tpu.memory_space<vmem_shared>>
      tpu.enqueue_indirect_dma source(%arg14 : memref<128x64xf32, #tpu.memory_space<vmem>>) target(%dma_start3A_327 : memref<10112x64xf32, #tpu.memory_space<vmem_shared>>) offsets(%dma_start3A_324 : memref<128xi32, #tpu.memory_space<vmem>>) semaphore(%arg30 : memref<!tpu.dma_semaphore, #tpu.memory_space<semaphore_mem>>) {add = true}
      %ge3A_328 = arith.constant 4 : i32
      %ge3A_329 = arith.cmpi sge, %add3A_315, %ge3A_328 : i32
      %add3A_330 = arith.constant 4 : i32
      %add3A_331 = arith.addi %add3A_315, %add3A_330 : i32
      %lt3A_332 = arith.constant 80 : i32
      %lt3A_333 = arith.cmpi slt, %add3A_331, %lt3A_332 : i32
      %and3A_334 = arith.andi %ge3A_329, %lt3A_333 : i1
      %convert_element_type3A_335 = arith.extui %and3A_334 : i1 to i32
      %cond3A_336 = arith.constant 0 : i32
      %cond3A_337 = arith.cmpi ne, %convert_element_type3A_335, %cond3A_336 : i32
      scf.if %cond3A_337 {
        %dma_wait3A_444 = arith.constant 0 : i32
        %dma_wait3A_445 = arith.constant 0 : i32
        %dma_wait3A_446 = tpu.memref_slice %arg34[%dma_wait3A_444, %dma_wait3A_445] : memref<10112x64xf32, #tpu.memory_space<vmem_shared>> -> memref<128x64xf32, #tpu.memory_space<vmem_shared>>
        %dma_wait3A_447 = arith.constant 0 : i32
        %dma_wait3A_448 = arith.constant 0 : i32
        %dma_wait3A_449 = tpu.memref_slice %arg34[%dma_wait3A_447, %dma_wait3A_448] : memref<10112x64xf32, #tpu.memory_space<vmem_shared>> -> memref<128x64xf32, #tpu.memory_space<vmem_shared>>
        tpu.wait_dma2 semaphore(%arg26 : memref<!tpu.dma_semaphore, #tpu.memory_space<semaphore_mem>>) src(%arg10 : memref<128x64xf32, #tpu.memory_space<vmem>>) dst(%dma_wait3A_449 : memref<128x64xf32, #tpu.memory_space<vmem_shared>>)
      } else {
      }
      %add3A_338 = arith.constant 4 : i32
      %add3A_339 = arith.addi %add3A_315, %add3A_338 : i32
      %lt3A_340 = arith.constant 80 : i32
      %lt3A_341 = arith.cmpi slt, %add3A_339, %lt3A_340 : i32
      %convert_element_type3A_342 = arith.extui %lt3A_341 : i1 to i32
      %cond3A_343 = arith.constant 0 : i32
      %cond3A_344 = arith.cmpi ne, %convert_element_type3A_342, %cond3A_343 : i32
      scf.if %cond3A_344 {
        %add3A_444 = arith.constant 4 : i32
        %add3A_445 = arith.addi %add3A_315, %add3A_444 : i32
        %dma_start3A_446 = arith.constant 0 : i32
        %dma_start3A_447 = tpu.memref_slice %arg8[%add3A_445, %dma_start3A_446] : memref<80x128xi32, #tpu.memory_space<vmem>> -> memref<1x128xi32, #tpu.memory_space<vmem>>
        %dma_start3A_448 = tpu.memref_squeeze %dma_start3A_447 : memref<1x128xi32, #tpu.memory_space<vmem>> -> memref<128xi32, #tpu.memory_space<vmem>>
        %dma_start3A_449 = arith.constant 0 : i32
        %dma_start3A_450 = arith.constant 0 : i32
        %dma_start3A_451 = tpu.memref_slice %arg3[%dma_start3A_449, %dma_start3A_450] : memref<12048x64xf32, #tpu.memory_space<hbm>> -> memref<12048x64xf32, #tpu.memory_space<hbm>>
        tpu.enqueue_indirect_dma source(%dma_start3A_451 : memref<12048x64xf32, #tpu.memory_space<hbm>>) target(%arg10 : memref<128x64xf32, #tpu.memory_space<vmem>>) offsets(%dma_start3A_448 : memref<128xi32, #tpu.memory_space<vmem>>) semaphore(%arg18 : memref<!tpu.dma_semaphore, #tpu.memory_space<semaphore_mem>>)
      } else {
      }
      %mul3A_345 = arith.constant 8 : i32
      %mul3A_346 = arith.muli %scan3A_184, %mul3A_345 : i32
      %add3A_347 = arith.constant 5 : i32
      %add3A_348 = arith.addi %mul3A_346, %add3A_347 : i32
      %dma_wait3A_349 = arith.constant 0 : i32
      %dma_wait3A_350 = arith.constant 0 : i32
      %dma_wait3A_351 = tpu.memref_slice %arg3[%dma_wait3A_349, %dma_wait3A_350] : memref<12048x64xf32, #tpu.memory_space<hbm>> -> memref<128x64xf32, #tpu.memory_space<hbm>>
      %dma_wait3A_352 = arith.constant 0 : i32
      %dma_wait3A_353 = arith.constant 0 : i32
      %dma_wait3A_354 = tpu.memref_slice %arg3[%dma_wait3A_352, %dma_wait3A_353] : memref<12048x64xf32, #tpu.memory_space<hbm>> -> memref<128x64xf32, #tpu.memory_space<hbm>>
      tpu.wait_dma2 semaphore(%arg23 : memref<!tpu.dma_semaphore, #tpu.memory_space<semaphore_mem>>) src(%dma_wait3A_354 : memref<128x64xf32, #tpu.memory_space<hbm>>) dst(%arg15 : memref<128x64xf32, #tpu.memory_space<vmem>>)
      %dma_start3A_355 = arith.constant 0 : i32
      %dma_start3A_356 = tpu.memref_slice %arg9[%add3A_348, %dma_start3A_355] : memref<80x128xi32, #tpu.memory_space<vmem>> -> memref<1x128xi32, #tpu.memory_space<vmem>>
      %dma_start3A_357 = tpu.memref_squeeze %dma_start3A_356 : memref<1x128xi32, #tpu.memory_space<vmem>> -> memref<128xi32, #tpu.memory_space<vmem>>
      %dma_start3A_358 = arith.constant 0 : i32
      %dma_start3A_359 = arith.constant 0 : i32
      %dma_start3A_360 = tpu.memref_slice %arg34[%dma_start3A_358, %dma_start3A_359] : memref<10112x64xf32, #tpu.memory_space<vmem_shared>> -> memref<10112x64xf32, #tpu.memory_space<vmem_shared>>
      tpu.enqueue_indirect_dma source(%arg15 : memref<128x64xf32, #tpu.memory_space<vmem>>) target(%dma_start3A_360 : memref<10112x64xf32, #tpu.memory_space<vmem_shared>>) offsets(%dma_start3A_357 : memref<128xi32, #tpu.memory_space<vmem>>) semaphore(%arg31 : memref<!tpu.dma_semaphore, #tpu.memory_space<semaphore_mem>>) {add = true}
      %ge3A_361 = arith.constant 4 : i32
      %ge3A_362 = arith.cmpi sge, %add3A_348, %ge3A_361 : i32
      %add3A_363 = arith.constant 4 : i32
      %add3A_364 = arith.addi %add3A_348, %add3A_363 : i32
      %lt3A_365 = arith.constant 80 : i32
      %lt3A_366 = arith.cmpi slt, %add3A_364, %lt3A_365 : i32
      %and3A_367 = arith.andi %ge3A_362, %lt3A_366 : i1
      %convert_element_type3A_368 = arith.extui %and3A_367 : i1 to i32
      %cond3A_369 = arith.constant 0 : i32
      %cond3A_370 = arith.cmpi ne, %convert_element_type3A_368, %cond3A_369 : i32
      scf.if %cond3A_370 {
        %dma_wait3A_444 = arith.constant 0 : i32
        %dma_wait3A_445 = arith.constant 0 : i32
        %dma_wait3A_446 = tpu.memref_slice %arg34[%dma_wait3A_444, %dma_wait3A_445] : memref<10112x64xf32, #tpu.memory_space<vmem_shared>> -> memref<128x64xf32, #tpu.memory_space<vmem_shared>>
        %dma_wait3A_447 = arith.constant 0 : i32
        %dma_wait3A_448 = arith.constant 0 : i32
        %dma_wait3A_449 = tpu.memref_slice %arg34[%dma_wait3A_447, %dma_wait3A_448] : memref<10112x64xf32, #tpu.memory_space<vmem_shared>> -> memref<128x64xf32, #tpu.memory_space<vmem_shared>>
        tpu.wait_dma2 semaphore(%arg27 : memref<!tpu.dma_semaphore, #tpu.memory_space<semaphore_mem>>) src(%arg11 : memref<128x64xf32, #tpu.memory_space<vmem>>) dst(%dma_wait3A_449 : memref<128x64xf32, #tpu.memory_space<vmem_shared>>)
      } else {
      }
      %add3A_371 = arith.constant 4 : i32
      %add3A_372 = arith.addi %add3A_348, %add3A_371 : i32
      %lt3A_373 = arith.constant 80 : i32
      %lt3A_374 = arith.cmpi slt, %add3A_372, %lt3A_373 : i32
      %convert_element_type3A_375 = arith.extui %lt3A_374 : i1 to i32
      %cond3A_376 = arith.constant 0 : i32
      %cond3A_377 = arith.cmpi ne, %convert_element_type3A_375, %cond3A_376 : i32
      scf.if %cond3A_377 {
        %add3A_444 = arith.constant 4 : i32
        %add3A_445 = arith.addi %add3A_348, %add3A_444 : i32
        %dma_start3A_446 = arith.constant 0 : i32
        %dma_start3A_447 = tpu.memref_slice %arg8[%add3A_445, %dma_start3A_446] : memref<80x128xi32, #tpu.memory_space<vmem>> -> memref<1x128xi32, #tpu.memory_space<vmem>>
        %dma_start3A_448 = tpu.memref_squeeze %dma_start3A_447 : memref<1x128xi32, #tpu.memory_space<vmem>> -> memref<128xi32, #tpu.memory_space<vmem>>
        %dma_start3A_449 = arith.constant 0 : i32
        %dma_start3A_450 = arith.constant 0 : i32
        %dma_start3A_451 = tpu.memref_slice %arg3[%dma_start3A_449, %dma_start3A_450] : memref<12048x64xf32, #tpu.memory_space<hbm>> -> memref<12048x64xf32, #tpu.memory_space<hbm>>
        tpu.enqueue_indirect_dma source(%dma_start3A_451 : memref<12048x64xf32, #tpu.memory_space<hbm>>) target(%arg11 : memref<128x64xf32, #tpu.memory_space<vmem>>) offsets(%dma_start3A_448 : memref<128xi32, #tpu.memory_space<vmem>>) semaphore(%arg19 : memref<!tpu.dma_semaphore, #tpu.memory_space<semaphore_mem>>)
      } else {
      }
      %mul3A_378 = arith.constant 8 : i32
      %mul3A_379 = arith.muli %scan3A_184, %mul3A_378 : i32
      %add3A_380 = arith.constant 6 : i32
      %add3A_381 = arith.addi %mul3A_379, %add3A_380 : i32
      %dma_wait3A_382 = arith.constant 0 : i32
      %dma_wait3A_383 = arith.constant 0 : i32
      %dma_wait3A_384 = tpu.memref_slice %arg3[%dma_wait3A_382, %dma_wait3A_383] : memref<12048x64xf32, #tpu.memory_space<hbm>> -> memref<128x64xf32, #tpu.memory_space<hbm>>
      %dma_wait3A_385 = arith.constant 0 : i32
      %dma_wait3A_386 = arith.constant 0 : i32
      %dma_wait3A_387 = tpu.memref_slice %arg3[%dma_wait3A_385, %dma_wait3A_386] : memref<12048x64xf32, #tpu.memory_space<hbm>> -> memref<128x64xf32, #tpu.memory_space<hbm>>
      tpu.wait_dma2 semaphore(%arg24 : memref<!tpu.dma_semaphore, #tpu.memory_space<semaphore_mem>>) src(%dma_wait3A_387 : memref<128x64xf32, #tpu.memory_space<hbm>>) dst(%arg16 : memref<128x64xf32, #tpu.memory_space<vmem>>)
      %dma_start3A_388 = arith.constant 0 : i32
      %dma_start3A_389 = tpu.memref_slice %arg9[%add3A_381, %dma_start3A_388] : memref<80x128xi32, #tpu.memory_space<vmem>> -> memref<1x128xi32, #tpu.memory_space<vmem>>
      %dma_start3A_390 = tpu.memref_squeeze %dma_start3A_389 : memref<1x128xi32, #tpu.memory_space<vmem>> -> memref<128xi32, #tpu.memory_space<vmem>>
      %dma_start3A_391 = arith.constant 0 : i32
      %dma_start3A_392 = arith.constant 0 : i32
      %dma_start3A_393 = tpu.memref_slice %arg34[%dma_start3A_391, %dma_start3A_392] : memref<10112x64xf32, #tpu.memory_space<vmem_shared>> -> memref<10112x64xf32, #tpu.memory_space<vmem_shared>>
      tpu.enqueue_indirect_dma source(%arg16 : memref<128x64xf32, #tpu.memory_space<vmem>>) target(%dma_start3A_393 : memref<10112x64xf32, #tpu.memory_space<vmem_shared>>) offsets(%dma_start3A_390 : memref<128xi32, #tpu.memory_space<vmem>>) semaphore(%arg32 : memref<!tpu.dma_semaphore, #tpu.memory_space<semaphore_mem>>) {add = true}
      %ge3A_394 = arith.constant 4 : i32
      %ge3A_395 = arith.cmpi sge, %add3A_381, %ge3A_394 : i32
      %add3A_396 = arith.constant 4 : i32
      %add3A_397 = arith.addi %add3A_381, %add3A_396 : i32
      %lt3A_398 = arith.constant 80 : i32
      %lt3A_399 = arith.cmpi slt, %add3A_397, %lt3A_398 : i32
      %and3A_400 = arith.andi %ge3A_395, %lt3A_399 : i1
      %convert_element_type3A_401 = arith.extui %and3A_400 : i1 to i32
      %cond3A_402 = arith.constant 0 : i32
      %cond3A_403 = arith.cmpi ne, %convert_element_type3A_401, %cond3A_402 : i32
      scf.if %cond3A_403 {
        %dma_wait3A_444 = arith.constant 0 : i32
        %dma_wait3A_445 = arith.constant 0 : i32
        %dma_wait3A_446 = tpu.memref_slice %arg34[%dma_wait3A_444, %dma_wait3A_445] : memref<10112x64xf32, #tpu.memory_space<vmem_shared>> -> memref<128x64xf32, #tpu.memory_space<vmem_shared>>
        %dma_wait3A_447 = arith.constant 0 : i32
        %dma_wait3A_448 = arith.constant 0 : i32
        %dma_wait3A_449 = tpu.memref_slice %arg34[%dma_wait3A_447, %dma_wait3A_448] : memref<10112x64xf32, #tpu.memory_space<vmem_shared>> -> memref<128x64xf32, #tpu.memory_space<vmem_shared>>
        tpu.wait_dma2 semaphore(%arg28 : memref<!tpu.dma_semaphore, #tpu.memory_space<semaphore_mem>>) src(%arg12 : memref<128x64xf32, #tpu.memory_space<vmem>>) dst(%dma_wait3A_449 : memref<128x64xf32, #tpu.memory_space<vmem_shared>>)
      } else {
      }
      %add3A_404 = arith.constant 4 : i32
      %add3A_405 = arith.addi %add3A_381, %add3A_404 : i32
      %lt3A_406 = arith.constant 80 : i32
      %lt3A_407 = arith.cmpi slt, %add3A_405, %lt3A_406 : i32
      %convert_element_type3A_408 = arith.extui %lt3A_407 : i1 to i32
      %cond3A_409 = arith.constant 0 : i32
      %cond3A_410 = arith.cmpi ne, %convert_element_type3A_408, %cond3A_409 : i32
      scf.if %cond3A_410 {
        %add3A_444 = arith.constant 4 : i32
        %add3A_445 = arith.addi %add3A_381, %add3A_444 : i32
        %dma_start3A_446 = arith.constant 0 : i32
        %dma_start3A_447 = tpu.memref_slice %arg8[%add3A_445, %dma_start3A_446] : memref<80x128xi32, #tpu.memory_space<vmem>> -> memref<1x128xi32, #tpu.memory_space<vmem>>
        %dma_start3A_448 = tpu.memref_squeeze %dma_start3A_447 : memref<1x128xi32, #tpu.memory_space<vmem>> -> memref<128xi32, #tpu.memory_space<vmem>>
        %dma_start3A_449 = arith.constant 0 : i32
        %dma_start3A_450 = arith.constant 0 : i32
        %dma_start3A_451 = tpu.memref_slice %arg3[%dma_start3A_449, %dma_start3A_450] : memref<12048x64xf32, #tpu.memory_space<hbm>> -> memref<12048x64xf32, #tpu.memory_space<hbm>>
        tpu.enqueue_indirect_dma source(%dma_start3A_451 : memref<12048x64xf32, #tpu.memory_space<hbm>>) target(%arg12 : memref<128x64xf32, #tpu.memory_space<vmem>>) offsets(%dma_start3A_448 : memref<128xi32, #tpu.memory_space<vmem>>) semaphore(%arg20 : memref<!tpu.dma_semaphore, #tpu.memory_space<semaphore_mem>>)
      } else {
      }
      %mul3A_411 = arith.constant 8 : i32
      %mul3A_412 = arith.muli %scan3A_184, %mul3A_411 : i32
      %add3A_413 = arith.constant 7 : i32
      %add3A_414 = arith.addi %mul3A_412, %add3A_413 : i32
      %dma_wait3A_415 = arith.constant 0 : i32
      %dma_wait3A_416 = arith.constant 0 : i32
      %dma_wait3A_417 = tpu.memref_slice %arg3[%dma_wait3A_415, %dma_wait3A_416] : memref<12048x64xf32, #tpu.memory_space<hbm>> -> memref<128x64xf32, #tpu.memory_space<hbm>>
      %dma_wait3A_418 = arith.constant 0 : i32
      %dma_wait3A_419 = arith.constant 0 : i32
      %dma_wait3A_420 = tpu.memref_slice %arg3[%dma_wait3A_418, %dma_wait3A_419] : memref<12048x64xf32, #tpu.memory_space<hbm>> -> memref<128x64xf32, #tpu.memory_space<hbm>>
      tpu.wait_dma2 semaphore(%arg25 : memref<!tpu.dma_semaphore, #tpu.memory_space<semaphore_mem>>) src(%dma_wait3A_420 : memref<128x64xf32, #tpu.memory_space<hbm>>) dst(%arg17 : memref<128x64xf32, #tpu.memory_space<vmem>>)
      %dma_start3A_421 = arith.constant 0 : i32
      %dma_start3A_422 = tpu.memref_slice %arg9[%add3A_414, %dma_start3A_421] : memref<80x128xi32, #tpu.memory_space<vmem>> -> memref<1x128xi32, #tpu.memory_space<vmem>>
      %dma_start3A_423 = tpu.memref_squeeze %dma_start3A_422 : memref<1x128xi32, #tpu.memory_space<vmem>> -> memref<128xi32, #tpu.memory_space<vmem>>
      %dma_start3A_424 = arith.constant 0 : i32
      %dma_start3A_425 = arith.constant 0 : i32
      %dma_start3A_426 = tpu.memref_slice %arg34[%dma_start3A_424, %dma_start3A_425] : memref<10112x64xf32, #tpu.memory_space<vmem_shared>> -> memref<10112x64xf32, #tpu.memory_space<vmem_shared>>
      tpu.enqueue_indirect_dma source(%arg17 : memref<128x64xf32, #tpu.memory_space<vmem>>) target(%dma_start3A_426 : memref<10112x64xf32, #tpu.memory_space<vmem_shared>>) offsets(%dma_start3A_423 : memref<128xi32, #tpu.memory_space<vmem>>) semaphore(%arg33 : memref<!tpu.dma_semaphore, #tpu.memory_space<semaphore_mem>>) {add = true}
      %ge3A_427 = arith.constant 4 : i32
      %ge3A_428 = arith.cmpi sge, %add3A_414, %ge3A_427 : i32
      %add3A_429 = arith.constant 4 : i32
      %add3A_430 = arith.addi %add3A_414, %add3A_429 : i32
      %lt3A_431 = arith.constant 80 : i32
      %lt3A_432 = arith.cmpi slt, %add3A_430, %lt3A_431 : i32
      %and3A_433 = arith.andi %ge3A_428, %lt3A_432 : i1
      %convert_element_type3A_434 = arith.extui %and3A_433 : i1 to i32
      %cond3A_435 = arith.constant 0 : i32
      %cond3A_436 = arith.cmpi ne, %convert_element_type3A_434, %cond3A_435 : i32
      scf.if %cond3A_436 {
        %dma_wait3A_444 = arith.constant 0 : i32
        %dma_wait3A_445 = arith.constant 0 : i32
        %dma_wait3A_446 = tpu.memref_slice %arg34[%dma_wait3A_444, %dma_wait3A_445] : memref<10112x64xf32, #tpu.memory_space<vmem_shared>> -> memref<128x64xf32, #tpu.memory_space<vmem_shared>>
        %dma_wait3A_447 = arith.constant 0 : i32
        %dma_wait3A_448 = arith.constant 0 : i32
        %dma_wait3A_449 = tpu.memref_slice %arg34[%dma_wait3A_447, %dma_wait3A_448] : memref<10112x64xf32, #tpu.memory_space<vmem_shared>> -> memref<128x64xf32, #tpu.memory_space<vmem_shared>>
        tpu.wait_dma2 semaphore(%arg29 : memref<!tpu.dma_semaphore, #tpu.memory_space<semaphore_mem>>) src(%arg13 : memref<128x64xf32, #tpu.memory_space<vmem>>) dst(%dma_wait3A_449 : memref<128x64xf32, #tpu.memory_space<vmem_shared>>)
      } else {
      }
      %add3A_437 = arith.constant 4 : i32
      %add3A_438 = arith.addi %add3A_414, %add3A_437 : i32
      %lt3A_439 = arith.constant 80 : i32
      %lt3A_440 = arith.cmpi slt, %add3A_438, %lt3A_439 : i32
      %convert_element_type3A_441 = arith.extui %lt3A_440 : i1 to i32
      %cond3A_442 = arith.constant 0 : i32
      %cond3A_443 = arith.cmpi ne, %convert_element_type3A_441, %cond3A_442 : i32
      scf.if %cond3A_443 {
        %add3A_444 = arith.constant 4 : i32
        %add3A_445 = arith.addi %add3A_414, %add3A_444 : i32
        %dma_start3A_446 = arith.constant 0 : i32
        %dma_start3A_447 = tpu.memref_slice %arg8[%add3A_445, %dma_start3A_446] : memref<80x128xi32, #tpu.memory_space<vmem>> -> memref<1x128xi32, #tpu.memory_space<vmem>>
        %dma_start3A_448 = tpu.memref_squeeze %dma_start3A_447 : memref<1x128xi32, #tpu.memory_space<vmem>> -> memref<128xi32, #tpu.memory_space<vmem>>
        %dma_start3A_449 = arith.constant 0 : i32
        %dma_start3A_450 = arith.constant 0 : i32
        %dma_start3A_451 = tpu.memref_slice %arg3[%dma_start3A_449, %dma_start3A_450] : memref<12048x64xf32, #tpu.memory_space<hbm>> -> memref<12048x64xf32, #tpu.memory_space<hbm>>
        tpu.enqueue_indirect_dma source(%dma_start3A_451 : memref<12048x64xf32, #tpu.memory_space<hbm>>) target(%arg13 : memref<128x64xf32, #tpu.memory_space<vmem>>) offsets(%dma_start3A_448 : memref<128xi32, #tpu.memory_space<vmem>>) semaphore(%arg21 : memref<!tpu.dma_semaphore, #tpu.memory_space<semaphore_mem>>)
      } else {
      }
    }
    %scan3A_129 = arith.constant 10 : i32
    %dma_wait3A_130 = arith.constant 0 : i32
    %dma_wait3A_131 = arith.constant 0 : i32
    %dma_wait3A_132 = tpu.memref_slice %arg34[%dma_wait3A_130, %dma_wait3A_131] : memref<10112x64xf32, #tpu.memory_space<vmem_shared>> -> memref<128x64xf32, #tpu.memory_space<vmem_shared>>
    %dma_wait3A_133 = arith.constant 0 : i32
    %dma_wait3A_134 = arith.constant 0 : i32
    %dma_wait3A_135 = tpu.memref_slice %arg34[%dma_wait3A_133, %dma_wait3A_134] : memref<10112x64xf32, #tpu.memory_space<vmem_shared>> -> memref<128x64xf32, #tpu.memory_space<vmem_shared>>
    tpu.wait_dma2 semaphore(%arg26 : memref<!tpu.dma_semaphore, #tpu.memory_space<semaphore_mem>>) src(%arg10 : memref<128x64xf32, #tpu.memory_space<vmem>>) dst(%dma_wait3A_135 : memref<128x64xf32, #tpu.memory_space<vmem_shared>>)
    %dma_wait3A_136 = arith.constant 0 : i32
    %dma_wait3A_137 = arith.constant 0 : i32
    %dma_wait3A_138 = tpu.memref_slice %arg34[%dma_wait3A_136, %dma_wait3A_137] : memref<10112x64xf32, #tpu.memory_space<vmem_shared>> -> memref<128x64xf32, #tpu.memory_space<vmem_shared>>
    %dma_wait3A_139 = arith.constant 0 : i32
    %dma_wait3A_140 = arith.constant 0 : i32
    %dma_wait3A_141 = tpu.memref_slice %arg34[%dma_wait3A_139, %dma_wait3A_140] : memref<10112x64xf32, #tpu.memory_space<vmem_shared>> -> memref<128x64xf32, #tpu.memory_space<vmem_shared>>
    tpu.wait_dma2 semaphore(%arg27 : memref<!tpu.dma_semaphore, #tpu.memory_space<semaphore_mem>>) src(%arg11 : memref<128x64xf32, #tpu.memory_space<vmem>>) dst(%dma_wait3A_141 : memref<128x64xf32, #tpu.memory_space<vmem_shared>>)
    %dma_wait3A_142 = arith.constant 0 : i32
    %dma_wait3A_143 = arith.constant 0 : i32
    %dma_wait3A_144 = tpu.memref_slice %arg34[%dma_wait3A_142, %dma_wait3A_143] : memref<10112x64xf32, #tpu.memory_space<vmem_shared>> -> memref<128x64xf32, #tpu.memory_space<vmem_shared>>
    %dma_wait3A_145 = arith.constant 0 : i32
    %dma_wait3A_146 = arith.constant 0 : i32
    %dma_wait3A_147 = tpu.memref_slice %arg34[%dma_wait3A_145, %dma_wait3A_146] : memref<10112x64xf32, #tpu.memory_space<vmem_shared>> -> memref<128x64xf32, #tpu.memory_space<vmem_shared>>
    tpu.wait_dma2 semaphore(%arg28 : memref<!tpu.dma_semaphore, #tpu.memory_space<semaphore_mem>>) src(%arg12 : memref<128x64xf32, #tpu.memory_space<vmem>>) dst(%dma_wait3A_147 : memref<128x64xf32, #tpu.memory_space<vmem_shared>>)
    %dma_wait3A_148 = arith.constant 0 : i32
    %dma_wait3A_149 = arith.constant 0 : i32
    %dma_wait3A_150 = tpu.memref_slice %arg34[%dma_wait3A_148, %dma_wait3A_149] : memref<10112x64xf32, #tpu.memory_space<vmem_shared>> -> memref<128x64xf32, #tpu.memory_space<vmem_shared>>
    %dma_wait3A_151 = arith.constant 0 : i32
    %dma_wait3A_152 = arith.constant 0 : i32
    %dma_wait3A_153 = tpu.memref_slice %arg34[%dma_wait3A_151, %dma_wait3A_152] : memref<10112x64xf32, #tpu.memory_space<vmem_shared>> -> memref<128x64xf32, #tpu.memory_space<vmem_shared>>
    tpu.wait_dma2 semaphore(%arg29 : memref<!tpu.dma_semaphore, #tpu.memory_space<semaphore_mem>>) src(%arg13 : memref<128x64xf32, #tpu.memory_space<vmem>>) dst(%dma_wait3A_153 : memref<128x64xf32, #tpu.memory_space<vmem_shared>>)
    %dma_wait3A_154 = arith.constant 0 : i32
    %dma_wait3A_155 = arith.constant 0 : i32
    %dma_wait3A_156 = tpu.memref_slice %arg34[%dma_wait3A_154, %dma_wait3A_155] : memref<10112x64xf32, #tpu.memory_space<vmem_shared>> -> memref<128x64xf32, #tpu.memory_space<vmem_shared>>
    %dma_wait3A_157 = arith.constant 0 : i32
    %dma_wait3A_158 = arith.constant 0 : i32
    %dma_wait3A_159 = tpu.memref_slice %arg34[%dma_wait3A_157, %dma_wait3A_158] : memref<10112x64xf32, #tpu.memory_space<vmem_shared>> -> memref<128x64xf32, #tpu.memory_space<vmem_shared>>
    tpu.wait_dma2 semaphore(%arg30 : memref<!tpu.dma_semaphore, #tpu.memory_space<semaphore_mem>>) src(%arg14 : memref<128x64xf32, #tpu.memory_space<vmem>>) dst(%dma_wait3A_159 : memref<128x64xf32, #tpu.memory_space<vmem_shared>>)
    %dma_wait3A_160 = arith.constant 0 : i32
    %dma_wait3A_161 = arith.constant 0 : i32
    %dma_wait3A_162 = tpu.memref_slice %arg34[%dma_wait3A_160, %dma_wait3A_161] : memref<10112x64xf32, #tpu.memory_space<vmem_shared>> -> memref<128x64xf32, #tpu.memory_space<vmem_shared>>
    %dma_wait3A_163 = arith.constant 0 : i32
    %dma_wait3A_164 = arith.constant 0 : i32
    %dma_wait3A_165 = tpu.memref_slice %arg34[%dma_wait3A_163, %dma_wait3A_164] : memref<10112x64xf32, #tpu.memory_space<vmem_shared>> -> memref<128x64xf32, #tpu.memory_space<vmem_shared>>
    tpu.wait_dma2 semaphore(%arg31 : memref<!tpu.dma_semaphore, #tpu.memory_space<semaphore_mem>>) src(%arg15 : memref<128x64xf32, #tpu.memory_space<vmem>>) dst(%dma_wait3A_165 : memref<128x64xf32, #tpu.memory_space<vmem_shared>>)
    %dma_wait3A_166 = arith.constant 0 : i32
    %dma_wait3A_167 = arith.constant 0 : i32
    %dma_wait3A_168 = tpu.memref_slice %arg34[%dma_wait3A_166, %dma_wait3A_167] : memref<10112x64xf32, #tpu.memory_space<vmem_shared>> -> memref<128x64xf32, #tpu.memory_space<vmem_shared>>
    %dma_wait3A_169 = arith.constant 0 : i32
    %dma_wait3A_170 = arith.constant 0 : i32
    %dma_wait3A_171 = tpu.memref_slice %arg34[%dma_wait3A_169, %dma_wait3A_170] : memref<10112x64xf32, #tpu.memory_space<vmem_shared>> -> memref<128x64xf32, #tpu.memory_space<vmem_shared>>
    tpu.wait_dma2 semaphore(%arg32 : memref<!tpu.dma_semaphore, #tpu.memory_space<semaphore_mem>>) src(%arg16 : memref<128x64xf32, #tpu.memory_space<vmem>>) dst(%dma_wait3A_171 : memref<128x64xf32, #tpu.memory_space<vmem_shared>>)
    %dma_wait3A_172 = arith.constant 0 : i32
    %dma_wait3A_173 = arith.constant 0 : i32
    %dma_wait3A_174 = tpu.memref_slice %arg34[%dma_wait3A_172, %dma_wait3A_173] : memref<10112x64xf32, #tpu.memory_space<vmem_shared>> -> memref<128x64xf32, #tpu.memory_space<vmem_shared>>
    %dma_wait3A_175 = arith.constant 0 : i32
    %dma_wait3A_176 = arith.constant 0 : i32
    %dma_wait3A_177 = tpu.memref_slice %arg34[%dma_wait3A_175, %dma_wait3A_176] : memref<10112x64xf32, #tpu.memory_space<vmem_shared>> -> memref<128x64xf32, #tpu.memory_space<vmem_shared>>
    tpu.wait_dma2 semaphore(%arg33 : memref<!tpu.dma_semaphore, #tpu.memory_space<semaphore_mem>>) src(%arg17 : memref<128x64xf32, #tpu.memory_space<vmem>>) dst(%dma_wait3A_177 : memref<128x64xf32, #tpu.memory_space<vmem_shared>>)
    %barrier3A_178 = arith.constant 0 : index
    tpu.barrier barrier_id(%barrier3A_178)
    %mul3A_179 = arith.constant 632 : i32
    %mul3A_180 = arith.muli %arg1, %mul3A_179 : i32
    %mul3A_181 = arith.constant 632 : i32
    %mul3A_182 = arith.muli %arg1, %mul3A_181 : i32
    %run_scoped3A_183 = arith.constant 1 : i32
    "tpu.region"() ({
      %run_scoped3A_184 = tpu.sem_alloc : memref<!tpu.dma_semaphore, #tpu.memory_space<semaphore_mem>>
      %dma_start3A_185 = arith.constant 0 : i32
      %dma_start3A_186 = tpu.memref_slice %arg7[%run_scoped3A_183, %arg0, %mul3A_182, %dma_start3A_185] : memref<2x2x10112x64xf32, #tpu.memory_space<hbm>> -> memref<1x1x632x64xf32, #tpu.memory_space<hbm>>
      %dma_start3A_187 = tpu.memref_squeeze %dma_start3A_186 : memref<1x1x632x64xf32, #tpu.memory_space<hbm>> -> memref<632x64xf32, #tpu.memory_space<hbm>>
      %dma_start3A_188 = arith.constant 0 : i32
      %dma_start3A_189 = tpu.memref_slice %arg34[%mul3A_180, %dma_start3A_188] : memref<10112x64xf32, #tpu.memory_space<vmem_shared>> -> memref<632x64xf32, #tpu.memory_space<vmem_shared>>
      tpu.enqueue_dma source(%dma_start3A_189 : memref<632x64xf32, #tpu.memory_space<vmem_shared>>) target(%dma_start3A_187 : memref<632x64xf32, #tpu.memory_space<hbm>>) target_semaphore(%run_scoped3A_184 : memref<!tpu.dma_semaphore, #tpu.memory_space<semaphore_mem>>)
      %dma_wait3A_190 = arith.constant 0 : i32
      %dma_wait3A_191 = tpu.memref_slice %arg7[%run_scoped3A_183, %arg0, %mul3A_182, %dma_wait3A_190] : memref<2x2x10112x64xf32, #tpu.memory_space<hbm>> -> memref<1x1x632x64xf32, #tpu.memory_space<hbm>>
      %dma_wait3A_192 = tpu.memref_squeeze %dma_wait3A_191 : memref<1x1x632x64xf32, #tpu.memory_space<hbm>> -> memref<632x64xf32, #tpu.memory_space<hbm>>
      %dma_wait3A_193 = arith.constant 0 : i32
      %dma_wait3A_194 = tpu.memref_slice %arg34[%mul3A_180, %dma_wait3A_193] : memref<10112x64xf32, #tpu.memory_space<vmem_shared>> -> memref<632x64xf32, #tpu.memory_space<vmem_shared>>
      tpu.wait_dma2 semaphore(%run_scoped3A_184 : memref<!tpu.dma_semaphore, #tpu.memory_space<semaphore_mem>>) src(%dma_wait3A_194 : memref<632x64xf32, #tpu.memory_space<vmem_shared>>) dst(%dma_wait3A_192 : memref<632x64xf32, #tpu.memory_space<hbm>>)
      tpu.yield
    }) : () -> ()
    return
  }
}

#map = affine_map<(d0, d1) -> (0, 0)>
#map1 = affine_map<(d0, d1) -> (0, 0, 0, 0)>
module attributes {stable_mosaic.version = 14 : i64} {
  func.func @agg_kernel(%arg0: i32, %arg1: i32, %arg2: memref<12048x64xf32, #tpu.memory_space<hbm>>, %arg3: memref<2560x128xi32, #tpu.memory_space<hbm>>, %arg4: memref<2560x128xi32, #tpu.memory_space<hbm>>, %arg5: memref<632x64xf32, #tpu.memory_space<hbm>>, %arg6: memref<1x2x10112x64xf32, #tpu.memory_space<hbm>>, %arg7: memref<80x128xi32, #tpu.memory_space<vmem>>, %arg8: memref<80x128xi32, #tpu.memory_space<vmem>>, %arg9: memref<128x64xf32, #tpu.memory_space<vmem>>, %arg10: memref<128x64xf32, #tpu.memory_space<vmem>>, %arg11: memref<128x64xf32, #tpu.memory_space<vmem>>, %arg12: memref<128x64xf32, #tpu.memory_space<vmem>>, %arg13: memref<128x64xf32, #tpu.memory_space<vmem>>, %arg14: memref<128x64xf32, #tpu.memory_space<vmem>>, %arg15: memref<128x64xf32, #tpu.memory_space<vmem>>, %arg16: memref<128x64xf32, #tpu.memory_space<vmem>>, %arg17: memref<!tpu.dma_semaphore, #tpu.memory_space<semaphore_mem>>, %arg18: memref<!tpu.dma_semaphore, #tpu.memory_space<semaphore_mem>>, %arg19: memref<!tpu.dma_semaphore, #tpu.memory_space<semaphore_mem>>, %arg20: memref<!tpu.dma_semaphore, #tpu.memory_space<semaphore_mem>>, %arg21: memref<!tpu.dma_semaphore, #tpu.memory_space<semaphore_mem>>, %arg22: memref<!tpu.dma_semaphore, #tpu.memory_space<semaphore_mem>>, %arg23: memref<!tpu.dma_semaphore, #tpu.memory_space<semaphore_mem>>, %arg24: memref<!tpu.dma_semaphore, #tpu.memory_space<semaphore_mem>>, %arg25: memref<!tpu.dma_semaphore, #tpu.memory_space<semaphore_mem>>, %arg26: memref<!tpu.dma_semaphore, #tpu.memory_space<semaphore_mem>>, %arg27: memref<!tpu.dma_semaphore, #tpu.memory_space<semaphore_mem>>, %arg28: memref<!tpu.dma_semaphore, #tpu.memory_space<semaphore_mem>>, %arg29: memref<!tpu.dma_semaphore, #tpu.memory_space<semaphore_mem>>, %arg30: memref<!tpu.dma_semaphore, #tpu.memory_space<semaphore_mem>>, %arg31: memref<!tpu.dma_semaphore, #tpu.memory_space<semaphore_mem>>, %arg32: memref<!tpu.dma_semaphore, #tpu.memory_space<semaphore_mem>>, %arg33: memref<10112x64xf32, #tpu.memory_space<vmem_shared>>) attributes {dimension_semantics = [#tpu.dimension_semantics<core_parallel>, #tpu.dimension_semantics<subcore_parallel>], iteration_bounds = array<i64: 2, 16>, scalar_prefetch = 0 : i64, scratch_operands = 27 : i64, tpu.core_type = #tpu.core_type<sc_vector_subcore>, window_params = [{transform_indices = #map}, {transform_indices = #map}, {transform_indices = #map}, {transform_indices = #map}, {transform_indices = #map1}]} {
    %mul3A = arith.constant 16 : i32
    %mul3A_0 = arith.muli %arg0, %mul3A : i32
    %add3A = arith.addi %mul3A_0, %arg1 : i32
    %mul3A_1 = arith.constant 80 : i32
    %mul3A_2 = arith.muli %add3A, %mul3A_1 : i32
    %mul3A_3 = arith.constant 632 : i32
    %mul3A_4 = arith.muli %arg1, %mul3A_3 : i32
    "tpu.region"() ({
      %run_scoped3A_91 = tpu.sem_alloc : memref<!tpu.dma_semaphore, #tpu.memory_space<semaphore_mem>>
      %dma_start3A_92 = arith.constant 0 : i32
      %dma_start3A_93 = tpu.memref_slice %arg33[%mul3A_4, %dma_start3A_92] : memref<10112x64xf32, #tpu.memory_space<vmem_shared>> -> memref<632x64xf32, #tpu.memory_space<vmem_shared>>
      tpu.enqueue_dma source(%arg5 : memref<632x64xf32, #tpu.memory_space<hbm>>) target(%dma_start3A_93 : memref<632x64xf32, #tpu.memory_space<vmem_shared>>) target_semaphore(%run_scoped3A_91 : memref<!tpu.dma_semaphore, #tpu.memory_space<semaphore_mem>>)
      %dma_wait3A_94 = arith.constant 0 : i32
      %dma_wait3A_95 = tpu.memref_slice %arg33[%mul3A_4, %dma_wait3A_94] : memref<10112x64xf32, #tpu.memory_space<vmem_shared>> -> memref<632x64xf32, #tpu.memory_space<vmem_shared>>
      tpu.wait_dma2 semaphore(%run_scoped3A_91 : memref<!tpu.dma_semaphore, #tpu.memory_space<semaphore_mem>>) src(%arg5 : memref<632x64xf32, #tpu.memory_space<hbm>>) dst(%dma_wait3A_95 : memref<632x64xf32, #tpu.memory_space<vmem_shared>>)
      tpu.yield
    }) : () -> ()
    %barrier3A = arith.constant 0 : index
    tpu.barrier barrier_id(%barrier3A)
    %add3A_5 = arith.constant 0 : i32
    %add3A_6 = arith.addi %mul3A_2, %add3A_5 : i32
    "tpu.region"() ({
      %run_scoped3A_91 = tpu.sem_alloc : memref<!tpu.dma_semaphore, #tpu.memory_space<semaphore_mem>>
      %dma_start3A_92 = arith.constant 0 : i32
      %dma_start3A_93 = tpu.memref_slice %arg3[%add3A_6, %dma_start3A_92] : memref<2560x128xi32, #tpu.memory_space<hbm>> -> memref<80x128xi32, #tpu.memory_space<hbm>>
      %dma_start3A_94 = arith.constant 0 : i32
      %dma_start3A_95 = tpu.memref_slice %arg3[%add3A_6, %dma_start3A_94] : memref<2560x128xi32, #tpu.memory_space<hbm>> -> memref<80x128xi32, #tpu.memory_space<hbm>>
      tpu.enqueue_dma source(%dma_start3A_95 : memref<80x128xi32, #tpu.memory_space<hbm>>) target(%arg7 : memref<80x128xi32, #tpu.memory_space<vmem>>) target_semaphore(%run_scoped3A_91 : memref<!tpu.dma_semaphore, #tpu.memory_space<semaphore_mem>>)
      %dma_wait3A_96 = arith.constant 0 : i32
      %dma_wait3A_97 = tpu.memref_slice %arg3[%add3A_6, %dma_wait3A_96] : memref<2560x128xi32, #tpu.memory_space<hbm>> -> memref<80x128xi32, #tpu.memory_space<hbm>>
      %dma_wait3A_98 = arith.constant 0 : i32
      %dma_wait3A_99 = tpu.memref_slice %arg3[%add3A_6, %dma_wait3A_98] : memref<2560x128xi32, #tpu.memory_space<hbm>> -> memref<80x128xi32, #tpu.memory_space<hbm>>
      tpu.wait_dma2 semaphore(%run_scoped3A_91 : memref<!tpu.dma_semaphore, #tpu.memory_space<semaphore_mem>>) src(%dma_wait3A_99 : memref<80x128xi32, #tpu.memory_space<hbm>>) dst(%arg7 : memref<80x128xi32, #tpu.memory_space<vmem>>)
      tpu.yield
    }) : () -> ()
    "tpu.region"() ({
      %run_scoped3A_91 = tpu.sem_alloc : memref<!tpu.dma_semaphore, #tpu.memory_space<semaphore_mem>>
      %dma_start3A_92 = arith.constant 0 : i32
      %dma_start3A_93 = tpu.memref_slice %arg4[%add3A_6, %dma_start3A_92] : memref<2560x128xi32, #tpu.memory_space<hbm>> -> memref<80x128xi32, #tpu.memory_space<hbm>>
      %dma_start3A_94 = arith.constant 0 : i32
      %dma_start3A_95 = tpu.memref_slice %arg4[%add3A_6, %dma_start3A_94] : memref<2560x128xi32, #tpu.memory_space<hbm>> -> memref<80x128xi32, #tpu.memory_space<hbm>>
      tpu.enqueue_dma source(%dma_start3A_95 : memref<80x128xi32, #tpu.memory_space<hbm>>) target(%arg8 : memref<80x128xi32, #tpu.memory_space<vmem>>) target_semaphore(%run_scoped3A_91 : memref<!tpu.dma_semaphore, #tpu.memory_space<semaphore_mem>>)
      %dma_wait3A_96 = arith.constant 0 : i32
      %dma_wait3A_97 = tpu.memref_slice %arg4[%add3A_6, %dma_wait3A_96] : memref<2560x128xi32, #tpu.memory_space<hbm>> -> memref<80x128xi32, #tpu.memory_space<hbm>>
      %dma_wait3A_98 = arith.constant 0 : i32
      %dma_wait3A_99 = tpu.memref_slice %arg4[%add3A_6, %dma_wait3A_98] : memref<2560x128xi32, #tpu.memory_space<hbm>> -> memref<80x128xi32, #tpu.memory_space<hbm>>
      tpu.wait_dma2 semaphore(%run_scoped3A_91 : memref<!tpu.dma_semaphore, #tpu.memory_space<semaphore_mem>>) src(%dma_wait3A_99 : memref<80x128xi32, #tpu.memory_space<hbm>>) dst(%arg8 : memref<80x128xi32, #tpu.memory_space<vmem>>)
      tpu.yield
    }) : () -> ()
    %dma_start3A = arith.constant 0 : i32
    %dma_start3A_7 = arith.constant 0 : i32
    %dma_start3A_8 = tpu.memref_slice %arg7[%dma_start3A, %dma_start3A_7] : memref<80x128xi32, #tpu.memory_space<vmem>> -> memref<1x128xi32, #tpu.memory_space<vmem>>
    %dma_start3A_9 = tpu.memref_squeeze %dma_start3A_8 : memref<1x128xi32, #tpu.memory_space<vmem>> -> memref<128xi32, #tpu.memory_space<vmem>>
    %dma_start3A_10 = arith.constant 0 : i32
    %dma_start3A_11 = arith.constant 0 : i32
    %dma_start3A_12 = tpu.memref_slice %arg2[%dma_start3A_10, %dma_start3A_11] : memref<12048x64xf32, #tpu.memory_space<hbm>> -> memref<12048x64xf32, #tpu.memory_space<hbm>>
    tpu.enqueue_indirect_dma source(%dma_start3A_12 : memref<12048x64xf32, #tpu.memory_space<hbm>>) target(%arg9 : memref<128x64xf32, #tpu.memory_space<vmem>>) offsets(%dma_start3A_9 : memref<128xi32, #tpu.memory_space<vmem>>) semaphore(%arg17 : memref<!tpu.dma_semaphore, #tpu.memory_space<semaphore_mem>>)
    %dma_start3A_13 = arith.constant 1 : i32
    %dma_start3A_14 = arith.constant 0 : i32
    %dma_start3A_15 = tpu.memref_slice %arg7[%dma_start3A_13, %dma_start3A_14] : memref<80x128xi32, #tpu.memory_space<vmem>> -> memref<1x128xi32, #tpu.memory_space<vmem>>
    %dma_start3A_16 = tpu.memref_squeeze %dma_start3A_15 : memref<1x128xi32, #tpu.memory_space<vmem>> -> memref<128xi32, #tpu.memory_space<vmem>>
    %dma_start3A_17 = arith.constant 0 : i32
    %dma_start3A_18 = arith.constant 0 : i32
    %dma_start3A_19 = tpu.memref_slice %arg2[%dma_start3A_17, %dma_start3A_18] : memref<12048x64xf32, #tpu.memory_space<hbm>> -> memref<12048x64xf32, #tpu.memory_space<hbm>>
    tpu.enqueue_indirect_dma source(%dma_start3A_19 : memref<12048x64xf32, #tpu.memory_space<hbm>>) target(%arg10 : memref<128x64xf32, #tpu.memory_space<vmem>>) offsets(%dma_start3A_16 : memref<128xi32, #tpu.memory_space<vmem>>) semaphore(%arg18 : memref<!tpu.dma_semaphore, #tpu.memory_space<semaphore_mem>>)
    %dma_start3A_20 = arith.constant 2 : i32
    %dma_start3A_21 = arith.constant 0 : i32
    %dma_start3A_22 = tpu.memref_slice %arg7[%dma_start3A_20, %dma_start3A_21] : memref<80x128xi32, #tpu.memory_space<vmem>> -> memref<1x128xi32, #tpu.memory_space<vmem>>
    %dma_start3A_23 = tpu.memref_squeeze %dma_start3A_22 : memref<1x128xi32, #tpu.memory_space<vmem>> -> memref<128xi32, #tpu.memory_space<vmem>>
    %dma_start3A_24 = arith.constant 0 : i32
    %dma_start3A_25 = arith.constant 0 : i32
    %dma_start3A_26 = tpu.memref_slice %arg2[%dma_start3A_24, %dma_start3A_25] : memref<12048x64xf32, #tpu.memory_space<hbm>> -> memref<12048x64xf32, #tpu.memory_space<hbm>>
    tpu.enqueue_indirect_dma source(%dma_start3A_26 : memref<12048x64xf32, #tpu.memory_space<hbm>>) target(%arg11 : memref<128x64xf32, #tpu.memory_space<vmem>>) offsets(%dma_start3A_23 : memref<128xi32, #tpu.memory_space<vmem>>) semaphore(%arg19 : memref<!tpu.dma_semaphore, #tpu.memory_space<semaphore_mem>>)
    %dma_start3A_27 = arith.constant 3 : i32
    %dma_start3A_28 = arith.constant 0 : i32
    %dma_start3A_29 = tpu.memref_slice %arg7[%dma_start3A_27, %dma_start3A_28] : memref<80x128xi32, #tpu.memory_space<vmem>> -> memref<1x128xi32, #tpu.memory_space<vmem>>
    %dma_start3A_30 = tpu.memref_squeeze %dma_start3A_29 : memref<1x128xi32, #tpu.memory_space<vmem>> -> memref<128xi32, #tpu.memory_space<vmem>>
    %dma_start3A_31 = arith.constant 0 : i32
    %dma_start3A_32 = arith.constant 0 : i32
    %dma_start3A_33 = tpu.memref_slice %arg2[%dma_start3A_31, %dma_start3A_32] : memref<12048x64xf32, #tpu.memory_space<hbm>> -> memref<12048x64xf32, #tpu.memory_space<hbm>>
    tpu.enqueue_indirect_dma source(%dma_start3A_33 : memref<12048x64xf32, #tpu.memory_space<hbm>>) target(%arg12 : memref<128x64xf32, #tpu.memory_space<vmem>>) offsets(%dma_start3A_30 : memref<128xi32, #tpu.memory_space<vmem>>) semaphore(%arg20 : memref<!tpu.dma_semaphore, #tpu.memory_space<semaphore_mem>>)
    %scan3A = arith.constant 0 : i32
    %scan3A_34 = arith.constant 0 : i32
    %scan3A_35 = arith.constant 10 : i32
    %scan3A_36 = arith.addi %scan3A_34, %scan3A_35 : i32
    %scan3A_37 = arith.constant 1 : i32
    scf.for %scan3A_91 = %scan3A_34 to %scan3A_36 step %scan3A_37  : i32 {
      %mul3A_92 = arith.constant 8 : i32
      %mul3A_93 = arith.muli %scan3A_91, %mul3A_92 : i32
      %add3A_94 = arith.constant 0 : i32
      %add3A_95 = arith.addi %mul3A_93, %add3A_94 : i32
      %dma_wait3A_96 = arith.constant 0 : i32
      %dma_wait3A_97 = arith.constant 0 : i32
      %dma_wait3A_98 = tpu.memref_slice %arg2[%dma_wait3A_96, %dma_wait3A_97] : memref<12048x64xf32, #tpu.memory_space<hbm>> -> memref<128x64xf32, #tpu.memory_space<hbm>>
      %dma_wait3A_99 = arith.constant 0 : i32
      %dma_wait3A_100 = arith.constant 0 : i32
      %dma_wait3A_101 = tpu.memref_slice %arg2[%dma_wait3A_99, %dma_wait3A_100] : memref<12048x64xf32, #tpu.memory_space<hbm>> -> memref<128x64xf32, #tpu.memory_space<hbm>>
      tpu.wait_dma2 semaphore(%arg17 : memref<!tpu.dma_semaphore, #tpu.memory_space<semaphore_mem>>) src(%dma_wait3A_101 : memref<128x64xf32, #tpu.memory_space<hbm>>) dst(%arg9 : memref<128x64xf32, #tpu.memory_space<vmem>>)
      %dma_start3A_102 = arith.constant 0 : i32
      %dma_start3A_103 = tpu.memref_slice %arg8[%add3A_95, %dma_start3A_102] : memref<80x128xi32, #tpu.memory_space<vmem>> -> memref<1x128xi32, #tpu.memory_space<vmem>>
      %dma_start3A_104 = tpu.memref_squeeze %dma_start3A_103 : memref<1x128xi32, #tpu.memory_space<vmem>> -> memref<128xi32, #tpu.memory_space<vmem>>
      %dma_start3A_105 = arith.constant 0 : i32
      %dma_start3A_106 = arith.constant 0 : i32
      %dma_start3A_107 = tpu.memref_slice %arg33[%dma_start3A_105, %dma_start3A_106] : memref<10112x64xf32, #tpu.memory_space<vmem_shared>> -> memref<10112x64xf32, #tpu.memory_space<vmem_shared>>
      tpu.enqueue_indirect_dma source(%arg9 : memref<128x64xf32, #tpu.memory_space<vmem>>) target(%dma_start3A_107 : memref<10112x64xf32, #tpu.memory_space<vmem_shared>>) offsets(%dma_start3A_104 : memref<128xi32, #tpu.memory_space<vmem>>) semaphore(%arg25 : memref<!tpu.dma_semaphore, #tpu.memory_space<semaphore_mem>>) {add = true}
      %ge3A = arith.constant 4 : i32
      %ge3A_108 = arith.cmpi sge, %add3A_95, %ge3A : i32
      %add3A_109 = arith.constant 4 : i32
      %add3A_110 = arith.addi %add3A_95, %add3A_109 : i32
      %lt3A = arith.constant 80 : i32
      %lt3A_111 = arith.cmpi slt, %add3A_110, %lt3A : i32
      %and3A = arith.andi %ge3A_108, %lt3A_111 : i1
      %convert_element_type3A = arith.extui %and3A : i1 to i32
      %cond3A = arith.constant 0 : i32
      %cond3A_112 = arith.cmpi ne, %convert_element_type3A, %cond3A : i32
      scf.if %cond3A_112 {
        %dma_wait3A_351 = arith.constant 0 : i32
        %dma_wait3A_352 = arith.constant 0 : i32
        %dma_wait3A_353 = tpu.memref_slice %arg33[%dma_wait3A_351, %dma_wait3A_352] : memref<10112x64xf32, #tpu.memory_space<vmem_shared>> -> memref<128x64xf32, #tpu.memory_space<vmem_shared>>
        %dma_wait3A_354 = arith.constant 0 : i32
        %dma_wait3A_355 = arith.constant 0 : i32
        %dma_wait3A_356 = tpu.memref_slice %arg33[%dma_wait3A_354, %dma_wait3A_355] : memref<10112x64xf32, #tpu.memory_space<vmem_shared>> -> memref<128x64xf32, #tpu.memory_space<vmem_shared>>
        tpu.wait_dma2 semaphore(%arg29 : memref<!tpu.dma_semaphore, #tpu.memory_space<semaphore_mem>>) src(%arg13 : memref<128x64xf32, #tpu.memory_space<vmem>>) dst(%dma_wait3A_356 : memref<128x64xf32, #tpu.memory_space<vmem_shared>>)
      } else {
      }
      %add3A_113 = arith.constant 4 : i32
      %add3A_114 = arith.addi %add3A_95, %add3A_113 : i32
      %lt3A_115 = arith.constant 80 : i32
      %lt3A_116 = arith.cmpi slt, %add3A_114, %lt3A_115 : i32
      %convert_element_type3A_117 = arith.extui %lt3A_116 : i1 to i32
      %cond3A_118 = arith.constant 0 : i32
      %cond3A_119 = arith.cmpi ne, %convert_element_type3A_117, %cond3A_118 : i32
      scf.if %cond3A_119 {
        %add3A_351 = arith.constant 4 : i32
        %add3A_352 = arith.addi %add3A_95, %add3A_351 : i32
        %dma_start3A_353 = arith.constant 0 : i32
        %dma_start3A_354 = tpu.memref_slice %arg7[%add3A_352, %dma_start3A_353] : memref<80x128xi32, #tpu.memory_space<vmem>> -> memref<1x128xi32, #tpu.memory_space<vmem>>
        %dma_start3A_355 = tpu.memref_squeeze %dma_start3A_354 : memref<1x128xi32, #tpu.memory_space<vmem>> -> memref<128xi32, #tpu.memory_space<vmem>>
        %dma_start3A_356 = arith.constant 0 : i32
        %dma_start3A_357 = arith.constant 0 : i32
        %dma_start3A_358 = tpu.memref_slice %arg2[%dma_start3A_356, %dma_start3A_357] : memref<12048x64xf32, #tpu.memory_space<hbm>> -> memref<12048x64xf32, #tpu.memory_space<hbm>>
        tpu.enqueue_indirect_dma source(%dma_start3A_358 : memref<12048x64xf32, #tpu.memory_space<hbm>>) target(%arg13 : memref<128x64xf32, #tpu.memory_space<vmem>>) offsets(%dma_start3A_355 : memref<128xi32, #tpu.memory_space<vmem>>) semaphore(%arg21 : memref<!tpu.dma_semaphore, #tpu.memory_space<semaphore_mem>>)
      } else {
      }
      %mul3A_120 = arith.constant 8 : i32
      %mul3A_121 = arith.muli %scan3A_91, %mul3A_120 : i32
      %add3A_122 = arith.constant 1 : i32
      %add3A_123 = arith.addi %mul3A_121, %add3A_122 : i32
      %dma_wait3A_124 = arith.constant 0 : i32
      %dma_wait3A_125 = arith.constant 0 : i32
      %dma_wait3A_126 = tpu.memref_slice %arg2[%dma_wait3A_124, %dma_wait3A_125] : memref<12048x64xf32, #tpu.memory_space<hbm>> -> memref<128x64xf32, #tpu.memory_space<hbm>>
      %dma_wait3A_127 = arith.constant 0 : i32
      %dma_wait3A_128 = arith.constant 0 : i32
      %dma_wait3A_129 = tpu.memref_slice %arg2[%dma_wait3A_127, %dma_wait3A_128] : memref<12048x64xf32, #tpu.memory_space<hbm>> -> memref<128x64xf32, #tpu.memory_space<hbm>>
      tpu.wait_dma2 semaphore(%arg18 : memref<!tpu.dma_semaphore, #tpu.memory_space<semaphore_mem>>) src(%dma_wait3A_129 : memref<128x64xf32, #tpu.memory_space<hbm>>) dst(%arg10 : memref<128x64xf32, #tpu.memory_space<vmem>>)
      %dma_start3A_130 = arith.constant 0 : i32
      %dma_start3A_131 = tpu.memref_slice %arg8[%add3A_123, %dma_start3A_130] : memref<80x128xi32, #tpu.memory_space<vmem>> -> memref<1x128xi32, #tpu.memory_space<vmem>>
      %dma_start3A_132 = tpu.memref_squeeze %dma_start3A_131 : memref<1x128xi32, #tpu.memory_space<vmem>> -> memref<128xi32, #tpu.memory_space<vmem>>
      %dma_start3A_133 = arith.constant 0 : i32
      %dma_start3A_134 = arith.constant 0 : i32
      %dma_start3A_135 = tpu.memref_slice %arg33[%dma_start3A_133, %dma_start3A_134] : memref<10112x64xf32, #tpu.memory_space<vmem_shared>> -> memref<10112x64xf32, #tpu.memory_space<vmem_shared>>
      tpu.enqueue_indirect_dma source(%arg10 : memref<128x64xf32, #tpu.memory_space<vmem>>) target(%dma_start3A_135 : memref<10112x64xf32, #tpu.memory_space<vmem_shared>>) offsets(%dma_start3A_132 : memref<128xi32, #tpu.memory_space<vmem>>) semaphore(%arg26 : memref<!tpu.dma_semaphore, #tpu.memory_space<semaphore_mem>>) {add = true}
      %ge3A_136 = arith.constant 4 : i32
      %ge3A_137 = arith.cmpi sge, %add3A_123, %ge3A_136 : i32
      %add3A_138 = arith.constant 4 : i32
      %add3A_139 = arith.addi %add3A_123, %add3A_138 : i32
      %lt3A_140 = arith.constant 80 : i32
      %lt3A_141 = arith.cmpi slt, %add3A_139, %lt3A_140 : i32
      %and3A_142 = arith.andi %ge3A_137, %lt3A_141 : i1
      %convert_element_type3A_143 = arith.extui %and3A_142 : i1 to i32
      %cond3A_144 = arith.constant 0 : i32
      %cond3A_145 = arith.cmpi ne, %convert_element_type3A_143, %cond3A_144 : i32
      scf.if %cond3A_145 {
        %dma_wait3A_351 = arith.constant 0 : i32
        %dma_wait3A_352 = arith.constant 0 : i32
        %dma_wait3A_353 = tpu.memref_slice %arg33[%dma_wait3A_351, %dma_wait3A_352] : memref<10112x64xf32, #tpu.memory_space<vmem_shared>> -> memref<128x64xf32, #tpu.memory_space<vmem_shared>>
        %dma_wait3A_354 = arith.constant 0 : i32
        %dma_wait3A_355 = arith.constant 0 : i32
        %dma_wait3A_356 = tpu.memref_slice %arg33[%dma_wait3A_354, %dma_wait3A_355] : memref<10112x64xf32, #tpu.memory_space<vmem_shared>> -> memref<128x64xf32, #tpu.memory_space<vmem_shared>>
        tpu.wait_dma2 semaphore(%arg30 : memref<!tpu.dma_semaphore, #tpu.memory_space<semaphore_mem>>) src(%arg14 : memref<128x64xf32, #tpu.memory_space<vmem>>) dst(%dma_wait3A_356 : memref<128x64xf32, #tpu.memory_space<vmem_shared>>)
      } else {
      }
      %add3A_146 = arith.constant 4 : i32
      %add3A_147 = arith.addi %add3A_123, %add3A_146 : i32
      %lt3A_148 = arith.constant 80 : i32
      %lt3A_149 = arith.cmpi slt, %add3A_147, %lt3A_148 : i32
      %convert_element_type3A_150 = arith.extui %lt3A_149 : i1 to i32
      %cond3A_151 = arith.constant 0 : i32
      %cond3A_152 = arith.cmpi ne, %convert_element_type3A_150, %cond3A_151 : i32
      scf.if %cond3A_152 {
        %add3A_351 = arith.constant 4 : i32
        %add3A_352 = arith.addi %add3A_123, %add3A_351 : i32
        %dma_start3A_353 = arith.constant 0 : i32
        %dma_start3A_354 = tpu.memref_slice %arg7[%add3A_352, %dma_start3A_353] : memref<80x128xi32, #tpu.memory_space<vmem>> -> memref<1x128xi32, #tpu.memory_space<vmem>>
        %dma_start3A_355 = tpu.memref_squeeze %dma_start3A_354 : memref<1x128xi32, #tpu.memory_space<vmem>> -> memref<128xi32, #tpu.memory_space<vmem>>
        %dma_start3A_356 = arith.constant 0 : i32
        %dma_start3A_357 = arith.constant 0 : i32
        %dma_start3A_358 = tpu.memref_slice %arg2[%dma_start3A_356, %dma_start3A_357] : memref<12048x64xf32, #tpu.memory_space<hbm>> -> memref<12048x64xf32, #tpu.memory_space<hbm>>
        tpu.enqueue_indirect_dma source(%dma_start3A_358 : memref<12048x64xf32, #tpu.memory_space<hbm>>) target(%arg14 : memref<128x64xf32, #tpu.memory_space<vmem>>) offsets(%dma_start3A_355 : memref<128xi32, #tpu.memory_space<vmem>>) semaphore(%arg22 : memref<!tpu.dma_semaphore, #tpu.memory_space<semaphore_mem>>)
      } else {
      }
      %mul3A_153 = arith.constant 8 : i32
      %mul3A_154 = arith.muli %scan3A_91, %mul3A_153 : i32
      %add3A_155 = arith.constant 2 : i32
      %add3A_156 = arith.addi %mul3A_154, %add3A_155 : i32
      %dma_wait3A_157 = arith.constant 0 : i32
      %dma_wait3A_158 = arith.constant 0 : i32
      %dma_wait3A_159 = tpu.memref_slice %arg2[%dma_wait3A_157, %dma_wait3A_158] : memref<12048x64xf32, #tpu.memory_space<hbm>> -> memref<128x64xf32, #tpu.memory_space<hbm>>
      %dma_wait3A_160 = arith.constant 0 : i32
      %dma_wait3A_161 = arith.constant 0 : i32
      %dma_wait3A_162 = tpu.memref_slice %arg2[%dma_wait3A_160, %dma_wait3A_161] : memref<12048x64xf32, #tpu.memory_space<hbm>> -> memref<128x64xf32, #tpu.memory_space<hbm>>
      tpu.wait_dma2 semaphore(%arg19 : memref<!tpu.dma_semaphore, #tpu.memory_space<semaphore_mem>>) src(%dma_wait3A_162 : memref<128x64xf32, #tpu.memory_space<hbm>>) dst(%arg11 : memref<128x64xf32, #tpu.memory_space<vmem>>)
      %dma_start3A_163 = arith.constant 0 : i32
      %dma_start3A_164 = tpu.memref_slice %arg8[%add3A_156, %dma_start3A_163] : memref<80x128xi32, #tpu.memory_space<vmem>> -> memref<1x128xi32, #tpu.memory_space<vmem>>
      %dma_start3A_165 = tpu.memref_squeeze %dma_start3A_164 : memref<1x128xi32, #tpu.memory_space<vmem>> -> memref<128xi32, #tpu.memory_space<vmem>>
      %dma_start3A_166 = arith.constant 0 : i32
      %dma_start3A_167 = arith.constant 0 : i32
      %dma_start3A_168 = tpu.memref_slice %arg33[%dma_start3A_166, %dma_start3A_167] : memref<10112x64xf32, #tpu.memory_space<vmem_shared>> -> memref<10112x64xf32, #tpu.memory_space<vmem_shared>>
      tpu.enqueue_indirect_dma source(%arg11 : memref<128x64xf32, #tpu.memory_space<vmem>>) target(%dma_start3A_168 : memref<10112x64xf32, #tpu.memory_space<vmem_shared>>) offsets(%dma_start3A_165 : memref<128xi32, #tpu.memory_space<vmem>>) semaphore(%arg27 : memref<!tpu.dma_semaphore, #tpu.memory_space<semaphore_mem>>) {add = true}
      %ge3A_169 = arith.constant 4 : i32
      %ge3A_170 = arith.cmpi sge, %add3A_156, %ge3A_169 : i32
      %add3A_171 = arith.constant 4 : i32
      %add3A_172 = arith.addi %add3A_156, %add3A_171 : i32
      %lt3A_173 = arith.constant 80 : i32
      %lt3A_174 = arith.cmpi slt, %add3A_172, %lt3A_173 : i32
      %and3A_175 = arith.andi %ge3A_170, %lt3A_174 : i1
      %convert_element_type3A_176 = arith.extui %and3A_175 : i1 to i32
      %cond3A_177 = arith.constant 0 : i32
      %cond3A_178 = arith.cmpi ne, %convert_element_type3A_176, %cond3A_177 : i32
      scf.if %cond3A_178 {
        %dma_wait3A_351 = arith.constant 0 : i32
        %dma_wait3A_352 = arith.constant 0 : i32
        %dma_wait3A_353 = tpu.memref_slice %arg33[%dma_wait3A_351, %dma_wait3A_352] : memref<10112x64xf32, #tpu.memory_space<vmem_shared>> -> memref<128x64xf32, #tpu.memory_space<vmem_shared>>
        %dma_wait3A_354 = arith.constant 0 : i32
        %dma_wait3A_355 = arith.constant 0 : i32
        %dma_wait3A_356 = tpu.memref_slice %arg33[%dma_wait3A_354, %dma_wait3A_355] : memref<10112x64xf32, #tpu.memory_space<vmem_shared>> -> memref<128x64xf32, #tpu.memory_space<vmem_shared>>
        tpu.wait_dma2 semaphore(%arg31 : memref<!tpu.dma_semaphore, #tpu.memory_space<semaphore_mem>>) src(%arg15 : memref<128x64xf32, #tpu.memory_space<vmem>>) dst(%dma_wait3A_356 : memref<128x64xf32, #tpu.memory_space<vmem_shared>>)
      } else {
      }
      %add3A_179 = arith.constant 4 : i32
      %add3A_180 = arith.addi %add3A_156, %add3A_179 : i32
      %lt3A_181 = arith.constant 80 : i32
      %lt3A_182 = arith.cmpi slt, %add3A_180, %lt3A_181 : i32
      %convert_element_type3A_183 = arith.extui %lt3A_182 : i1 to i32
      %cond3A_184 = arith.constant 0 : i32
      %cond3A_185 = arith.cmpi ne, %convert_element_type3A_183, %cond3A_184 : i32
      scf.if %cond3A_185 {
        %add3A_351 = arith.constant 4 : i32
        %add3A_352 = arith.addi %add3A_156, %add3A_351 : i32
        %dma_start3A_353 = arith.constant 0 : i32
        %dma_start3A_354 = tpu.memref_slice %arg7[%add3A_352, %dma_start3A_353] : memref<80x128xi32, #tpu.memory_space<vmem>> -> memref<1x128xi32, #tpu.memory_space<vmem>>
        %dma_start3A_355 = tpu.memref_squeeze %dma_start3A_354 : memref<1x128xi32, #tpu.memory_space<vmem>> -> memref<128xi32, #tpu.memory_space<vmem>>
        %dma_start3A_356 = arith.constant 0 : i32
        %dma_start3A_357 = arith.constant 0 : i32
        %dma_start3A_358 = tpu.memref_slice %arg2[%dma_start3A_356, %dma_start3A_357] : memref<12048x64xf32, #tpu.memory_space<hbm>> -> memref<12048x64xf32, #tpu.memory_space<hbm>>
        tpu.enqueue_indirect_dma source(%dma_start3A_358 : memref<12048x64xf32, #tpu.memory_space<hbm>>) target(%arg15 : memref<128x64xf32, #tpu.memory_space<vmem>>) offsets(%dma_start3A_355 : memref<128xi32, #tpu.memory_space<vmem>>) semaphore(%arg23 : memref<!tpu.dma_semaphore, #tpu.memory_space<semaphore_mem>>)
      } else {
      }
      %mul3A_186 = arith.constant 8 : i32
      %mul3A_187 = arith.muli %scan3A_91, %mul3A_186 : i32
      %add3A_188 = arith.constant 3 : i32
      %add3A_189 = arith.addi %mul3A_187, %add3A_188 : i32
      %dma_wait3A_190 = arith.constant 0 : i32
      %dma_wait3A_191 = arith.constant 0 : i32
      %dma_wait3A_192 = tpu.memref_slice %arg2[%dma_wait3A_190, %dma_wait3A_191] : memref<12048x64xf32, #tpu.memory_space<hbm>> -> memref<128x64xf32, #tpu.memory_space<hbm>>
      %dma_wait3A_193 = arith.constant 0 : i32
      %dma_wait3A_194 = arith.constant 0 : i32
      %dma_wait3A_195 = tpu.memref_slice %arg2[%dma_wait3A_193, %dma_wait3A_194] : memref<12048x64xf32, #tpu.memory_space<hbm>> -> memref<128x64xf32, #tpu.memory_space<hbm>>
      tpu.wait_dma2 semaphore(%arg20 : memref<!tpu.dma_semaphore, #tpu.memory_space<semaphore_mem>>) src(%dma_wait3A_195 : memref<128x64xf32, #tpu.memory_space<hbm>>) dst(%arg12 : memref<128x64xf32, #tpu.memory_space<vmem>>)
      %dma_start3A_196 = arith.constant 0 : i32
      %dma_start3A_197 = tpu.memref_slice %arg8[%add3A_189, %dma_start3A_196] : memref<80x128xi32, #tpu.memory_space<vmem>> -> memref<1x128xi32, #tpu.memory_space<vmem>>
      %dma_start3A_198 = tpu.memref_squeeze %dma_start3A_197 : memref<1x128xi32, #tpu.memory_space<vmem>> -> memref<128xi32, #tpu.memory_space<vmem>>
      %dma_start3A_199 = arith.constant 0 : i32
      %dma_start3A_200 = arith.constant 0 : i32
      %dma_start3A_201 = tpu.memref_slice %arg33[%dma_start3A_199, %dma_start3A_200] : memref<10112x64xf32, #tpu.memory_space<vmem_shared>> -> memref<10112x64xf32, #tpu.memory_space<vmem_shared>>
      tpu.enqueue_indirect_dma source(%arg12 : memref<128x64xf32, #tpu.memory_space<vmem>>) target(%dma_start3A_201 : memref<10112x64xf32, #tpu.memory_space<vmem_shared>>) offsets(%dma_start3A_198 : memref<128xi32, #tpu.memory_space<vmem>>) semaphore(%arg28 : memref<!tpu.dma_semaphore, #tpu.memory_space<semaphore_mem>>) {add = true}
      %ge3A_202 = arith.constant 4 : i32
      %ge3A_203 = arith.cmpi sge, %add3A_189, %ge3A_202 : i32
      %add3A_204 = arith.constant 4 : i32
      %add3A_205 = arith.addi %add3A_189, %add3A_204 : i32
      %lt3A_206 = arith.constant 80 : i32
      %lt3A_207 = arith.cmpi slt, %add3A_205, %lt3A_206 : i32
      %and3A_208 = arith.andi %ge3A_203, %lt3A_207 : i1
      %convert_element_type3A_209 = arith.extui %and3A_208 : i1 to i32
      %cond3A_210 = arith.constant 0 : i32
      %cond3A_211 = arith.cmpi ne, %convert_element_type3A_209, %cond3A_210 : i32
      scf.if %cond3A_211 {
        %dma_wait3A_351 = arith.constant 0 : i32
        %dma_wait3A_352 = arith.constant 0 : i32
        %dma_wait3A_353 = tpu.memref_slice %arg33[%dma_wait3A_351, %dma_wait3A_352] : memref<10112x64xf32, #tpu.memory_space<vmem_shared>> -> memref<128x64xf32, #tpu.memory_space<vmem_shared>>
        %dma_wait3A_354 = arith.constant 0 : i32
        %dma_wait3A_355 = arith.constant 0 : i32
        %dma_wait3A_356 = tpu.memref_slice %arg33[%dma_wait3A_354, %dma_wait3A_355] : memref<10112x64xf32, #tpu.memory_space<vmem_shared>> -> memref<128x64xf32, #tpu.memory_space<vmem_shared>>
        tpu.wait_dma2 semaphore(%arg32 : memref<!tpu.dma_semaphore, #tpu.memory_space<semaphore_mem>>) src(%arg16 : memref<128x64xf32, #tpu.memory_space<vmem>>) dst(%dma_wait3A_356 : memref<128x64xf32, #tpu.memory_space<vmem_shared>>)
      } else {
      }
      %add3A_212 = arith.constant 4 : i32
      %add3A_213 = arith.addi %add3A_189, %add3A_212 : i32
      %lt3A_214 = arith.constant 80 : i32
      %lt3A_215 = arith.cmpi slt, %add3A_213, %lt3A_214 : i32
      %convert_element_type3A_216 = arith.extui %lt3A_215 : i1 to i32
      %cond3A_217 = arith.constant 0 : i32
      %cond3A_218 = arith.cmpi ne, %convert_element_type3A_216, %cond3A_217 : i32
      scf.if %cond3A_218 {
        %add3A_351 = arith.constant 4 : i32
        %add3A_352 = arith.addi %add3A_189, %add3A_351 : i32
        %dma_start3A_353 = arith.constant 0 : i32
        %dma_start3A_354 = tpu.memref_slice %arg7[%add3A_352, %dma_start3A_353] : memref<80x128xi32, #tpu.memory_space<vmem>> -> memref<1x128xi32, #tpu.memory_space<vmem>>
        %dma_start3A_355 = tpu.memref_squeeze %dma_start3A_354 : memref<1x128xi32, #tpu.memory_space<vmem>> -> memref<128xi32, #tpu.memory_space<vmem>>
        %dma_start3A_356 = arith.constant 0 : i32
        %dma_start3A_357 = arith.constant 0 : i32
        %dma_start3A_358 = tpu.memref_slice %arg2[%dma_start3A_356, %dma_start3A_357] : memref<12048x64xf32, #tpu.memory_space<hbm>> -> memref<12048x64xf32, #tpu.memory_space<hbm>>
        tpu.enqueue_indirect_dma source(%dma_start3A_358 : memref<12048x64xf32, #tpu.memory_space<hbm>>) target(%arg16 : memref<128x64xf32, #tpu.memory_space<vmem>>) offsets(%dma_start3A_355 : memref<128xi32, #tpu.memory_space<vmem>>) semaphore(%arg24 : memref<!tpu.dma_semaphore, #tpu.memory_space<semaphore_mem>>)
      } else {
      }
      %mul3A_219 = arith.constant 8 : i32
      %mul3A_220 = arith.muli %scan3A_91, %mul3A_219 : i32
      %add3A_221 = arith.constant 4 : i32
      %add3A_222 = arith.addi %mul3A_220, %add3A_221 : i32
      %dma_wait3A_223 = arith.constant 0 : i32
      %dma_wait3A_224 = arith.constant 0 : i32
      %dma_wait3A_225 = tpu.memref_slice %arg2[%dma_wait3A_223, %dma_wait3A_224] : memref<12048x64xf32, #tpu.memory_space<hbm>> -> memref<128x64xf32, #tpu.memory_space<hbm>>
      %dma_wait3A_226 = arith.constant 0 : i32
      %dma_wait3A_227 = arith.constant 0 : i32
      %dma_wait3A_228 = tpu.memref_slice %arg2[%dma_wait3A_226, %dma_wait3A_227] : memref<12048x64xf32, #tpu.memory_space<hbm>> -> memref<128x64xf32, #tpu.memory_space<hbm>>
      tpu.wait_dma2 semaphore(%arg21 : memref<!tpu.dma_semaphore, #tpu.memory_space<semaphore_mem>>) src(%dma_wait3A_228 : memref<128x64xf32, #tpu.memory_space<hbm>>) dst(%arg13 : memref<128x64xf32, #tpu.memory_space<vmem>>)
      %dma_start3A_229 = arith.constant 0 : i32
      %dma_start3A_230 = tpu.memref_slice %arg8[%add3A_222, %dma_start3A_229] : memref<80x128xi32, #tpu.memory_space<vmem>> -> memref<1x128xi32, #tpu.memory_space<vmem>>
      %dma_start3A_231 = tpu.memref_squeeze %dma_start3A_230 : memref<1x128xi32, #tpu.memory_space<vmem>> -> memref<128xi32, #tpu.memory_space<vmem>>
      %dma_start3A_232 = arith.constant 0 : i32
      %dma_start3A_233 = arith.constant 0 : i32
      %dma_start3A_234 = tpu.memref_slice %arg33[%dma_start3A_232, %dma_start3A_233] : memref<10112x64xf32, #tpu.memory_space<vmem_shared>> -> memref<10112x64xf32, #tpu.memory_space<vmem_shared>>
      tpu.enqueue_indirect_dma source(%arg13 : memref<128x64xf32, #tpu.memory_space<vmem>>) target(%dma_start3A_234 : memref<10112x64xf32, #tpu.memory_space<vmem_shared>>) offsets(%dma_start3A_231 : memref<128xi32, #tpu.memory_space<vmem>>) semaphore(%arg29 : memref<!tpu.dma_semaphore, #tpu.memory_space<semaphore_mem>>) {add = true}
      %ge3A_235 = arith.constant 4 : i32
      %ge3A_236 = arith.cmpi sge, %add3A_222, %ge3A_235 : i32
      %add3A_237 = arith.constant 4 : i32
      %add3A_238 = arith.addi %add3A_222, %add3A_237 : i32
      %lt3A_239 = arith.constant 80 : i32
      %lt3A_240 = arith.cmpi slt, %add3A_238, %lt3A_239 : i32
      %and3A_241 = arith.andi %ge3A_236, %lt3A_240 : i1
      %convert_element_type3A_242 = arith.extui %and3A_241 : i1 to i32
      %cond3A_243 = arith.constant 0 : i32
      %cond3A_244 = arith.cmpi ne, %convert_element_type3A_242, %cond3A_243 : i32
      scf.if %cond3A_244 {
        %dma_wait3A_351 = arith.constant 0 : i32
        %dma_wait3A_352 = arith.constant 0 : i32
        %dma_wait3A_353 = tpu.memref_slice %arg33[%dma_wait3A_351, %dma_wait3A_352] : memref<10112x64xf32, #tpu.memory_space<vmem_shared>> -> memref<128x64xf32, #tpu.memory_space<vmem_shared>>
        %dma_wait3A_354 = arith.constant 0 : i32
        %dma_wait3A_355 = arith.constant 0 : i32
        %dma_wait3A_356 = tpu.memref_slice %arg33[%dma_wait3A_354, %dma_wait3A_355] : memref<10112x64xf32, #tpu.memory_space<vmem_shared>> -> memref<128x64xf32, #tpu.memory_space<vmem_shared>>
        tpu.wait_dma2 semaphore(%arg25 : memref<!tpu.dma_semaphore, #tpu.memory_space<semaphore_mem>>) src(%arg9 : memref<128x64xf32, #tpu.memory_space<vmem>>) dst(%dma_wait3A_356 : memref<128x64xf32, #tpu.memory_space<vmem_shared>>)
      } else {
      }
      %add3A_245 = arith.constant 4 : i32
      %add3A_246 = arith.addi %add3A_222, %add3A_245 : i32
      %lt3A_247 = arith.constant 80 : i32
      %lt3A_248 = arith.cmpi slt, %add3A_246, %lt3A_247 : i32
      %convert_element_type3A_249 = arith.extui %lt3A_248 : i1 to i32
      %cond3A_250 = arith.constant 0 : i32
      %cond3A_251 = arith.cmpi ne, %convert_element_type3A_249, %cond3A_250 : i32
      scf.if %cond3A_251 {
        %add3A_351 = arith.constant 4 : i32
        %add3A_352 = arith.addi %add3A_222, %add3A_351 : i32
        %dma_start3A_353 = arith.constant 0 : i32
        %dma_start3A_354 = tpu.memref_slice %arg7[%add3A_352, %dma_start3A_353] : memref<80x128xi32, #tpu.memory_space<vmem>> -> memref<1x128xi32, #tpu.memory_space<vmem>>
        %dma_start3A_355 = tpu.memref_squeeze %dma_start3A_354 : memref<1x128xi32, #tpu.memory_space<vmem>> -> memref<128xi32, #tpu.memory_space<vmem>>
        %dma_start3A_356 = arith.constant 0 : i32
        %dma_start3A_357 = arith.constant 0 : i32
        %dma_start3A_358 = tpu.memref_slice %arg2[%dma_start3A_356, %dma_start3A_357] : memref<12048x64xf32, #tpu.memory_space<hbm>> -> memref<12048x64xf32, #tpu.memory_space<hbm>>
        tpu.enqueue_indirect_dma source(%dma_start3A_358 : memref<12048x64xf32, #tpu.memory_space<hbm>>) target(%arg9 : memref<128x64xf32, #tpu.memory_space<vmem>>) offsets(%dma_start3A_355 : memref<128xi32, #tpu.memory_space<vmem>>) semaphore(%arg17 : memref<!tpu.dma_semaphore, #tpu.memory_space<semaphore_mem>>)
      } else {
      }
      %mul3A_252 = arith.constant 8 : i32
      %mul3A_253 = arith.muli %scan3A_91, %mul3A_252 : i32
      %add3A_254 = arith.constant 5 : i32
      %add3A_255 = arith.addi %mul3A_253, %add3A_254 : i32
      %dma_wait3A_256 = arith.constant 0 : i32
      %dma_wait3A_257 = arith.constant 0 : i32
      %dma_wait3A_258 = tpu.memref_slice %arg2[%dma_wait3A_256, %dma_wait3A_257] : memref<12048x64xf32, #tpu.memory_space<hbm>> -> memref<128x64xf32, #tpu.memory_space<hbm>>
      %dma_wait3A_259 = arith.constant 0 : i32
      %dma_wait3A_260 = arith.constant 0 : i32
      %dma_wait3A_261 = tpu.memref_slice %arg2[%dma_wait3A_259, %dma_wait3A_260] : memref<12048x64xf32, #tpu.memory_space<hbm>> -> memref<128x64xf32, #tpu.memory_space<hbm>>
      tpu.wait_dma2 semaphore(%arg22 : memref<!tpu.dma_semaphore, #tpu.memory_space<semaphore_mem>>) src(%dma_wait3A_261 : memref<128x64xf32, #tpu.memory_space<hbm>>) dst(%arg14 : memref<128x64xf32, #tpu.memory_space<vmem>>)
      %dma_start3A_262 = arith.constant 0 : i32
      %dma_start3A_263 = tpu.memref_slice %arg8[%add3A_255, %dma_start3A_262] : memref<80x128xi32, #tpu.memory_space<vmem>> -> memref<1x128xi32, #tpu.memory_space<vmem>>
      %dma_start3A_264 = tpu.memref_squeeze %dma_start3A_263 : memref<1x128xi32, #tpu.memory_space<vmem>> -> memref<128xi32, #tpu.memory_space<vmem>>
      %dma_start3A_265 = arith.constant 0 : i32
      %dma_start3A_266 = arith.constant 0 : i32
      %dma_start3A_267 = tpu.memref_slice %arg33[%dma_start3A_265, %dma_start3A_266] : memref<10112x64xf32, #tpu.memory_space<vmem_shared>> -> memref<10112x64xf32, #tpu.memory_space<vmem_shared>>
      tpu.enqueue_indirect_dma source(%arg14 : memref<128x64xf32, #tpu.memory_space<vmem>>) target(%dma_start3A_267 : memref<10112x64xf32, #tpu.memory_space<vmem_shared>>) offsets(%dma_start3A_264 : memref<128xi32, #tpu.memory_space<vmem>>) semaphore(%arg30 : memref<!tpu.dma_semaphore, #tpu.memory_space<semaphore_mem>>) {add = true}
      %ge3A_268 = arith.constant 4 : i32
      %ge3A_269 = arith.cmpi sge, %add3A_255, %ge3A_268 : i32
      %add3A_270 = arith.constant 4 : i32
      %add3A_271 = arith.addi %add3A_255, %add3A_270 : i32
      %lt3A_272 = arith.constant 80 : i32
      %lt3A_273 = arith.cmpi slt, %add3A_271, %lt3A_272 : i32
      %and3A_274 = arith.andi %ge3A_269, %lt3A_273 : i1
      %convert_element_type3A_275 = arith.extui %and3A_274 : i1 to i32
      %cond3A_276 = arith.constant 0 : i32
      %cond3A_277 = arith.cmpi ne, %convert_element_type3A_275, %cond3A_276 : i32
      scf.if %cond3A_277 {
        %dma_wait3A_351 = arith.constant 0 : i32
        %dma_wait3A_352 = arith.constant 0 : i32
        %dma_wait3A_353 = tpu.memref_slice %arg33[%dma_wait3A_351, %dma_wait3A_352] : memref<10112x64xf32, #tpu.memory_space<vmem_shared>> -> memref<128x64xf32, #tpu.memory_space<vmem_shared>>
        %dma_wait3A_354 = arith.constant 0 : i32
        %dma_wait3A_355 = arith.constant 0 : i32
        %dma_wait3A_356 = tpu.memref_slice %arg33[%dma_wait3A_354, %dma_wait3A_355] : memref<10112x64xf32, #tpu.memory_space<vmem_shared>> -> memref<128x64xf32, #tpu.memory_space<vmem_shared>>
        tpu.wait_dma2 semaphore(%arg26 : memref<!tpu.dma_semaphore, #tpu.memory_space<semaphore_mem>>) src(%arg10 : memref<128x64xf32, #tpu.memory_space<vmem>>) dst(%dma_wait3A_356 : memref<128x64xf32, #tpu.memory_space<vmem_shared>>)
      } else {
      }
      %add3A_278 = arith.constant 4 : i32
      %add3A_279 = arith.addi %add3A_255, %add3A_278 : i32
      %lt3A_280 = arith.constant 80 : i32
      %lt3A_281 = arith.cmpi slt, %add3A_279, %lt3A_280 : i32
      %convert_element_type3A_282 = arith.extui %lt3A_281 : i1 to i32
      %cond3A_283 = arith.constant 0 : i32
      %cond3A_284 = arith.cmpi ne, %convert_element_type3A_282, %cond3A_283 : i32
      scf.if %cond3A_284 {
        %add3A_351 = arith.constant 4 : i32
        %add3A_352 = arith.addi %add3A_255, %add3A_351 : i32
        %dma_start3A_353 = arith.constant 0 : i32
        %dma_start3A_354 = tpu.memref_slice %arg7[%add3A_352, %dma_start3A_353] : memref<80x128xi32, #tpu.memory_space<vmem>> -> memref<1x128xi32, #tpu.memory_space<vmem>>
        %dma_start3A_355 = tpu.memref_squeeze %dma_start3A_354 : memref<1x128xi32, #tpu.memory_space<vmem>> -> memref<128xi32, #tpu.memory_space<vmem>>
        %dma_start3A_356 = arith.constant 0 : i32
        %dma_start3A_357 = arith.constant 0 : i32
        %dma_start3A_358 = tpu.memref_slice %arg2[%dma_start3A_356, %dma_start3A_357] : memref<12048x64xf32, #tpu.memory_space<hbm>> -> memref<12048x64xf32, #tpu.memory_space<hbm>>
        tpu.enqueue_indirect_dma source(%dma_start3A_358 : memref<12048x64xf32, #tpu.memory_space<hbm>>) target(%arg10 : memref<128x64xf32, #tpu.memory_space<vmem>>) offsets(%dma_start3A_355 : memref<128xi32, #tpu.memory_space<vmem>>) semaphore(%arg18 : memref<!tpu.dma_semaphore, #tpu.memory_space<semaphore_mem>>)
      } else {
      }
      %mul3A_285 = arith.constant 8 : i32
      %mul3A_286 = arith.muli %scan3A_91, %mul3A_285 : i32
      %add3A_287 = arith.constant 6 : i32
      %add3A_288 = arith.addi %mul3A_286, %add3A_287 : i32
      %dma_wait3A_289 = arith.constant 0 : i32
      %dma_wait3A_290 = arith.constant 0 : i32
      %dma_wait3A_291 = tpu.memref_slice %arg2[%dma_wait3A_289, %dma_wait3A_290] : memref<12048x64xf32, #tpu.memory_space<hbm>> -> memref<128x64xf32, #tpu.memory_space<hbm>>
      %dma_wait3A_292 = arith.constant 0 : i32
      %dma_wait3A_293 = arith.constant 0 : i32
      %dma_wait3A_294 = tpu.memref_slice %arg2[%dma_wait3A_292, %dma_wait3A_293] : memref<12048x64xf32, #tpu.memory_space<hbm>> -> memref<128x64xf32, #tpu.memory_space<hbm>>
      tpu.wait_dma2 semaphore(%arg23 : memref<!tpu.dma_semaphore, #tpu.memory_space<semaphore_mem>>) src(%dma_wait3A_294 : memref<128x64xf32, #tpu.memory_space<hbm>>) dst(%arg15 : memref<128x64xf32, #tpu.memory_space<vmem>>)
      %dma_start3A_295 = arith.constant 0 : i32
      %dma_start3A_296 = tpu.memref_slice %arg8[%add3A_288, %dma_start3A_295] : memref<80x128xi32, #tpu.memory_space<vmem>> -> memref<1x128xi32, #tpu.memory_space<vmem>>
      %dma_start3A_297 = tpu.memref_squeeze %dma_start3A_296 : memref<1x128xi32, #tpu.memory_space<vmem>> -> memref<128xi32, #tpu.memory_space<vmem>>
      %dma_start3A_298 = arith.constant 0 : i32
      %dma_start3A_299 = arith.constant 0 : i32
      %dma_start3A_300 = tpu.memref_slice %arg33[%dma_start3A_298, %dma_start3A_299] : memref<10112x64xf32, #tpu.memory_space<vmem_shared>> -> memref<10112x64xf32, #tpu.memory_space<vmem_shared>>
      tpu.enqueue_indirect_dma source(%arg15 : memref<128x64xf32, #tpu.memory_space<vmem>>) target(%dma_start3A_300 : memref<10112x64xf32, #tpu.memory_space<vmem_shared>>) offsets(%dma_start3A_297 : memref<128xi32, #tpu.memory_space<vmem>>) semaphore(%arg31 : memref<!tpu.dma_semaphore, #tpu.memory_space<semaphore_mem>>) {add = true}
      %ge3A_301 = arith.constant 4 : i32
      %ge3A_302 = arith.cmpi sge, %add3A_288, %ge3A_301 : i32
      %add3A_303 = arith.constant 4 : i32
      %add3A_304 = arith.addi %add3A_288, %add3A_303 : i32
      %lt3A_305 = arith.constant 80 : i32
      %lt3A_306 = arith.cmpi slt, %add3A_304, %lt3A_305 : i32
      %and3A_307 = arith.andi %ge3A_302, %lt3A_306 : i1
      %convert_element_type3A_308 = arith.extui %and3A_307 : i1 to i32
      %cond3A_309 = arith.constant 0 : i32
      %cond3A_310 = arith.cmpi ne, %convert_element_type3A_308, %cond3A_309 : i32
      scf.if %cond3A_310 {
        %dma_wait3A_351 = arith.constant 0 : i32
        %dma_wait3A_352 = arith.constant 0 : i32
        %dma_wait3A_353 = tpu.memref_slice %arg33[%dma_wait3A_351, %dma_wait3A_352] : memref<10112x64xf32, #tpu.memory_space<vmem_shared>> -> memref<128x64xf32, #tpu.memory_space<vmem_shared>>
        %dma_wait3A_354 = arith.constant 0 : i32
        %dma_wait3A_355 = arith.constant 0 : i32
        %dma_wait3A_356 = tpu.memref_slice %arg33[%dma_wait3A_354, %dma_wait3A_355] : memref<10112x64xf32, #tpu.memory_space<vmem_shared>> -> memref<128x64xf32, #tpu.memory_space<vmem_shared>>
        tpu.wait_dma2 semaphore(%arg27 : memref<!tpu.dma_semaphore, #tpu.memory_space<semaphore_mem>>) src(%arg11 : memref<128x64xf32, #tpu.memory_space<vmem>>) dst(%dma_wait3A_356 : memref<128x64xf32, #tpu.memory_space<vmem_shared>>)
      } else {
      }
      %add3A_311 = arith.constant 4 : i32
      %add3A_312 = arith.addi %add3A_288, %add3A_311 : i32
      %lt3A_313 = arith.constant 80 : i32
      %lt3A_314 = arith.cmpi slt, %add3A_312, %lt3A_313 : i32
      %convert_element_type3A_315 = arith.extui %lt3A_314 : i1 to i32
      %cond3A_316 = arith.constant 0 : i32
      %cond3A_317 = arith.cmpi ne, %convert_element_type3A_315, %cond3A_316 : i32
      scf.if %cond3A_317 {
        %add3A_351 = arith.constant 4 : i32
        %add3A_352 = arith.addi %add3A_288, %add3A_351 : i32
        %dma_start3A_353 = arith.constant 0 : i32
        %dma_start3A_354 = tpu.memref_slice %arg7[%add3A_352, %dma_start3A_353] : memref<80x128xi32, #tpu.memory_space<vmem>> -> memref<1x128xi32, #tpu.memory_space<vmem>>
        %dma_start3A_355 = tpu.memref_squeeze %dma_start3A_354 : memref<1x128xi32, #tpu.memory_space<vmem>> -> memref<128xi32, #tpu.memory_space<vmem>>
        %dma_start3A_356 = arith.constant 0 : i32
        %dma_start3A_357 = arith.constant 0 : i32
        %dma_start3A_358 = tpu.memref_slice %arg2[%dma_start3A_356, %dma_start3A_357] : memref<12048x64xf32, #tpu.memory_space<hbm>> -> memref<12048x64xf32, #tpu.memory_space<hbm>>
        tpu.enqueue_indirect_dma source(%dma_start3A_358 : memref<12048x64xf32, #tpu.memory_space<hbm>>) target(%arg11 : memref<128x64xf32, #tpu.memory_space<vmem>>) offsets(%dma_start3A_355 : memref<128xi32, #tpu.memory_space<vmem>>) semaphore(%arg19 : memref<!tpu.dma_semaphore, #tpu.memory_space<semaphore_mem>>)
      } else {
      }
      %mul3A_318 = arith.constant 8 : i32
      %mul3A_319 = arith.muli %scan3A_91, %mul3A_318 : i32
      %add3A_320 = arith.constant 7 : i32
      %add3A_321 = arith.addi %mul3A_319, %add3A_320 : i32
      %dma_wait3A_322 = arith.constant 0 : i32
      %dma_wait3A_323 = arith.constant 0 : i32
      %dma_wait3A_324 = tpu.memref_slice %arg2[%dma_wait3A_322, %dma_wait3A_323] : memref<12048x64xf32, #tpu.memory_space<hbm>> -> memref<128x64xf32, #tpu.memory_space<hbm>>
      %dma_wait3A_325 = arith.constant 0 : i32
      %dma_wait3A_326 = arith.constant 0 : i32
      %dma_wait3A_327 = tpu.memref_slice %arg2[%dma_wait3A_325, %dma_wait3A_326] : memref<12048x64xf32, #tpu.memory_space<hbm>> -> memref<128x64xf32, #tpu.memory_space<hbm>>
      tpu.wait_dma2 semaphore(%arg24 : memref<!tpu.dma_semaphore, #tpu.memory_space<semaphore_mem>>) src(%dma_wait3A_327 : memref<128x64xf32, #tpu.memory_space<hbm>>) dst(%arg16 : memref<128x64xf32, #tpu.memory_space<vmem>>)
      %dma_start3A_328 = arith.constant 0 : i32
      %dma_start3A_329 = tpu.memref_slice %arg8[%add3A_321, %dma_start3A_328] : memref<80x128xi32, #tpu.memory_space<vmem>> -> memref<1x128xi32, #tpu.memory_space<vmem>>
      %dma_start3A_330 = tpu.memref_squeeze %dma_start3A_329 : memref<1x128xi32, #tpu.memory_space<vmem>> -> memref<128xi32, #tpu.memory_space<vmem>>
      %dma_start3A_331 = arith.constant 0 : i32
      %dma_start3A_332 = arith.constant 0 : i32
      %dma_start3A_333 = tpu.memref_slice %arg33[%dma_start3A_331, %dma_start3A_332] : memref<10112x64xf32, #tpu.memory_space<vmem_shared>> -> memref<10112x64xf32, #tpu.memory_space<vmem_shared>>
      tpu.enqueue_indirect_dma source(%arg16 : memref<128x64xf32, #tpu.memory_space<vmem>>) target(%dma_start3A_333 : memref<10112x64xf32, #tpu.memory_space<vmem_shared>>) offsets(%dma_start3A_330 : memref<128xi32, #tpu.memory_space<vmem>>) semaphore(%arg32 : memref<!tpu.dma_semaphore, #tpu.memory_space<semaphore_mem>>) {add = true}
      %ge3A_334 = arith.constant 4 : i32
      %ge3A_335 = arith.cmpi sge, %add3A_321, %ge3A_334 : i32
      %add3A_336 = arith.constant 4 : i32
      %add3A_337 = arith.addi %add3A_321, %add3A_336 : i32
      %lt3A_338 = arith.constant 80 : i32
      %lt3A_339 = arith.cmpi slt, %add3A_337, %lt3A_338 : i32
      %and3A_340 = arith.andi %ge3A_335, %lt3A_339 : i1
      %convert_element_type3A_341 = arith.extui %and3A_340 : i1 to i32
      %cond3A_342 = arith.constant 0 : i32
      %cond3A_343 = arith.cmpi ne, %convert_element_type3A_341, %cond3A_342 : i32
      scf.if %cond3A_343 {
        %dma_wait3A_351 = arith.constant 0 : i32
        %dma_wait3A_352 = arith.constant 0 : i32
        %dma_wait3A_353 = tpu.memref_slice %arg33[%dma_wait3A_351, %dma_wait3A_352] : memref<10112x64xf32, #tpu.memory_space<vmem_shared>> -> memref<128x64xf32, #tpu.memory_space<vmem_shared>>
        %dma_wait3A_354 = arith.constant 0 : i32
        %dma_wait3A_355 = arith.constant 0 : i32
        %dma_wait3A_356 = tpu.memref_slice %arg33[%dma_wait3A_354, %dma_wait3A_355] : memref<10112x64xf32, #tpu.memory_space<vmem_shared>> -> memref<128x64xf32, #tpu.memory_space<vmem_shared>>
        tpu.wait_dma2 semaphore(%arg28 : memref<!tpu.dma_semaphore, #tpu.memory_space<semaphore_mem>>) src(%arg12 : memref<128x64xf32, #tpu.memory_space<vmem>>) dst(%dma_wait3A_356 : memref<128x64xf32, #tpu.memory_space<vmem_shared>>)
      } else {
      }
      %add3A_344 = arith.constant 4 : i32
      %add3A_345 = arith.addi %add3A_321, %add3A_344 : i32
      %lt3A_346 = arith.constant 80 : i32
      %lt3A_347 = arith.cmpi slt, %add3A_345, %lt3A_346 : i32
      %convert_element_type3A_348 = arith.extui %lt3A_347 : i1 to i32
      %cond3A_349 = arith.constant 0 : i32
      %cond3A_350 = arith.cmpi ne, %convert_element_type3A_348, %cond3A_349 : i32
      scf.if %cond3A_350 {
        %add3A_351 = arith.constant 4 : i32
        %add3A_352 = arith.addi %add3A_321, %add3A_351 : i32
        %dma_start3A_353 = arith.constant 0 : i32
        %dma_start3A_354 = tpu.memref_slice %arg7[%add3A_352, %dma_start3A_353] : memref<80x128xi32, #tpu.memory_space<vmem>> -> memref<1x128xi32, #tpu.memory_space<vmem>>
        %dma_start3A_355 = tpu.memref_squeeze %dma_start3A_354 : memref<1x128xi32, #tpu.memory_space<vmem>> -> memref<128xi32, #tpu.memory_space<vmem>>
        %dma_start3A_356 = arith.constant 0 : i32
        %dma_start3A_357 = arith.constant 0 : i32
        %dma_start3A_358 = tpu.memref_slice %arg2[%dma_start3A_356, %dma_start3A_357] : memref<12048x64xf32, #tpu.memory_space<hbm>> -> memref<12048x64xf32, #tpu.memory_space<hbm>>
        tpu.enqueue_indirect_dma source(%dma_start3A_358 : memref<12048x64xf32, #tpu.memory_space<hbm>>) target(%arg12 : memref<128x64xf32, #tpu.memory_space<vmem>>) offsets(%dma_start3A_355 : memref<128xi32, #tpu.memory_space<vmem>>) semaphore(%arg20 : memref<!tpu.dma_semaphore, #tpu.memory_space<semaphore_mem>>)
      } else {
      }
    }
    %scan3A_38 = arith.constant 10 : i32
    %dma_wait3A = arith.constant 0 : i32
    %dma_wait3A_39 = arith.constant 0 : i32
    %dma_wait3A_40 = tpu.memref_slice %arg33[%dma_wait3A, %dma_wait3A_39] : memref<10112x64xf32, #tpu.memory_space<vmem_shared>> -> memref<128x64xf32, #tpu.memory_space<vmem_shared>>
    %dma_wait3A_41 = arith.constant 0 : i32
    %dma_wait3A_42 = arith.constant 0 : i32
    %dma_wait3A_43 = tpu.memref_slice %arg33[%dma_wait3A_41, %dma_wait3A_42] : memref<10112x64xf32, #tpu.memory_space<vmem_shared>> -> memref<128x64xf32, #tpu.memory_space<vmem_shared>>
    tpu.wait_dma2 semaphore(%arg25 : memref<!tpu.dma_semaphore, #tpu.memory_space<semaphore_mem>>) src(%arg9 : memref<128x64xf32, #tpu.memory_space<vmem>>) dst(%dma_wait3A_43 : memref<128x64xf32, #tpu.memory_space<vmem_shared>>)
    %dma_wait3A_44 = arith.constant 0 : i32
    %dma_wait3A_45 = arith.constant 0 : i32
    %dma_wait3A_46 = tpu.memref_slice %arg33[%dma_wait3A_44, %dma_wait3A_45] : memref<10112x64xf32, #tpu.memory_space<vmem_shared>> -> memref<128x64xf32, #tpu.memory_space<vmem_shared>>
    %dma_wait3A_47 = arith.constant 0 : i32
    %dma_wait3A_48 = arith.constant 0 : i32
    %dma_wait3A_49 = tpu.memref_slice %arg33[%dma_wait3A_47, %dma_wait3A_48] : memref<10112x64xf32, #tpu.memory_space<vmem_shared>> -> memref<128x64xf32, #tpu.memory_space<vmem_shared>>
    tpu.wait_dma2 semaphore(%arg26 : memref<!tpu.dma_semaphore, #tpu.memory_space<semaphore_mem>>) src(%arg10 : memref<128x64xf32, #tpu.memory_space<vmem>>) dst(%dma_wait3A_49 : memref<128x64xf32, #tpu.memory_space<vmem_shared>>)
    %dma_wait3A_50 = arith.constant 0 : i32
    %dma_wait3A_51 = arith.constant 0 : i32
    %dma_wait3A_52 = tpu.memref_slice %arg33[%dma_wait3A_50, %dma_wait3A_51] : memref<10112x64xf32, #tpu.memory_space<vmem_shared>> -> memref<128x64xf32, #tpu.memory_space<vmem_shared>>
    %dma_wait3A_53 = arith.constant 0 : i32
    %dma_wait3A_54 = arith.constant 0 : i32
    %dma_wait3A_55 = tpu.memref_slice %arg33[%dma_wait3A_53, %dma_wait3A_54] : memref<10112x64xf32, #tpu.memory_space<vmem_shared>> -> memref<128x64xf32, #tpu.memory_space<vmem_shared>>
    tpu.wait_dma2 semaphore(%arg27 : memref<!tpu.dma_semaphore, #tpu.memory_space<semaphore_mem>>) src(%arg11 : memref<128x64xf32, #tpu.memory_space<vmem>>) dst(%dma_wait3A_55 : memref<128x64xf32, #tpu.memory_space<vmem_shared>>)
    %dma_wait3A_56 = arith.constant 0 : i32
    %dma_wait3A_57 = arith.constant 0 : i32
    %dma_wait3A_58 = tpu.memref_slice %arg33[%dma_wait3A_56, %dma_wait3A_57] : memref<10112x64xf32, #tpu.memory_space<vmem_shared>> -> memref<128x64xf32, #tpu.memory_space<vmem_shared>>
    %dma_wait3A_59 = arith.constant 0 : i32
    %dma_wait3A_60 = arith.constant 0 : i32
    %dma_wait3A_61 = tpu.memref_slice %arg33[%dma_wait3A_59, %dma_wait3A_60] : memref<10112x64xf32, #tpu.memory_space<vmem_shared>> -> memref<128x64xf32, #tpu.memory_space<vmem_shared>>
    tpu.wait_dma2 semaphore(%arg28 : memref<!tpu.dma_semaphore, #tpu.memory_space<semaphore_mem>>) src(%arg12 : memref<128x64xf32, #tpu.memory_space<vmem>>) dst(%dma_wait3A_61 : memref<128x64xf32, #tpu.memory_space<vmem_shared>>)
    %dma_wait3A_62 = arith.constant 0 : i32
    %dma_wait3A_63 = arith.constant 0 : i32
    %dma_wait3A_64 = tpu.memref_slice %arg33[%dma_wait3A_62, %dma_wait3A_63] : memref<10112x64xf32, #tpu.memory_space<vmem_shared>> -> memref<128x64xf32, #tpu.memory_space<vmem_shared>>
    %dma_wait3A_65 = arith.constant 0 : i32
    %dma_wait3A_66 = arith.constant 0 : i32
    %dma_wait3A_67 = tpu.memref_slice %arg33[%dma_wait3A_65, %dma_wait3A_66] : memref<10112x64xf32, #tpu.memory_space<vmem_shared>> -> memref<128x64xf32, #tpu.memory_space<vmem_shared>>
    tpu.wait_dma2 semaphore(%arg29 : memref<!tpu.dma_semaphore, #tpu.memory_space<semaphore_mem>>) src(%arg13 : memref<128x64xf32, #tpu.memory_space<vmem>>) dst(%dma_wait3A_67 : memref<128x64xf32, #tpu.memory_space<vmem_shared>>)
    %dma_wait3A_68 = arith.constant 0 : i32
    %dma_wait3A_69 = arith.constant 0 : i32
    %dma_wait3A_70 = tpu.memref_slice %arg33[%dma_wait3A_68, %dma_wait3A_69] : memref<10112x64xf32, #tpu.memory_space<vmem_shared>> -> memref<128x64xf32, #tpu.memory_space<vmem_shared>>
    %dma_wait3A_71 = arith.constant 0 : i32
    %dma_wait3A_72 = arith.constant 0 : i32
    %dma_wait3A_73 = tpu.memref_slice %arg33[%dma_wait3A_71, %dma_wait3A_72] : memref<10112x64xf32, #tpu.memory_space<vmem_shared>> -> memref<128x64xf32, #tpu.memory_space<vmem_shared>>
    tpu.wait_dma2 semaphore(%arg30 : memref<!tpu.dma_semaphore, #tpu.memory_space<semaphore_mem>>) src(%arg14 : memref<128x64xf32, #tpu.memory_space<vmem>>) dst(%dma_wait3A_73 : memref<128x64xf32, #tpu.memory_space<vmem_shared>>)
    %dma_wait3A_74 = arith.constant 0 : i32
    %dma_wait3A_75 = arith.constant 0 : i32
    %dma_wait3A_76 = tpu.memref_slice %arg33[%dma_wait3A_74, %dma_wait3A_75] : memref<10112x64xf32, #tpu.memory_space<vmem_shared>> -> memref<128x64xf32, #tpu.memory_space<vmem_shared>>
    %dma_wait3A_77 = arith.constant 0 : i32
    %dma_wait3A_78 = arith.constant 0 : i32
    %dma_wait3A_79 = tpu.memref_slice %arg33[%dma_wait3A_77, %dma_wait3A_78] : memref<10112x64xf32, #tpu.memory_space<vmem_shared>> -> memref<128x64xf32, #tpu.memory_space<vmem_shared>>
    tpu.wait_dma2 semaphore(%arg31 : memref<!tpu.dma_semaphore, #tpu.memory_space<semaphore_mem>>) src(%arg15 : memref<128x64xf32, #tpu.memory_space<vmem>>) dst(%dma_wait3A_79 : memref<128x64xf32, #tpu.memory_space<vmem_shared>>)
    %dma_wait3A_80 = arith.constant 0 : i32
    %dma_wait3A_81 = arith.constant 0 : i32
    %dma_wait3A_82 = tpu.memref_slice %arg33[%dma_wait3A_80, %dma_wait3A_81] : memref<10112x64xf32, #tpu.memory_space<vmem_shared>> -> memref<128x64xf32, #tpu.memory_space<vmem_shared>>
    %dma_wait3A_83 = arith.constant 0 : i32
    %dma_wait3A_84 = arith.constant 0 : i32
    %dma_wait3A_85 = tpu.memref_slice %arg33[%dma_wait3A_83, %dma_wait3A_84] : memref<10112x64xf32, #tpu.memory_space<vmem_shared>> -> memref<128x64xf32, #tpu.memory_space<vmem_shared>>
    tpu.wait_dma2 semaphore(%arg32 : memref<!tpu.dma_semaphore, #tpu.memory_space<semaphore_mem>>) src(%arg16 : memref<128x64xf32, #tpu.memory_space<vmem>>) dst(%dma_wait3A_85 : memref<128x64xf32, #tpu.memory_space<vmem_shared>>)
    %barrier3A_86 = arith.constant 0 : index
    tpu.barrier barrier_id(%barrier3A_86)
    %mul3A_87 = arith.constant 632 : i32
    %mul3A_88 = arith.muli %arg1, %mul3A_87 : i32
    %mul3A_89 = arith.constant 632 : i32
    %mul3A_90 = arith.muli %arg1, %mul3A_89 : i32
    %run_scoped3A = arith.constant 0 : i32
    "tpu.region"() ({
      %run_scoped3A_91 = tpu.sem_alloc : memref<!tpu.dma_semaphore, #tpu.memory_space<semaphore_mem>>
      %dma_start3A_92 = arith.constant 0 : i32
      %dma_start3A_93 = tpu.memref_slice %arg6[%run_scoped3A, %arg0, %mul3A_90, %dma_start3A_92] : memref<1x2x10112x64xf32, #tpu.memory_space<hbm>> -> memref<1x1x632x64xf32, #tpu.memory_space<hbm>>
      %dma_start3A_94 = tpu.memref_squeeze %dma_start3A_93 : memref<1x1x632x64xf32, #tpu.memory_space<hbm>> -> memref<632x64xf32, #tpu.memory_space<hbm>>
      %dma_start3A_95 = arith.constant 0 : i32
      %dma_start3A_96 = tpu.memref_slice %arg33[%mul3A_88, %dma_start3A_95] : memref<10112x64xf32, #tpu.memory_space<vmem_shared>> -> memref<632x64xf32, #tpu.memory_space<vmem_shared>>
      tpu.enqueue_dma source(%dma_start3A_96 : memref<632x64xf32, #tpu.memory_space<vmem_shared>>) target(%dma_start3A_94 : memref<632x64xf32, #tpu.memory_space<hbm>>) target_semaphore(%run_scoped3A_91 : memref<!tpu.dma_semaphore, #tpu.memory_space<semaphore_mem>>)
      %dma_wait3A_97 = arith.constant 0 : i32
      %dma_wait3A_98 = tpu.memref_slice %arg6[%run_scoped3A, %arg0, %mul3A_90, %dma_wait3A_97] : memref<1x2x10112x64xf32, #tpu.memory_space<hbm>> -> memref<1x1x632x64xf32, #tpu.memory_space<hbm>>
      %dma_wait3A_99 = tpu.memref_squeeze %dma_wait3A_98 : memref<1x1x632x64xf32, #tpu.memory_space<hbm>> -> memref<632x64xf32, #tpu.memory_space<hbm>>
      %dma_wait3A_100 = arith.constant 0 : i32
      %dma_wait3A_101 = tpu.memref_slice %arg33[%mul3A_88, %dma_wait3A_100] : memref<10112x64xf32, #tpu.memory_space<vmem_shared>> -> memref<632x64xf32, #tpu.memory_space<vmem_shared>>
      tpu.wait_dma2 semaphore(%run_scoped3A_91 : memref<!tpu.dma_semaphore, #tpu.memory_space<semaphore_mem>>) src(%dma_wait3A_101 : memref<632x64xf32, #tpu.memory_space<vmem_shared>>) dst(%dma_wait3A_99 : memref<632x64xf32, #tpu.memory_space<hbm>>)
      tpu.yield
    }) : () -> ()
    return
  }
}

module attributes {stable_mosaic.version = 14 : i64} {
  func.func @_proj_body(%arg0: i32, %arg1: memref<1000x256xf32, #tpu.memory_space<vmem>>, %arg2: memref<1x256x128xf32, #tpu.memory_space<vmem>>, %arg3: memref<1x1x128xf32, #tpu.memory_space<vmem>>, %arg4: memref<128x128xf32, #tpu.memory_space<vmem>>, %arg5: memref<2x1000x16xf32, #tpu.memory_space<vmem>>, %arg6: memref<1000x64xf32, #tpu.memory_space<vmem>>, %arg7: memref<1000x64xf32, #tpu.memory_space<vmem>>, %arg8: memref<1000x16xf32, #tpu.memory_space<vmem>>) attributes {dimension_semantics = [#tpu.dimension_semantics<arbitrary>], iteration_bounds = array<i64: 10>, scalar_prefetch = 0 : i64, scratch_operands = 0 : i64, tpu.core_type = #tpu.core_type<tc>, window_params = [{transform_indices = @transform_0, window_bounds = array<i64: 1000, 256>}, {transform_indices = @transform_1, window_bounds = array<i64: 1, 256, 128>}, {transform_indices = @transform_2, window_bounds = array<i64: 1, 1, 128>}, {pipeline_mode = #tpu.pipeline_mode<synchronous>, transform_indices = @transform_3, window_bounds = array<i64: 128, 128>}, {transform_indices = @transform_4, window_bounds = array<i64: 2, 1000, 16>}, {transform_indices = @transform_5, window_bounds = array<i64: 1000, 64>}, {transform_indices = @transform_6, window_bounds = array<i64: 1000, 64>}, {transform_indices = @transform_7, window_bounds = array<i64: 1000, 16>}]} {
    %get3A = arith.constant 0 : index
    %get3A_0 = arith.constant 0 : index
    %get3A_1 = vector.load %arg1[%get3A, %get3A_0] : memref<1000x256xf32, #tpu.memory_space<vmem>>, vector<1000x256xf32>
    %get3A_2 = arith.constant 0 : index
    %get3A_3 = arith.constant 0 : index
    %get3A_4 = arith.constant 0 : index
    %get3A_5 = vector.load %arg2[%get3A_2, %get3A_3, %get3A_4] : memref<1x256x128xf32, #tpu.memory_space<vmem>>, vector<1x256x128xf32>
    %get3A_6 = vector.shape_cast %get3A_5 : vector<1x256x128xf32> to vector<256x128xf32>
    %dot_general3A = arith.constant dense<0.000000e+00> : vector<1000x128xf32>
    %dot_general3A_7 = tpu.matmul %get3A_1, %get3A_6, %dot_general3A {dimension_numbers = #tpu.dot_dimension_numbers<[1], [0], [0], [1], [0, 0, 1, 1], [], []>, precision = #tpu.contract_precision<fp32>, transpose_lhs_hint = false} : vector<1000x256xf32>, vector<256x128xf32>, vector<1000x128xf32> -> vector<1000x128xf32>
    %get3A_8 = arith.constant 0 : index
    %get3A_9 = arith.constant 0 : index
    %get3A_10 = arith.constant 0 : index
    %get3A_11 = vector.load %arg3[%get3A_8, %get3A_9, %get3A_10] : memref<1x1x128xf32, #tpu.memory_space<vmem>>, vector<1x1x128xf32>
    %get3A_12 = vector.shape_cast %get3A_11 : vector<1x1x128xf32> to vector<1x128xf32>
    %add3A = vector.broadcast %get3A_12 : vector<1x128xf32> to vector<1000x128xf32>
    %add3A_13 = arith.addf %dot_general3A_7, %add3A : vector<1000x128xf32>
    %get3A_14 = arith.constant 0 : index
    %get3A_15 = arith.constant 0 : index
    %get3A_16 = vector.load %arg4[%get3A_14, %get3A_15] : memref<128x128xf32, #tpu.memory_space<vmem>>, vector<128x128xf32>
    %dot_general3A_17 = arith.constant dense<0.000000e+00> : vector<1000x128xf32>
    %dot_general3A_18 = tpu.matmul %add3A_13, %get3A_16, %dot_general3A_17 {dimension_numbers = #tpu.dot_dimension_numbers<[1], [0], [0], [1], [0, 0, 1, 1], [], []>, precision = #tpu.contract_precision<fp32>, transpose_lhs_hint = false} : vector<1000x128xf32>, vector<128x128xf32>, vector<1000x128xf32> -> vector<1000x128xf32>
    %get3A_19 = arith.constant 0 : index
    %get3A_20 = arith.constant 0 : index
    %get3A_21 = arith.constant 0 : index
    %get3A_22 = vector.load %arg5[%get3A_19, %get3A_20, %get3A_21] : memref<2x1000x16xf32, #tpu.memory_space<vmem>>, vector<1x1000x1xf32>
    %get3A_23 = vector.shape_cast %get3A_22 : vector<1x1000x1xf32> to vector<1000xf32>
    %get3A_24 = arith.constant 1 : index
    %get3A_25 = arith.constant 0 : index
    %get3A_26 = arith.constant 0 : index
    %get3A_27 = vector.load %arg5[%get3A_24, %get3A_25, %get3A_26] : memref<2x1000x16xf32, #tpu.memory_space<vmem>>, vector<1x1000x1xf32>
    %get3A_28 = vector.shape_cast %get3A_27 : vector<1x1000x1xf32> to vector<1000xf32>
    %add3A_29 = arith.addf %get3A_23, %get3A_28 : vector<1000xf32>
    %add3A_30 = arith.constant 1.000000e+00 : f32
    %add3A_31 = vector.broadcast %add3A_30 : f32 to vector<1000xf32>
    %add3A_32 = arith.addf %add3A_29, %add3A_31 : vector<1000xf32>
    %rsqrt3A = math.rsqrt %add3A_32 : vector<1000xf32>
    %broadcast_in_dim3A = vector.shape_cast %rsqrt3A : vector<1000xf32> to vector<1000x1xf32>
    %mul3A = vector.broadcast %broadcast_in_dim3A : vector<1000x1xf32> to vector<1000x128xf32>
    %mul3A_33 = arith.mulf %dot_general3A_18, %mul3A : vector<1000x128xf32>
    %slice3A = vector.extract_strided_slice %mul3A_33 {offsets = [0, 0], sizes = [1000, 64], strides = [1, 1]} : vector<1000x128xf32> to vector<1000x64xf32>
    %swap3A = arith.constant 0 : index
    %swap3A_34 = arith.constant 0 : index
    %swap3A_35 = vector.load %arg6[%swap3A, %swap3A_34] : memref<1000x64xf32, #tpu.memory_space<vmem>>, vector<1000x64xf32>
    tpu.vector_store %arg6[%swap3A, %swap3A_34], %slice3A {strides = array<i32>} : memref<1000x64xf32, #tpu.memory_space<vmem>>, vector<1000x64xf32>,
    %slice3A_36 = vector.extract_strided_slice %mul3A_33 {offsets = [0, 64], sizes = [1000, 64], strides = [1, 1]} : vector<1000x128xf32> to vector<1000x64xf32>
    %swap3A_37 = arith.constant 0 : index
    %swap3A_38 = arith.constant 0 : index
    %swap3A_39 = vector.load %arg7[%swap3A_37, %swap3A_38] : memref<1000x64xf32, #tpu.memory_space<vmem>>, vector<1000x64xf32>
    tpu.vector_store %arg7[%swap3A_37, %swap3A_38], %slice3A_36 {strides = array<i32>} : memref<1000x64xf32, #tpu.memory_space<vmem>>, vector<1000x64xf32>,
    %broadcast_in_dim3A_40 = vector.shape_cast %rsqrt3A : vector<1000xf32> to vector<1000x1xf32>
    %broadcast_in_dim3A_41 = vector.shape_cast %broadcast_in_dim3A_40 : vector<1000x1xf32> to vector<1000x1xf32>
    %broadcast_in_dim3A_42 = vector.broadcast %broadcast_in_dim3A_41 : vector<1000x1xf32> to vector<1000x16xf32>
    %swap3A_43 = arith.constant 0 : index
    %swap3A_44 = arith.constant 0 : index
    %swap3A_45 = vector.load %arg8[%swap3A_43, %swap3A_44] : memref<1000x16xf32, #tpu.memory_space<vmem>>, vector<1000x16xf32>
    tpu.vector_store %arg8[%swap3A_43, %swap3A_44], %broadcast_in_dim3A_42 {strides = array<i32>} : memref<1000x16xf32, #tpu.memory_space<vmem>>, vector<1000x16xf32>,
    return
  }
  func.func @transform_0(%arg0: i32) -> (i32, i32) {
    %c0_i32 = arith.constant 0 : i32
    %c0_i32_0 = arith.constant 0 : i32
    return %arg0, %c0_i32 : i32, i32
  }
  func.func @transform_1(%arg0: i32) -> (i32, i32, i32) {
    %jit3A = arith.constant 5 : i32
    %div3A = arith.divsi %arg0, %jit3A : i32
    %sign3A = arith.constant 0 : i32
    %sign3A_0 = arith.cmpi sgt, %arg0, %sign3A : i32
    %sign3A_1 = arith.extui %sign3A_0 : i1 to i32
    %sign3A_2 = arith.constant 0 : i32
    %sign3A_3 = arith.cmpi slt, %arg0, %sign3A_2 : i32
    %sign3A_4 = arith.extui %sign3A_3 : i1 to i32
    %sign3A_5 = arith.subi %sign3A_1, %sign3A_4 : i32
    %sign3A_6 = arith.constant 0 : i32
    %sign3A_7 = arith.cmpi sgt, %jit3A, %sign3A_6 : i32
    %sign3A_8 = arith.extui %sign3A_7 : i1 to i32
    %sign3A_9 = arith.constant 0 : i32
    %sign3A_10 = arith.cmpi slt, %jit3A, %sign3A_9 : i32
    %sign3A_11 = arith.extui %sign3A_10 : i1 to i32
    %sign3A_12 = arith.subi %sign3A_8, %sign3A_11 : i32
    %ne3A = arith.cmpi ne, %sign3A_5, %sign3A_12 : i32
    %rem3A = arith.remsi %arg0, %jit3A : i32
    %ne3A_13 = arith.constant 0 : i32
    %ne3A_14 = arith.cmpi ne, %rem3A, %ne3A_13 : i32
    %and3A = arith.andi %ne3A, %ne3A_14 : i1
    %sub3A = arith.constant 1 : i32
    %sub3A_15 = arith.subi %div3A, %sub3A : i32
    %select_n3A = arith.select %and3A, %sub3A_15, %div3A : i32
    %c0_i32 = arith.constant 0 : i32
    %c0_i32_16 = arith.constant 0 : i32
    %c0_i32_17 = arith.constant 0 : i32
    return %select_n3A, %c0_i32, %c0_i32_16 : i32, i32, i32
  }
  func.func @transform_2(%arg0: i32) -> (i32, i32, i32) {
    %jit3A = arith.constant 5 : i32
    %div3A = arith.divsi %arg0, %jit3A : i32
    %sign3A = arith.constant 0 : i32
    %sign3A_0 = arith.cmpi sgt, %arg0, %sign3A : i32
    %sign3A_1 = arith.extui %sign3A_0 : i1 to i32
    %sign3A_2 = arith.constant 0 : i32
    %sign3A_3 = arith.cmpi slt, %arg0, %sign3A_2 : i32
    %sign3A_4 = arith.extui %sign3A_3 : i1 to i32
    %sign3A_5 = arith.subi %sign3A_1, %sign3A_4 : i32
    %sign3A_6 = arith.constant 0 : i32
    %sign3A_7 = arith.cmpi sgt, %jit3A, %sign3A_6 : i32
    %sign3A_8 = arith.extui %sign3A_7 : i1 to i32
    %sign3A_9 = arith.constant 0 : i32
    %sign3A_10 = arith.cmpi slt, %jit3A, %sign3A_9 : i32
    %sign3A_11 = arith.extui %sign3A_10 : i1 to i32
    %sign3A_12 = arith.subi %sign3A_8, %sign3A_11 : i32
    %ne3A = arith.cmpi ne, %sign3A_5, %sign3A_12 : i32
    %rem3A = arith.remsi %arg0, %jit3A : i32
    %ne3A_13 = arith.constant 0 : i32
    %ne3A_14 = arith.cmpi ne, %rem3A, %ne3A_13 : i32
    %and3A = arith.andi %ne3A, %ne3A_14 : i1
    %sub3A = arith.constant 1 : i32
    %sub3A_15 = arith.subi %div3A, %sub3A : i32
    %select_n3A = arith.select %and3A, %sub3A_15, %div3A : i32
    %c0_i32 = arith.constant 0 : i32
    %c0_i32_16 = arith.constant 0 : i32
    %c0_i32_17 = arith.constant 0 : i32
    return %select_n3A, %c0_i32, %c0_i32_16 : i32, i32, i32
  }
  func.func @transform_3(%arg0: i32) -> (i32, i32) {
    %c0_i32 = arith.constant 0 : i32
    %c0_i32_0 = arith.constant 0 : i32
    %c0_i32_1 = arith.constant 0 : i32
    return %c0_i32, %c0_i32_0 : i32, i32
  }
  func.func @transform_4(%arg0: i32) -> (i32, i32, i32) {
    %c0_i32 = arith.constant 0 : i32
    %c0_i32_0 = arith.constant 0 : i32
    %c0_i32_1 = arith.constant 0 : i32
    return %c0_i32, %arg0, %c0_i32_0 : i32, i32, i32
  }
  func.func @transform_5(%arg0: i32) -> (i32, i32) {
    %c0_i32 = arith.constant 0 : i32
    %c0_i32_0 = arith.constant 0 : i32
    return %arg0, %c0_i32 : i32, i32
  }
  func.func @transform_6(%arg0: i32) -> (i32, i32) {
    %c0_i32 = arith.constant 0 : i32
    %c0_i32_0 = arith.constant 0 : i32
    return %arg0, %c0_i32 : i32, i32
  }
  func.func @transform_7(%arg0: i32) -> (i32, i32) {
    %c0_i32 = arith.constant 0 : i32
    %c0_i32_0 = arith.constant 0 : i32
    return %arg0, %c0_i32 : i32, i32
  }
}

module attributes {stable_mosaic.version = 14 : i64} {
  func.func @_mid_body(%arg0: i32, %arg1: memref<1x1x1000x64xf32, #tpu.memory_space<vmem>>, %arg2: memref<1x1x1000x64xf32, #tpu.memory_space<vmem>>, %arg3: memref<1x1x1000x64xf32, #tpu.memory_space<vmem>>, %arg4: memref<1x1x1000x64xf32, #tpu.memory_space<vmem>>, %arg5: memref<1000x64xf32, #tpu.memory_space<vmem>>, %arg6: memref<1000x64xf32, #tpu.memory_space<vmem>>, %arg7: memref<1000x16xf32, #tpu.memory_space<vmem>>, %arg8: memref<1x128xf32, #tpu.memory_space<vmem>>, %arg9: memref<128x64xf32, #tpu.memory_space<vmem>>, %arg10: memref<1000x64xf32, #tpu.memory_space<vmem>>) attributes {dimension_semantics = [#tpu.dimension_semantics<arbitrary>], iteration_bounds = array<i64: 10>, scalar_prefetch = 0 : i64, scratch_operands = 0 : i64, tpu.core_type = #tpu.core_type<tc>, window_params = [{transform_indices = @transform_0, window_bounds = array<i64: 1, 1, 1000, 64>}, {transform_indices = @transform_1, window_bounds = array<i64: 1, 1, 1000, 64>}, {transform_indices = @transform_2, window_bounds = array<i64: 1, 1, 1000, 64>}, {transform_indices = @transform_3, window_bounds = array<i64: 1, 1, 1000, 64>}, {transform_indices = @transform_4, window_bounds = array<i64: 1000, 64>}, {transform_indices = @transform_5, window_bounds = array<i64: 1000, 64>}, {transform_indices = @transform_6, window_bounds = array<i64: 1000, 16>}, {pipeline_mode = #tpu.pipeline_mode<synchronous>, transform_indices = @transform_7, window_bounds = array<i64: 1, 128>}, {pipeline_mode = #tpu.pipeline_mode<synchronous>, transform_indices = @transform_8, window_bounds = array<i64: 128, 64>}, {transform_indices = @transform_9, window_bounds = array<i64: 1000, 64>}]} {
    %get3A = arith.constant 0 : index
    %get3A_0 = arith.constant 0 : index
    %get3A_1 = vector.load %arg7[%get3A, %get3A_0] : memref<1000x16xf32, #tpu.memory_space<vmem>>, vector<1000x1xf32>
    %get3A_2 = vector.shape_cast %get3A_1 : vector<1000x1xf32> to vector<1000xf32>
    %broadcast_in_dim3A = vector.shape_cast %get3A_2 : vector<1000xf32> to vector<1000x1xf32>
    %get3A_3 = arith.constant 0 : index
    %get3A_4 = arith.constant 0 : index
    %get3A_5 = arith.constant 0 : index
    %get3A_6 = arith.constant 0 : index
    %get3A_7 = vector.load %arg1[%get3A_3, %get3A_4, %get3A_5, %get3A_6] : memref<1x1x1000x64xf32, #tpu.memory_space<vmem>>, vector<1x1x1000x64xf32>
    %get3A_8 = vector.shape_cast %get3A_7 : vector<1x1x1000x64xf32> to vector<1000x64xf32>
    %get3A_9 = arith.constant 0 : index
    %get3A_10 = arith.constant 0 : index
    %get3A_11 = arith.constant 0 : index
    %get3A_12 = arith.constant 0 : index
    %get3A_13 = vector.load %arg2[%get3A_9, %get3A_10, %get3A_11, %get3A_12] : memref<1x1x1000x64xf32, #tpu.memory_space<vmem>>, vector<1x1x1000x64xf32>
    %get3A_14 = vector.shape_cast %get3A_13 : vector<1x1x1000x64xf32> to vector<1000x64xf32>
    %add3A = arith.addf %get3A_8, %get3A_14 : vector<1000x64xf32>
    %get3A_15 = arith.constant 0 : index
    %get3A_16 = arith.constant 0 : index
    %get3A_17 = vector.load %arg5[%get3A_15, %get3A_16] : memref<1000x64xf32, #tpu.memory_space<vmem>>, vector<1000x64xf32>
    %add3A_18 = arith.addf %add3A, %get3A_17 : vector<1000x64xf32>
    %get3A_19 = arith.constant 0 : index
    %get3A_20 = arith.constant 0 : index
    %get3A_21 = arith.constant 0 : index
    %get3A_22 = arith.constant 0 : index
    %get3A_23 = vector.load %arg3[%get3A_19, %get3A_20, %get3A_21, %get3A_22] : memref<1x1x1000x64xf32, #tpu.memory_space<vmem>>, vector<1x1x1000x64xf32>
    %get3A_24 = vector.shape_cast %get3A_23 : vector<1x1x1000x64xf32> to vector<1000x64xf32>
    %get3A_25 = arith.constant 0 : index
    %get3A_26 = arith.constant 0 : index
    %get3A_27 = arith.constant 0 : index
    %get3A_28 = arith.constant 0 : index
    %get3A_29 = vector.load %arg4[%get3A_25, %get3A_26, %get3A_27, %get3A_28] : memref<1x1x1000x64xf32, #tpu.memory_space<vmem>>, vector<1x1x1000x64xf32>
    %get3A_30 = vector.shape_cast %get3A_29 : vector<1x1x1000x64xf32> to vector<1000x64xf32>
    %add3A_31 = arith.addf %get3A_24, %get3A_30 : vector<1000x64xf32>
    %get3A_32 = arith.constant 0 : index
    %get3A_33 = arith.constant 0 : index
    %get3A_34 = vector.load %arg6[%get3A_32, %get3A_33] : memref<1000x64xf32, #tpu.memory_space<vmem>>, vector<1000x64xf32>
    %add3A_35 = arith.addf %add3A_31, %get3A_34 : vector<1000x64xf32>
    %concatenate3A = tpu.concatenate %add3A_18, %add3A_35 in 1 : vector<1000x64xf32>, vector<1000x64xf32> -> vector<1000x128xf32>
    %mul3A = vector.broadcast %broadcast_in_dim3A : vector<1000x1xf32> to vector<1000x128xf32>
    %mul3A_36 = arith.mulf %mul3A, %concatenate3A : vector<1000x128xf32>
    %get3A_37 = arith.constant 0 : index
    %get3A_38 = arith.constant 0 : index
    %get3A_39 = vector.load %arg8[%get3A_37, %get3A_38] : memref<1x128xf32, #tpu.memory_space<vmem>>, vector<1x128xf32>
    %get3A_40 = vector.shape_cast %get3A_39 : vector<1x128xf32> to vector<128xf32>
    %broadcast_in_dim3A_41 = vector.shape_cast %get3A_40 : vector<128xf32> to vector<1x128xf32>
    %add3A_42 = vector.broadcast %broadcast_in_dim3A_41 : vector<1x128xf32> to vector<1000x128xf32>
    %add3A_43 = arith.addf %mul3A_36, %add3A_42 : vector<1000x128xf32>
    %max3A = arith.constant 0.000000e+00 : f32
    %max3A_44 = vector.broadcast %max3A : f32 to vector<1000x128xf32>
    %max3A_45 = arith.maximumf %add3A_43, %max3A_44 : vector<1000x128xf32>
    %get3A_46 = arith.constant 0 : index
    %get3A_47 = arith.constant 0 : index
    %get3A_48 = vector.load %arg9[%get3A_46, %get3A_47] : memref<128x64xf32, #tpu.memory_space<vmem>>, vector<128x64xf32>
    %dot_general3A = arith.constant dense<0.000000e+00> : vector<1000x64xf32>
    %dot_general3A_49 = tpu.matmul %max3A_45, %get3A_48, %dot_general3A {dimension_numbers = #tpu.dot_dimension_numbers<[1], [0], [0], [1], [0, 0, 1, 1], [], []>, precision = #tpu.contract_precision<fp32>, transpose_lhs_hint = false} : vector<1000x128xf32>, vector<128x64xf32>, vector<1000x64xf32> -> vector<1000x64xf32>
    %mul3A_50 = vector.broadcast %broadcast_in_dim3A : vector<1000x1xf32> to vector<1000x64xf32>
    %mul3A_51 = arith.mulf %dot_general3A_49, %mul3A_50 : vector<1000x64xf32>
    %swap3A = arith.constant 0 : index
    %swap3A_52 = arith.constant 0 : index
    %swap3A_53 = vector.load %arg10[%swap3A, %swap3A_52] : memref<1000x64xf32, #tpu.memory_space<vmem>>, vector<1000x64xf32>
    tpu.vector_store %arg10[%swap3A, %swap3A_52], %mul3A_51 {strides = array<i32>} : memref<1000x64xf32, #tpu.memory_space<vmem>>, vector<1000x64xf32>,
    return
  }
  func.func @transform_0(%arg0: i32) -> (i32, i32, i32, i32) {
    %c0_i32 = arith.constant 0 : i32
    %c0_i32_0 = arith.constant 0 : i32
    %c0_i32_1 = arith.constant 0 : i32
    %c0_i32_2 = arith.constant 0 : i32
    return %c0_i32, %c0_i32_0, %arg0, %c0_i32_1 : i32, i32, i32, i32
  }
  func.func @transform_1(%arg0: i32) -> (i32, i32, i32, i32) {
    %c0_i32 = arith.constant 0 : i32
    %c1_i32 = arith.constant 1 : i32
    %c0_i32_0 = arith.constant 0 : i32
    %c0_i32_1 = arith.constant 0 : i32
    return %c0_i32, %c1_i32, %arg0, %c0_i32_0 : i32, i32, i32, i32
  }
  func.func @transform_2(%arg0: i32) -> (i32, i32, i32, i32) {
    %c1_i32 = arith.constant 1 : i32
    %c0_i32 = arith.constant 0 : i32
    %c0_i32_0 = arith.constant 0 : i32
    %c0_i32_1 = arith.constant 0 : i32
    return %c1_i32, %c0_i32, %arg0, %c0_i32_0 : i32, i32, i32, i32
  }
  func.func @transform_3(%arg0: i32) -> (i32, i32, i32, i32) {
    %c1_i32 = arith.constant 1 : i32
    %c1_i32_0 = arith.constant 1 : i32
    %c0_i32 = arith.constant 0 : i32
    %c0_i32_1 = arith.constant 0 : i32
    return %c1_i32, %c1_i32_0, %arg0, %c0_i32 : i32, i32, i32, i32
  }
  func.func @transform_4(%arg0: i32) -> (i32, i32) {
    %c0_i32 = arith.constant 0 : i32
    %c0_i32_0 = arith.constant 0 : i32
    return %arg0, %c0_i32 : i32, i32
  }
  func.func @transform_5(%arg0: i32) -> (i32, i32) {
    %c0_i32 = arith.constant 0 : i32
    %c0_i32_0 = arith.constant 0 : i32
    return %arg0, %c0_i32 : i32, i32
  }
  func.func @transform_6(%arg0: i32) -> (i32, i32) {
    %c0_i32 = arith.constant 0 : i32
    %c0_i32_0 = arith.constant 0 : i32
    return %arg0, %c0_i32 : i32, i32
  }
  func.func @transform_7(%arg0: i32) -> (i32, i32) {
    %c0_i32 = arith.constant 0 : i32
    %c0_i32_0 = arith.constant 0 : i32
    %c0_i32_1 = arith.constant 0 : i32
    return %c0_i32, %c0_i32_0 : i32, i32
  }
  func.func @transform_8(%arg0: i32) -> (i32, i32) {
    %c0_i32 = arith.constant 0 : i32
    %c0_i32_0 = arith.constant 0 : i32
    %c0_i32_1 = arith.constant 0 : i32
    return %c0_i32, %c0_i32_0 : i32, i32
  }
  func.func @transform_9(%arg0: i32) -> (i32, i32) {
    %c0_i32 = arith.constant 0 : i32
    %c0_i32_0 = arith.constant 0 : i32
    return %arg0, %c0_i32 : i32, i32
  }
}

module attributes {stable_mosaic.version = 14 : i64} {
  func.func @_fin_body(%arg0: i32, %arg1: memref<1x1x1000x64xf32, #tpu.memory_space<vmem>>, %arg2: memref<1x1x1000x64xf32, #tpu.memory_space<vmem>>, %arg3: memref<1000x64xf32, #tpu.memory_space<vmem>>, %arg4: memref<1000x16xf32, #tpu.memory_space<vmem>>, %arg5: memref<1x64xf32, #tpu.memory_space<vmem>>, %arg6: memref<1000x64xf32, #tpu.memory_space<vmem>>) attributes {dimension_semantics = [#tpu.dimension_semantics<arbitrary>], iteration_bounds = array<i64: 10>, scalar_prefetch = 0 : i64, scratch_operands = 0 : i64, tpu.core_type = #tpu.core_type<tc>, window_params = [{transform_indices = @transform_0, window_bounds = array<i64: 1, 1, 1000, 64>}, {transform_indices = @transform_1, window_bounds = array<i64: 1, 1, 1000, 64>}, {transform_indices = @transform_2, window_bounds = array<i64: 1000, 64>}, {transform_indices = @transform_3, window_bounds = array<i64: 1000, 16>}, {pipeline_mode = #tpu.pipeline_mode<synchronous>, transform_indices = @transform_4, window_bounds = array<i64: 1, 64>}, {transform_indices = @transform_5, window_bounds = array<i64: 1000, 64>}]} {
    %get3A = arith.constant 0 : index
    %get3A_0 = arith.constant 0 : index
    %get3A_1 = vector.load %arg4[%get3A, %get3A_0] : memref<1000x16xf32, #tpu.memory_space<vmem>>, vector<1000x1xf32>
    %get3A_2 = vector.shape_cast %get3A_1 : vector<1000x1xf32> to vector<1000xf32>
    %broadcast_in_dim3A = vector.shape_cast %get3A_2 : vector<1000xf32> to vector<1000x1xf32>
    %get3A_3 = arith.constant 0 : index
    %get3A_4 = arith.constant 0 : index
    %get3A_5 = arith.constant 0 : index
    %get3A_6 = arith.constant 0 : index
    %get3A_7 = vector.load %arg1[%get3A_3, %get3A_4, %get3A_5, %get3A_6] : memref<1x1x1000x64xf32, #tpu.memory_space<vmem>>, vector<1x1x1000x64xf32>
    %get3A_8 = vector.shape_cast %get3A_7 : vector<1x1x1000x64xf32> to vector<1000x64xf32>
    %get3A_9 = arith.constant 0 : index
    %get3A_10 = arith.constant 0 : index
    %get3A_11 = arith.constant 0 : index
    %get3A_12 = arith.constant 0 : index
    %get3A_13 = vector.load %arg2[%get3A_9, %get3A_10, %get3A_11, %get3A_12] : memref<1x1x1000x64xf32, #tpu.memory_space<vmem>>, vector<1x1x1000x64xf32>
    %get3A_14 = vector.shape_cast %get3A_13 : vector<1x1x1000x64xf32> to vector<1000x64xf32>
    %add3A = arith.addf %get3A_8, %get3A_14 : vector<1000x64xf32>
    %get3A_15 = arith.constant 0 : index
    %get3A_16 = arith.constant 0 : index
    %get3A_17 = vector.load %arg3[%get3A_15, %get3A_16] : memref<1000x64xf32, #tpu.memory_space<vmem>>, vector<1000x64xf32>
    %add3A_18 = arith.addf %add3A, %get3A_17 : vector<1000x64xf32>
    %mul3A = vector.broadcast %broadcast_in_dim3A : vector<1000x1xf32> to vector<1000x64xf32>
    %mul3A_19 = arith.mulf %mul3A, %add3A_18 : vector<1000x64xf32>
    %get3A_20 = arith.constant 0 : index
    %get3A_21 = arith.constant 0 : index
    %get3A_22 = vector.load %arg5[%get3A_20, %get3A_21] : memref<1x64xf32, #tpu.memory_space<vmem>>, vector<1x64xf32>
    %get3A_23 = vector.shape_cast %get3A_22 : vector<1x64xf32> to vector<64xf32>
    %broadcast_in_dim3A_24 = vector.shape_cast %get3A_23 : vector<64xf32> to vector<1x64xf32>
    %add3A_25 = vector.broadcast %broadcast_in_dim3A_24 : vector<1x64xf32> to vector<1000x64xf32>
    %add3A_26 = arith.addf %mul3A_19, %add3A_25 : vector<1000x64xf32>
    %swap3A = arith.constant 0 : index
    %swap3A_27 = arith.constant 0 : index
    %swap3A_28 = vector.load %arg6[%swap3A, %swap3A_27] : memref<1000x64xf32, #tpu.memory_space<vmem>>, vector<1000x64xf32>
    tpu.vector_store %arg6[%swap3A, %swap3A_27], %add3A_26 {strides = array<i32>} : memref<1000x64xf32, #tpu.memory_space<vmem>>, vector<1000x64xf32>,
    return
  }
  func.func @transform_0(%arg0: i32) -> (i32, i32, i32, i32) {
    %c0_i32 = arith.constant 0 : i32
    %c0_i32_0 = arith.constant 0 : i32
    %c0_i32_1 = arith.constant 0 : i32
    %c0_i32_2 = arith.constant 0 : i32
    return %c0_i32, %c0_i32_0, %arg0, %c0_i32_1 : i32, i32, i32, i32
  }
  func.func @transform_1(%arg0: i32) -> (i32, i32, i32, i32) {
    %c0_i32 = arith.constant 0 : i32
    %c1_i32 = arith.constant 1 : i32
    %c0_i32_0 = arith.constant 0 : i32
    %c0_i32_1 = arith.constant 0 : i32
    return %c0_i32, %c1_i32, %arg0, %c0_i32_0 : i32, i32, i32, i32
  }
  func.func @transform_2(%arg0: i32) -> (i32, i32) {
    %c0_i32 = arith.constant 0 : i32
    %c0_i32_0 = arith.constant 0 : i32
    return %arg0, %c0_i32 : i32, i32
  }
  func.func @transform_3(%arg0: i32) -> (i32, i32) {
    %c0_i32 = arith.constant 0 : i32
    %c0_i32_0 = arith.constant 0 : i32
    return %arg0, %c0_i32 : i32, i32
  }
  func.func @transform_4(%arg0: i32) -> (i32, i32) {
    %c0_i32 = arith.constant 0 : i32
    %c0_i32_0 = arith.constant 0 : i32
    %c0_i32_1 = arith.constant 0 : i32
    return %c0_i32, %c0_i32_0 : i32, i32
  }
  func.func @transform_5(%arg0: i32) -> (i32, i32) {
    %c0_i32 = arith.constant 0 : i32
    %c0_i32_0 = arith.constant 0 : i32
    return %arg0, %c0_i32 : i32, i32
  }
}

</mosaic_0001>

<sc_bundles>
// kernel: kernel.11.cloned.1.call-start
scs
__scs_entry_jumppad:
0x0: {  	(pc) =	sbr.rel $0x88, $3  }
0x1: {  	(tag) =	ssettag $0x0;
	lr =	simm.s32 $0x1  }
0x2: {  	[smem:$0x3F96] =	sst lr;
	_ =	strace $0xD0000000  }
0x3: {  	_ = 	snop  }
0x4: {  	_ = 	snop  }
0x5: {  	_ = 	snop  }
0x6: {  	_ = 	snop  }
0x7: {  	_ = 	snop  }
__scs_overlays_trampoline_lowered:
0x8: {  	[smem:$0x3FA5] =	sst s0  }
0x9: {  	[smem:$0x3FA6] =	sst s1  }
0xa: {  	[smem:$0x3FA7] =	sst s2  }
0xb: {  	[smem:$0x3FA8] =	sst s3  }
0xc: {  	[smem:$0x3FA9] =	sst s4  }
0xd: {  	[smem:$0x3FAA] =	sst s5  }
0xe: {  	[smem:$0x3FAB] =	sst s6  }
0xf: {  	[smem:$0x3FAC] =	sst s7  }
0x10: {  	[smem:$0x3FAD] =	sst s8  }
0x11: {  	[smem:$0x3FAE] =	sst s9;
	s0 =	simm.s32 @!p0 $0x0  }
0x12: {  	s1 =	sld [smem:$0x3F94];
	s0 =	simm.s32 @p0 $0x1  }
0x13: {  	[smem:$0x3FAF] =	sst s0;
	s0 =	simm.s32 @!p1 $0x0  }
0x14: {  	s2 =	sld [smem:$0x3F93];
	s0 =	simm.s32 @p1 $0x1  }
0x15: {  	[smem:$0x3FB0] =	sst s0;
	s0 =	simm.s32 @!p2 $0x0  }
0x16: {  	s3 =	sld [smem:$0x3FDB];
	s0 =	simm.s32 @p2 $0x1  }
0x17: {  	s4 =	simm.s32 $0x1BF5;
	[smem:$0x3FB2] =	sst s0  }
0x18: {  	s0 =	sld [smem:$0x3F95];
	_ =	swait.ge [sflag:s4], $0x0  }
0x19: {  	s7 =	sld [smem:$0x3F96]  }
0x1a: {  	s8 =	sadd.s32 $0xFFFFE003, lr  }
0x1b: {  	s9 =	sadd.s32 $0xFFFFFEF7, lr;
	s5 =	simm.s32 $0xFFFFFFFF;
	p2 =	slt.u32 s8, $0xFFFFF086  }
0x1c: {  	p1 =	slt.u32 s9, $0xF7A;
	s5 =	simm.s32 @!p2 $0x0  }
0x1d: {  	s5 =	simm.s32 @p1 $0x1;
	p0 =	seq.s32 s7, s2  }
0x1e: {  	s7 =	smul.u32 @!p0 $0xF7A, s2;
	p2 =	seq.s32 @!p0 s5, $0x0  }
0x1f: {  	s9 =	smul.u32 $0xF7A, s1;
	s8 =	simm.s32 @!p0 $0x1BF5;
	p2 =	por !p2, p0  }
0x20: {  	[sflag:s8] =	ssyncset.s32 @!p0 $0xFFFFF086;
	s6 =	sadd.s32 @!p0 s3, s7;
	s7 =	simm.s32 @!p0 $0x108  }
0x21: {  	s3 =	sadd.s32 s3, s9;
	s6 =	sadd.s32 @!p0 $0x88, s6;
	s7 =	simm.s32 @p2 $0x1082  }
0x22: {  	[simem:s7], [sflag:s8] =	dma.local @!p0 [hbm:s6], $0xF7A  }
0x23: {  	s9 =	sor.u32 $0xD0000000, s2;
	s6 =	simm.s32 $0x108;
	_ =	swait.ge @!p0 [sflag:s8], $0x0  }
0x24: {  	s3 =	sadd.s32 $0x88, s3;
	s6 =	simm.s32 @!p1 $0x1082;
	[sflag:s4] =	ssyncset.s32 $0xFFFFF086  }
0x25: {  	[simem:s6], [sflag:s4] =	dma.local [hbm:s3], $0xF7A  }
0x26: {  	[smem:$0x3F96] =	sst s1;
	(tag) =	ssettag s2;
	_ =	strace s9  }
0x27: {  	s1 =	sld [smem:$0x3FA6]  }
0x28: {  	s2 =	sld [smem:$0x3FA7]  }
0x29: {  	s4 =	sld [smem:$0x3FA9]  }
0x2a: {  	p0 =	seq.s32 s5, $0x0;
	s5 =	sld [smem:$0x3FAA]  }
0x2b: {  	s6 =	sld [smem:$0x3FAB]  }
0x2c: {  	s7 =	sld [smem:$0x3FAC]  }
0x2d: {  	s3 =	simm.s32 $0x108;
	s8 =	sld [smem:$0x3FAD]  }
0x2e: {  	s3 =	simm.s32 @!p0 $0x1082;
	s9 =	sld [smem:$0x3FAE]  }
0x2f: {  	lr =	sadd.s32 s0, s3;
	s0 =	sld [smem:$0x3FA5]  }
0x30: {  	s3 =	sld [smem:$0x3FA8]  }
0x31: {  	[smem:$0x3FB1] =	sst s10  }
0x32: {  	s10 =	sld [smem:$0x3FAF];
	_ =	sdelay $0x3  }
0x33: {  	p0 =	seq.s32 s10, $0x1;
	s10 =	sld [smem:$0x3FB1];
	_ =	sdelay $0x3  }
0x34: {  	[smem:$0x3FB1] =	sst s10  }
0x35: {  	s10 =	sld [smem:$0x3FB0];
	_ =	sdelay $0x3  }
0x36: {  	p1 =	seq.s32 s10, $0x1;
	s10 =	sld [smem:$0x3FB1];
	_ =	sdelay $0x3  }
0x37: {  	[smem:$0x3FB1] =	sst s10  }
0x38: {  	s10 =	sld [smem:$0x3FB2]  }
0x39: {  	_ = 	snop;
	(pc) =	sbr.ind lr, $3  }
0x3a: {  	_ = 	snop  }
0x3b: {  	_ = 	snop  }
0x3c: {  	p2 =	seq.s32 s10, $0x1;
	s10 =	sld [smem:$0x3FB1]  }
0x3d: {  	_ =	shalt  }
0x3e: {  	_ =	shalt  }
0x3f: {  	_ =	shalt  }
0x40: {  	_ =	shalt  }
0x41: {  	_ =	shalt  }
0x42: {  	_ =	shalt  }
0x43: {  	_ =	shalt  }
0x44: {  	_ =	shalt  }
0x45: {  	_ =	shalt  }
0x46: {  	_ =	shalt  }
0x47: {  	_ =	shalt  }
0x48: {  	_ =	shalt  }
0x49: {  	_ =	shalt  }
0x4a: {  	_ =	shalt  }
0x4b: {  	_ =	shalt  }
0x4c: {  	_ =	shalt  }
0x4d: {  	_ =	shalt  }
0x4e: {  	_ =	shalt  }
0x4f: {  	_ =	shalt  }
0x50: {  	_ =	shalt  }
0x51: {  	_ =	shalt  }
0x52: {  	_ =	shalt  }
0x53: {  	_ =	shalt  }
0x54: {  	_ =	shalt  }
0x55: {  	_ =	shalt  }
0x56: {  	_ =	shalt  }
0x57: {  	_ =	shalt  }
0x58: {  	_ =	shalt  }
0x59: {  	_ =	shalt  }
0x5a: {  	_ =	shalt  }
0x5b: {  	_ =	shalt  }
0x5c: {  	_ =	shalt  }
0x5d: {  	_ =	shalt  }
0x5e: {  	_ =	shalt  }
0x5f: {  	_ =	shalt  }
0x60: {  	_ =	shalt  }
0x61: {  	_ =	shalt  }
0x62: {  	_ =	shalt  }
0x63: {  	_ =	shalt  }
0x64: {  	_ =	shalt  }
0x65: {  	_ =	shalt  }
0x66: {  	_ =	shalt  }
0x67: {  	_ =	shalt  }
0x68: {  	_ =	shalt  }
0x69: {  	_ =	shalt  }
0x6a: {  	_ =	shalt  }
0x6b: {  	_ =	shalt  }
0x6c: {  	_ =	shalt  }
0x6d: {  	_ =	shalt  }
0x6e: {  	_ =	shalt  }
0x6f: {  	_ =	shalt  }
0x70: {  	_ =	shalt  }
0x71: {  	_ =	shalt  }
0x72: {  	_ =	shalt  }
0x73: {  	_ =	shalt  }
0x74: {  	_ =	shalt  }
0x75: {  	_ =	shalt  }
0x76: {  	_ =	shalt  }
0x77: {  	_ =	shalt  }
0x78: {  	_ =	shalt  }
0x79: {  	_ =	shalt  }
0x7a: {  	_ =	shalt  }
0x7b: {  	_ =	shalt  }
0x7c: {  	_ =	shalt  }
0x7d: {  	_ =	shalt  }
0x7e: {  	_ =	shalt  }
0x7f: {  	_ =	shalt  }
0x80: {  	_ =	shalt  }
0x81: {  	_ =	shalt  }
0x82: {  	_ =	shalt  }
0x83: {  	_ =	shalt  }
0x84: {  	_ =	shalt  }
0x85: {  	_ =	shalt  }
0x86: {  	_ =	shalt  }
0x87: {  	_ =	shalt  }
.Lfunc_end0:
.L_simem_size_0:
called_computation.1_lowered:
.L_overlay_start_0:
0x88: {  	s2 =	sld [smem:$0x3FD9]  }
0x89: {  	s3 =	sld [smem:$0x3FFE];
	_ =	sdelay $0x1  }
0x8a: {  	s1 =	srdreg.scid  }
0x8b: {  	s0 =	sand.u32 $0x1, s1  }
0x8c: {  	s17 =	sshll.u32 s0, $0xA;
	s2 =	sadd.s32 s3, s2  }
0x8d: {  	s2 =	sadd.s32 s2, s17  }
0x8e: {  	[smem:$0x3FBD] =	sst s2  }
0x8f: {  	_ = 	snop  }
0x90: {  	s2 =	sld [smem:$0x3FD0];
	(tm) =	ssettm $0x1  }
0x91: {  	s18 =	sld [smem:$0x3FFB];
	_ =	sdelay $0x3  }
0x92: {  	_ =	strace s18  }
0x93: {  	s3 =	sld [smem:$0x3FFC];
	_ =	sdelay $0x3  }
0x94: {  	_ =	strace s3  }
0x95: {  	s3 =	sld [smem:$0x3FFD];
	_ =	sdelay $0x3  }
0x96: {  	_ =	strace s3  }
0x97: {  	_ =	strace $0x8FFFFFFF  }
0x98: {  	s19 =	sld [smem:$0x3FDB];
	_ =	sdelay $0x1  }
0x99: {  	s4 =	simm.s32 $_scs_section_size  }
0x9a: {  	s5 =	simm.s32 $_size__tile_overlayer_lowered;
	s6 =	simm.s32 $_tile_overlayer_lowered  }
0x9b: {  	s22 =	simm.s32 $0x1BFF;
	s21 =	sshll.u32 s6, $0x1;
	s3 =	sadd.s32 s4, s19  }
0x9c: {  	s7 =	simm.s32 $0x0;
	s20 =	sshll.u32 s5, $0x1;
	s5 =	sadd.s32 s21, s3  }
0x9d: {  	[timem:s7], [sflag:s22] =	dma.local [hbm:s5], s20  }
0x9e: {  	_ =	swait.ge [sflag:s22], s20  }
0x9f: {  	s4 =	ssub.s32 $0x0, s20;
	[sflag:s22] =	ssyncset.done $0x0  }
0xa0: {  	[sflag:s22] =	ssyncadd.s32 s4;
	_ =	sdelay $0x1  }
0xa1: {  	s23 =	simm.s32 $0x1B8B  }
0xa2: {  	_ =	swait.ge [sflag:s23], $0x1  }
0xa3: {  	[sflag:s23] =	ssyncset.done $0x0  }
0xa4: {  	s25 =	simm.s32 $0x1B8E;
	s24 =	sld [smem:$0x3FFE];
	[sflag:s23] =	ssyncadd.s32 $0xFFFFFFFF  }
0xa5: {  	s26 =	simm.s32 $execute0_lowered;
	[smem:$0x3FD2] =	sst s25  }
0xa6: {  	s5 =	sshll.u32 s26, $0x1;
	_ =	strace $0x80000049;
	[dreg:$0x1] =	wrdreg $0xFFFFFFFF  }
0xa7: {  	s28 =	simm.s32 $_size_execute0_lowered;
	s3 =	sadd.s32 s3, s5;
	[dreg:$0x0] =	wrdreg $0x0  }
0xa8: {  	s5 =	sshll.u32 s28, $0x1;
	[dreg:$0x2] =	wrdreg s3  }
0xa9: {  	[dreg:$0x3] =	wrdreg s5  }
0xaa: {  	[dreg:$0x4] =	wrdreg $0xC0  }
0xab: {  	_ =	task [dreg:s7], $0x5FFFF  }
0xac: {  	[dreg:$0x1] =	wrdreg $0xFFFFFFFF  }
0xad: {  	[dreg:$0x0] =	wrdreg $0x60  }
0xae: {  	[dreg:$0x2] =	wrdreg s24  }
0xaf: {  	[dreg:$0x3] =	wrdreg s2  }
0xb0: {  	[dreg:$0x4] =	wrdreg $0x150000  }
0xb1: {  	[dreg:$0x5] =	wrdreg $0x9  }
0xb2: {  	_ =	task.clear_ibuf [dreg:s7], $0x6FFFF;
	_ =	strace $0x90000049  }
0xb3: {  	s29 =	simm.s32 $0x9;
	_ =	strace $0x8000004B  }
0xb4: {  	_ =	swait.ge [sflag:s29], $0x1  }
0xb5: {  	[sflag:s29] =	ssyncadd.s32 $0xFFFFFFFF  }
0xb6: {  	_ =	strace $0x9000004B  }
0xb7: {  	_ =	sfence  }
0xb8: {  	s30 =	sld [smem:$0x0];
	_ =	sdelay $0x2  }
0xb9: {  	s31 =	sshll.u32 s1, $0xD;
	s1 =	sshrl.u32 s1, $0x2  }
0xba: {  	s3 =	sand.u32 $0x4000, s31;
	s1 =	sadd.s32 s1, s30  }
0xbb: {  	s0 =	sor.u32 s3, s0;
	s1 =	sshll.u32 s1, $0x11  }
0xbc: {  	s0 =	sor.u32 s1, s0  }
0xbd: {  	s0 =	sadd.s32 $0x8F2B, s0  }
0xbe: {  	[sflag:s0] =	ssyncadd.remote.s32 $0x1  }
0xbf: {  	_ =	sfence.sel $0xFFFF  }
0xc0: {  	[dreg:$0x0] =	wrdreg $0xFFFFFFFF;
	(pc) =	sbr.abs _section_cstart, $3  }
0xc1: {  	[dreg:$0x1] =	wrdreg $0xFFFFFFFF  }
0xc2: {  	_ =	task.clear_ibuf [dreg:s7], $0x2FFFF;
	_ =	strace $0x9FFFFFFF  }
0xc3: {  	(tm) =	ssettm $0x7FFFFFFF  }
tec
execute0_lowered:
.L_overlay_start_1:
0x0: {  	(tag) =	ssettag $0x1  }
0x1: {  	s0 =	rddreg [dreg:$0x0]  }
0x2: {  	s1 =	rddreg [dreg:$0x1]  }
0x3: {  	s2 =	rddreg [dreg:$0x2]  }
0x4: {  	s3 =	srdreg.scid;
	s10 =	stileid.u32;
	s5 =	simm.s32 $0x0  }
0x5: {  	s14 =	simm.s32 $0x11;
	s16 =	simm.s32 $0x80;
	s17 =	simm.s32 $0x5000  }
0x6: {  	s18 =	simm.s32 $0x7000;
	s20 =	simm.s32 $0x9000;
	s22 =	simm.s32 $0xB000  }
0x7: {  	s28 =	simm.s32 $0x3;
	s29 =	simm.s32 $0x11000;
	s30 =	simm.s32 $0x4  }
0x8: {  	s31 =	simm.s32 $0x13000;
	s15 =	simm.s32 $0x8;
	s12 =	simm.s32 $0xB  }
0x9: {  	s19 =	simm.s32 $0xC;
	s3 =	sand.u32 $0x1, s3;
	s6 =	smul.u32 $0x9E00, s10  }
0xa: {  	[smem:$0x7FF] =	sst s5;
	s5 =	sadd.s32 $0x16200, s0;
	s11 =	sadd.s32 $0x2200, s0  }
0xb: {  	s24 =	sshll.u32 s10, $0x6;
	s4 =	sshll.u32 s3, $0x4;
	s7 =	smul.u32 $0x9E000, s3  }
0xc: {  	_ =	strace $0x8000004A;
	s3 =	ssub.s32 $0x2, s3;
	s4 =	sor.u32 s10, s4  }
0xd: {  	[dreg:$0x4] =	wrdreg s11;
	s23 =	sshrl.u32 s3, $0x1;
	s8 =	smul.u32 $0x500, s4  }
0xe: {  	s4 =	sadd.s32 $0x2DC00, s0;
	s7 =	sadd.s32 s6, s7;
	s3 =	ssub.s32 s3, s23  }
0xf: {  	s6 =	sadd.s32 s6, s2;
	s23 =	simm.s32 $0x1;
	s7 =	sshrl.u32 s7, $0x3  }
0x10: {  	s26 =	smax.u32 s3, $0x1;
	s13 =	sshrl.u32 s6, $0x3;
	s9 =	sadd.s32 s8, s0  }
0x11: {  	s0 =	sadd.s32 s7, s0;
	s1 =	sadd.s32 s1, s8;
	[dreg:$0x9] =	wrdreg s26  }
.Ltmp0:
0x12: {  	s9 =	sadd.s32 $0xC200, s9;
	[dreg:$0x6] =	wrdreg s1;
	(pc) =	sbr.rel .LBB2_1-.Ltmp0, $4  }
0x13: {  	s7 =	sor.u32 $0x1C11, s24;
	s25 =	sadd.s32 $0x45600, s0;
	[dreg:$0x5] =	wrdreg s9  }
0x14: {  	s24 =	simm.s32 $0xD000;
	s0 =	sadd.s32 $0x6CE00, s0;
	[dreg:$0x7] =	wrdreg s25  }
0x15: {  	s26 =	simm.s32 $0xF000;
	s1 =	simm.s32 $0x7;
	[dreg:$0x8] =	wrdreg s0  }
0x16: {  	s25 =	simm.s32 $0x2;
	s0 =	simm.s32 $0x5;
	s9 =	simm.s32 $0x0  }
.LBB2_7:
0x17: {  	_ =	swait.ge [sflag:s15], $0x2000  }
0x18: {  	[sflag:s15] =	ssyncset.done $0x0  }
0x19: {  	s3 =	simm.s32 $0x9;
	[sflag:s15] =	ssyncadd.s32 $0xFFFFE000  }
0x1a: {  	[spmem:s2] =	stream.indirect.scatter.add.f32 [tilespmem:s31], [sflag:$0x10], $0x40, s21, s16, $0xb8;
	[tilespmem:$0x1EE00] =	vst v63  }
0x1b: {  	_ =	swait.ge [sflag:s3], $0x2000  }
0x1c: {  	[sflag:s3] =	ssyncset.done $0x0  }
0x1d: {  	s11 =	simm.s32 $0xA;
	[sflag:s3] =	ssyncadd.s32 $0xFFFFE000  }
0x1e: {  	_ =	swait.ge [sflag:s11], $0x2000  }
0x1f: {  	[sflag:s11] =	ssyncset.done $0x0  }
0x20: {  	[sflag:s11] =	ssyncadd.s32 $0xFFFFE000  }
0x21: {  	_ =	swait.ge [sflag:s12], $0x2000  }
0x22: {  	[sflag:s12] =	ssyncset.done $0x0  }
0x23: {  	[sflag:s12] =	ssyncadd.s32 $0xFFFFE000  }
0x24: {  	_ =	swait.ge [sflag:s19], $0x2000  }
0x25: {  	[sflag:s19] =	ssyncset.done $0x0  }
0x26: {  	s21 =	simm.s32 $0xD;
	[sflag:s19] =	ssyncadd.s32 $0xFFFFE000  }
0x27: {  	_ =	swait.ge [sflag:s21], $0x2000  }
0x28: {  	[sflag:s21] =	ssyncset.done $0x0  }
0x29: {  	s6 =	simm.s32 $0xE;
	[sflag:s21] =	ssyncadd.s32 $0xFFFFE000  }
0x2a: {  	_ =	swait.ge [sflag:s6], $0x2000  }
0x2b: {  	[sflag:s6] =	ssyncset.done $0x0  }
0x2c: {  	s8 =	simm.s32 $0xF;
	[sflag:s6] =	ssyncadd.s32 $0xFFFFE000  }
0x2d: {  	_ =	swait.ge [sflag:s8], $0x2000  }
0x2e: {  	[sflag:s8] =	ssyncset.done $0x0  }
0x2f: {  	s10 =	simm.s32 $0x10;
	[sflag:s8] =	ssyncadd.s32 $0xFFFFE000  }
0x30: {  	_ =	swait.ge [sflag:s10], $0x2000  }
0x31: {  	[sflag:s10] =	ssyncset.done $0x0  }
0x32: {  	[sflag:s10] =	ssyncadd.s32 $0xFFFFE000  }
0x33: {  	[bflag:$0x0] =	sbarrier.arrive $0xFFFF  }
0x34: {  	s11 =	rddreg [dreg:$0x8]  }
0x35: {  	[hbm:s11], [sflag:s7] =	dma.local [spmem:s13], $0x13C0  }
0x36: {  	_ =	swait.ge [sflag:s14], $0x13C0  }
0x37: {  	s9 =	sadd.s32 $0x1, s9;
	s21 =	rddreg [dreg:$0x9]  }
0x38: {  	p0 =	sne.s32 s9, s21  }
.Ltmp1:
0x39: {  	_ = 	snop;
	(pc) =	sbr.rel @!p0 .LBB2_8-.Ltmp1, $3  }
0x3a: {  	_ =	sdelay $0x1  }
0x3b: {  	[sflag:s14] =	ssyncset.done $0x0  }
0x3c: {  	[sflag:s14] =	ssyncadd.s32 $0xFFFFEC40  }
.LBB2_1:
0x3d: {  	s3 =	rddreg [dreg:$0x4]  }
0x3e: {  	[spmem:s13], [sflag:s7] =	dma.local [hbm:s3], $0x13C0  }
0x3f: {  	_ =	swait.ge [sflag:s14], $0x13C0  }
0x40: {  	[sflag:s14] =	ssyncset.done $0x0  }
0x41: {  	[sflag:s14] =	ssyncadd.s32 $0xFFFFEC40  }
0x42: {  	[bflag:$0x0] =	sbarrier.arrive $0xFFFF  }
0x43: {  	s21 =	simm.s32 $0x0;
	s6 =	rddreg [dreg:$0x5]  }
0x44: {  	[tilespmem:s21], [sflag:$0x11] =	stream.linear.gather [hbm4b:s6+s21], $0x2800, $0x38;
	[tilespmem:$0x1EE00] =	vst v63  }
0x45: {  	_ =	swait.ge [sflag:s14], $0x2800  }
0x46: {  	[sflag:s14] =	ssyncset.done $0x0  }
0x47: {  	s8 =	simm.s32 $0x2800;
	s10 =	rddreg [dreg:$0x6];
	[sflag:s14] =	ssyncadd.s32 $0xFFFFD800  }
0x48: {  	[tilespmem:s8], [sflag:$0x11] =	stream.linear.gather [hbm4b:s10+s21], $0x2800, $0x38;
	[tilespmem:$0x1EE00] =	vst v63  }
0x49: {  	_ =	swait.ge [sflag:s14], $0x2800  }
0x4a: {  	[sflag:s14] =	ssyncset.done $0x0  }
0x4b: {  	[sflag:s14] =	ssyncadd.s32 $0xFFFFD800  }
0x4c: {  	[tilespmem:s17], [sflag:$0x1] =	stream.indirect.gather [hbm4b:s4+s16], $0x40, s21, s16, $0xb8;
	[tilespmem:$0x1EE00] =	vst v63  }
0x4d: {  	_ = 	snop  }
0x4e: {  	[tilespmem:s18], [sflag:$0x2] =	stream.indirect.gather [hbm4b:s4+s16], $0x40, s16, s16, $0xb8;
	[tilespmem:$0x1EE00] =	vst v63  }
0x4f: {  	s11 =	simm.s32 $0x100  }
0x50: {  	[tilespmem:s20], [sflag:$0x3] =	stream.indirect.gather [hbm4b:s4+s16], $0x40, s11, s16, $0xb8;
	[tilespmem:$0x1EE00] =	vst v63  }
0x51: {  	s10 =	simm.s32 $0x0;
	s21 =	simm.s32 $0x180  }
0x52: {  	[tilespmem:s22], [sflag:$0x4] =	stream.indirect.gather [hbm4b:s4+s16], $0x40, s21, s16, $0xb8;
	[tilespmem:$0x1EE00] =	vst v63  }
.LBB2_2:
0x53: {  	_ =	swait.ge [sflag:s23], $0x2000  }
0x54: {  	s11 =	sshra.s32 s10, $0x2;
	[sflag:s23] =	ssyncset.done $0x0  }
0x55: {  	p0 =	seq.s32 s10, $0x0;
	s21 =	sadd.s32 $0x2800, s11;
	[sflag:s23] =	ssyncadd.s32 $0xFFFFE000  }
0x56: {  	[spmem:s2] =	stream.indirect.scatter.add.f32 [tilespmem:s17], [sflag:$0x9], $0x40, s21, s16, $0xb8;
	[tilespmem:$0x1EE00] =	vst v63  }
0x57: {  	s21 =	simm.s32 @!p0 $0xD  }
0x58: {  	_ =	swait.ge @!p0 [sflag:s21], $0x2000  }
0x59: {  	[sflag:s21] =	ssyncset.done @!p0 $0x0  }
0x5a: {  	s6 =	sadd.s32 $0x200, s11;
	[sflag:s21] =	ssyncadd.s32 @!p0 $0xFFFFE000  }
0x5b: {  	[tilespmem:s24], [sflag:$0x5] =	stream.indirect.gather [hbm4b:s4+s16], $0x40, s6, s16, $0xb8;
	[tilespmem:$0x1EE00] =	vst v63  }
0x5c: {  	_ =	swait.ge [sflag:s25], $0x2000  }
0x5d: {  	[sflag:s25] =	ssyncset.done $0x0  }
0x5e: {  	s8 =	sadd.s32 $0x2880, s11;
	s21 =	simm.s32 @!p0 $0xE;
	[sflag:s25] =	ssyncadd.s32 $0xFFFFE000  }
0x5f: {  	[spmem:s2] =	stream.indirect.scatter.add.f32 [tilespmem:s18], [sflag:$0xA], $0x40, s8, s16, $0xb8;
	[tilespmem:$0x1EE00] =	vst v63  }
0x60: {  	_ =	swait.ge @!p0 [sflag:s21], $0x2000  }
0x61: {  	[sflag:s21] =	ssyncset.done @!p0 $0x0  }
0x62: {  	s3 =	sadd.s32 $0x280, s11;
	[sflag:s21] =	ssyncadd.s32 @!p0 $0xFFFFE000  }
0x63: {  	[tilespmem:s26], [sflag:$0x6] =	stream.indirect.gather [hbm4b:s4+s16], $0x40, s3, s16, $0xb8;
	[tilespmem:$0x1EE00] =	vst v63  }
0x64: {  	_ =	swait.ge [sflag:s28], $0x2000  }
0x65: {  	[sflag:s28] =	ssyncset.done $0x0  }
0x66: {  	s6 =	sadd.s32 $0x2900, s11;
	s21 =	simm.s32 @!p0 $0xF;
	[sflag:s28] =	ssyncadd.s32 $0xFFFFE000  }
0x67: {  	[spmem:s2] =	stream.indirect.scatter.add.f32 [tilespmem:s20], [sflag:$0xB], $0x40, s6, s16, $0xb8;
	[tilespmem:$0x1EE00] =	vst v63  }
0x68: {  	_ =	swait.ge @!p0 [sflag:s21], $0x2000  }
0x69: {  	[sflag:s21] =	ssyncset.done @!p0 $0x0  }
0x6a: {  	s8 =	sadd.s32 $0x300, s11;
	[sflag:s21] =	ssyncadd.s32 @!p0 $0xFFFFE000  }
0x6b: {  	[tilespmem:s29], [sflag:$0x7] =	stream.indirect.gather [hbm4b:s4+s16], $0x40, s8, s16, $0xb8;
	[tilespmem:$0x1EE00] =	vst v63  }
0x6c: {  	_ =	swait.ge [sflag:s30], $0x2000  }
0x6d: {  	[sflag:s30] =	ssyncset.done $0x0  }
0x6e: {  	s3 =	sadd.s32 $0x2980, s11;
	s21 =	simm.s32 @!p0 $0x10;
	[sflag:s30] =	ssyncadd.s32 $0xFFFFE000  }
0x6f: {  	[spmem:s2] =	stream.indirect.scatter.add.f32 [tilespmem:s22], [sflag:$0xC], $0x40, s3, s16, $0xb8;
	[tilespmem:$0x1EE00] =	vst v63  }
0x70: {  	_ =	swait.ge @!p0 [sflag:s21], $0x2000  }
0x71: {  	[sflag:s21] =	ssyncset.done @!p0 $0x0  }
0x72: {  	s6 =	sadd.s32 $0x380, s11;
	[sflag:s21] =	ssyncadd.s32 @!p0 $0xFFFFE000  }
0x73: {  	[tilespmem:s31], [sflag:$0x8] =	stream.indirect.gather [hbm4b:s4+s16], $0x40, s6, s16, $0xb8;
	[tilespmem:$0x1EE00] =	vst v63  }
0x74: {  	_ =	swait.ge [sflag:s0], $0x2000  }
0x75: {  	p0 =	seq.s32 s10, $0x9000;
	[sflag:s0] =	ssyncset.done $0x0  }
0x76: {  	s8 =	sadd.s32 $0x2A00, s11;
	s21 =	simm.s32 @p0 $0x6;
	[sflag:s0] =	ssyncadd.s32 $0xFFFFE000  }
0x77: {  	[spmem:s2] =	stream.indirect.scatter.add.f32 [tilespmem:s24], [sflag:$0xD], $0x40, s8, s16, $0xb8;
	[tilespmem:$0x1EE00] =	vst v63  }
0x78: {  	_ =	swait.ge @p0 [sflag:s21], $0x2000  }
0x79: {  	[sflag:s21] =	ssyncset.done @p0 $0x0  }
0x7a: {  	[sflag:s21] =	ssyncadd.s32 @p0 $0xFFFFE000;
	s21 =	sshra.s32 @p0 s10, $0x2  }
0x7b: {  	s3 =	simm.s32 @p0 $0x80;
	s6 =	simm.s32 @p0 $0xF000;
	s21 =	sadd.s32 @p0 $0x2A80, s21  }
0x7c: {  	[spmem:s2] =	stream.indirect.scatter.add.f32 @p0 [tilespmem:s6], [sflag:$0xE], $0x40, s21, s3, $0xb8;
	[tilespmem:$0x1EE00] =	vst v63  }
0x7d: {  	s3 =	simm.s32 @!p0 $0x9  }
0x7e: {  	_ =	swait.ge @!p0 [sflag:s3], $0x2000  }
0x7f: {  	[sflag:s3] =	ssyncset.done @!p0 $0x0  }
0x80: {  	[sflag:s3] =	ssyncadd.s32 @!p0 $0xFFFFE000;
	s3 =	sshra.s32 @!p0 s10, $0x2  }
0x81: {  	s8 =	simm.s32 @!p0 $0x5000;
	s21 =	simm.s32 @!p0 $0x80;
	s6 =	sadd.s32 @!p0 $0x400, s3  }
0x82: {  	[tilespmem:s8], [sflag:$0x1] =	stream.indirect.gather @!p0 [hbm4b:s4+s21], $0x40, s6, s21, $0xb8;
	[tilespmem:$0x1EE00] =	vst v63  }
0x83: {  	s6 =	simm.s32 @!p0 $0x6  }
0x84: {  	_ =	swait.ge @!p0 [sflag:s6], $0x2000  }
0x85: {  	[sflag:s6] =	ssyncset.done @!p0 $0x0  }
0x86: {  	s8 =	simm.s32 @!p0 $0xF000;
	[sflag:s6] =	ssyncadd.s32 @!p0 $0xFFFFE000;
	s6 =	sadd.s32 @!p0 $0x2A80, s3  }
0x87: {  	[spmem:s2] =	stream.indirect.scatter.add.f32 @!p0 [tilespmem:s8], [sflag:$0xE], $0x40, s6, s21, $0xb8;
	[tilespmem:$0x1EE00] =	vst v63  }
0x88: {  	s6 =	simm.s32 @!p0 $0xA  }
0x89: {  	_ =	swait.ge @!p0 [sflag:s6], $0x2000  }
0x8a: {  	[sflag:s6] =	ssyncset.done @!p0 $0x0  }
0x8b: {  	s3 =	sadd.s32 @!p0 $0x480, s3;
	[sflag:s6] =	ssyncadd.s32 @!p0 $0xFFFFE000;
	s6 =	simm.s32 @!p0 $0x7000  }
0x8c: {  	[tilespmem:s6], [sflag:$0x2] =	stream.indirect.gather @!p0 [hbm4b:s4+s21], $0x40, s3, s21, $0xb8;
	[tilespmem:$0x1EE00] =	vst v63  }
.Ltmp2:
0x8d: {  	_ =	swait.ge [sflag:s1], $0x2000;
	(pc) =	sbr.rel @p0 .LBB2_4-.Ltmp2, $4  }
0x8e: {  	[sflag:s1] =	ssyncset.done $0x0  }
0x8f: {  	s21 =	sadd.s32 $0x2B00, s11;
	[sflag:s1] =	ssyncadd.s32 $0xFFFFE000  }
0x90: {  	[spmem:s2] =	stream.indirect.scatter.add.f32 [tilespmem:s29], [sflag:$0xF], $0x40, s21, s16, $0xb8;
	[tilespmem:$0x1EE00] =	vst v63  }
0x91: {  	s21 =	sadd.s32 $0x2B80, s11  }
0x92: {  	_ =	swait.ge [sflag:s12], $0x2000  }
0x93: {  	[sflag:s12] =	ssyncset.done $0x0  }
0x94: {  	s3 =	sadd.s32 $0x500, s11;
	[sflag:s12] =	ssyncadd.s32 $0xFFFFE000  }
0x95: {  	[tilespmem:s20], [sflag:$0x3] =	stream.indirect.gather [hbm4b:s4+s16], $0x40, s3, s16, $0xb8;
	[tilespmem:$0x1EE00] =	vst v63  }
0x96: {  	_ =	swait.ge [sflag:s15], $0x2000  }
0x97: {  	[sflag:s15] =	ssyncset.done $0x0  }
0x98: {  	[sflag:s15] =	ssyncadd.s32 $0xFFFFE000  }
0x99: {  	[spmem:s2] =	stream.indirect.scatter.add.f32 [tilespmem:s31], [sflag:$0x10], $0x40, s21, s16, $0xb8;
	[tilespmem:$0x1EE00] =	vst v63  }
.Ltmp3:
0x9a: {  	_ = 	snop;
	(pc) =	sbr.rel .LBB2_2-.Ltmp3, $4  }
0x9b: {  	_ =	swait.ge [sflag:s19], $0x2000  }
0x9c: {  	[sflag:s19] =	ssyncset.done $0x0  }
0x9d: {  	s10 =	sadd.s32 $0x1000, s10;
	s21 =	sadd.s32 $0x580, s11;
	[sflag:s19] =	ssyncadd.s32 $0xFFFFE000  }
0x9e: {  	[tilespmem:s22], [sflag:$0x4] =	stream.indirect.gather [hbm4b:s4+s16], $0x40, s21, s16, $0xb8;
	[tilespmem:$0x1EE00] =	vst v63  }
.LBB2_4:
0x9f: {  	_ =	swait.ge [sflag:s15], $0x2000  }
0xa0: {  	[sflag:s15] =	ssyncset.done $0x0  }
0xa1: {  	s3 =	simm.s32 $0x9;
	[sflag:s15] =	ssyncadd.s32 $0xFFFFE000  }
0xa2: {  	[spmem:s2] =	stream.indirect.scatter.add.f32 [tilespmem:s31], [sflag:$0x10], $0x40, s21, s16, $0xb8;
	[tilespmem:$0x1EE00] =	vst v63  }
0xa3: {  	_ =	swait.ge [sflag:s3], $0x2000  }
0xa4: {  	[sflag:s3] =	ssyncset.done $0x0  }
0xa5: {  	s11 =	simm.s32 $0xA;
	[sflag:s3] =	ssyncadd.s32 $0xFFFFE000  }
0xa6: {  	_ =	swait.ge [sflag:s11], $0x2000  }
0xa7: {  	[sflag:s11] =	ssyncset.done $0x0  }
0xa8: {  	[sflag:s11] =	ssyncadd.s32 $0xFFFFE000  }
0xa9: {  	_ =	swait.ge [sflag:s12], $0x2000  }
0xaa: {  	[sflag:s12] =	ssyncset.done $0x0  }
0xab: {  	[sflag:s12] =	ssyncadd.s32 $0xFFFFE000  }
0xac: {  	_ =	swait.ge [sflag:s19], $0x2000  }
0xad: {  	[sflag:s19] =	ssyncset.done $0x0  }
0xae: {  	s21 =	simm.s32 $0xD;
	[sflag:s19] =	ssyncadd.s32 $0xFFFFE000  }
0xaf: {  	_ =	swait.ge [sflag:s21], $0x2000  }
0xb0: {  	[sflag:s21] =	ssyncset.done $0x0  }
0xb1: {  	s6 =	simm.s32 $0xE;
	[sflag:s21] =	ssyncadd.s32 $0xFFFFE000  }
0xb2: {  	_ =	swait.ge [sflag:s6], $0x2000  }
0xb3: {  	[sflag:s6] =	ssyncset.done $0x0  }
0xb4: {  	s8 =	simm.s32 $0xF;
	[sflag:s6] =	ssyncadd.s32 $0xFFFFE000  }
0xb5: {  	_ =	swait.ge [sflag:s8], $0x2000  }
0xb6: {  	[sflag:s8] =	ssyncset.done $0x0  }
0xb7: {  	s10 =	simm.s32 $0x10;
	[sflag:s8] =	ssyncadd.s32 $0xFFFFE000  }
0xb8: {  	_ =	swait.ge [sflag:s10], $0x2000  }
0xb9: {  	[sflag:s10] =	ssyncset.done $0x0  }
0xba: {  	[sflag:s10] =	ssyncadd.s32 $0xFFFFE000  }
0xbb: {  	[bflag:$0x0] =	sbarrier.arrive $0xFFFF  }
0xbc: {  	s11 =	rddreg [dreg:$0x7]  }
0xbd: {  	[hbm:s11], [sflag:s7] =	dma.local [spmem:s13], $0x13C0  }
0xbe: {  	_ =	swait.ge [sflag:s14], $0x13C0  }
0xbf: {  	[sflag:s14] =	ssyncset.done $0x0  }
0xc0: {  	s21 =	rddreg [dreg:$0x4];
	[sflag:s14] =	ssyncadd.s32 $0xFFFFEC40  }
0xc1: {  	[spmem:s13], [sflag:s7] =	dma.local [hbm:s21], $0x13C0  }
0xc2: {  	_ =	swait.ge [sflag:s14], $0x13C0  }
0xc3: {  	[sflag:s14] =	ssyncset.done $0x0  }
0xc4: {  	[sflag:s14] =	ssyncadd.s32 $0xFFFFEC40  }
0xc5: {  	[bflag:$0x0] =	sbarrier.arrive $0xFFFF  }
0xc6: {  	s10 =	simm.s32 $0x0;
	s6 =	rddreg [dreg:$0x5]  }
0xc7: {  	[tilespmem:s10], [sflag:$0x11] =	stream.linear.gather [hbm4b:s6+s10], $0x2800, $0x38;
	[tilespmem:$0x1EE00] =	vst v63  }
0xc8: {  	_ =	swait.ge [sflag:s14], $0x2800  }
0xc9: {  	[sflag:s14] =	ssyncset.done $0x0  }
0xca: {  	s6 =	simm.s32 $0x2800;
	s8 =	rddreg [dreg:$0x6];
	[sflag:s14] =	ssyncadd.s32 $0xFFFFD800  }
0xcb: {  	[tilespmem:s6], [sflag:$0x11] =	stream.linear.gather [hbm4b:s8+s10], $0x2800, $0x38;
	[tilespmem:$0x1EE00] =	vst v63  }
0xcc: {  	_ =	swait.ge [sflag:s14], $0x2800  }
0xcd: {  	[sflag:s14] =	ssyncset.done $0x0  }
0xce: {  	[sflag:s14] =	ssyncadd.s32 $0xFFFFD800  }
0xcf: {  	[tilespmem:s17], [sflag:$0x1] =	stream.indirect.gather [hbm4b:s5+s16], $0x40, s10, s16, $0xb8;
	[tilespmem:$0x1EE00] =	vst v63  }
0xd0: {  	_ = 	snop  }
0xd1: {  	[tilespmem:s18], [sflag:$0x2] =	stream.indirect.gather [hbm4b:s5+s16], $0x40, s16, s16, $0xb8;
	[tilespmem:$0x1EE00] =	vst v63  }
0xd2: {  	s11 =	simm.s32 $0x100  }
0xd3: {  	[tilespmem:s20], [sflag:$0x3] =	stream.indirect.gather [hbm4b:s5+s16], $0x40, s11, s16, $0xb8;
	[tilespmem:$0x1EE00] =	vst v63  }
0xd4: {  	s21 =	simm.s32 $0x180  }
0xd5: {  	[tilespmem:s22], [sflag:$0x4] =	stream.indirect.gather [hbm4b:s5+s16], $0x40, s21, s16, $0xb8;
	[tilespmem:$0x1EE00] =	vst v63  }
.LBB2_5:
0xd6: {  	_ =	swait.ge [sflag:s23], $0x2000  }
0xd7: {  	s11 =	sshra.s32 s10, $0x2;
	[sflag:s23] =	ssyncset.done $0x0  }
0xd8: {  	p0 =	seq.s32 s10, $0x0;
	s3 =	sadd.s32 $0x2800, s11;
	[sflag:s23] =	ssyncadd.s32 $0xFFFFE000  }
0xd9: {  	[spmem:s2] =	stream.indirect.scatter.add.f32 [tilespmem:s17], [sflag:$0x9], $0x40, s3, s16, $0xb8;
	[tilespmem:$0x1EE00] =	vst v63  }
0xda: {  	s3 =	simm.s32 @!p0 $0xD  }
0xdb: {  	_ =	swait.ge @!p0 [sflag:s3], $0x2000  }
0xdc: {  	[sflag:s3] =	ssyncset.done @!p0 $0x0  }
0xdd: {  	s6 =	sadd.s32 $0x200, s11;
	[sflag:s3] =	ssyncadd.s32 @!p0 $0xFFFFE000  }
0xde: {  	[tilespmem:s24], [sflag:$0x5] =	stream.indirect.gather [hbm4b:s5+s16], $0x40, s6, s16, $0xb8;
	[tilespmem:$0x1EE00] =	vst v63  }
0xdf: {  	_ =	swait.ge [sflag:s25], $0x2000  }
0xe0: {  	[sflag:s25] =	ssyncset.done $0x0  }
0xe1: {  	s8 =	sadd.s32 $0x2880, s11;
	s3 =	simm.s32 @!p0 $0xE;
	[sflag:s25] =	ssyncadd.s32 $0xFFFFE000  }
0xe2: {  	[spmem:s2] =	stream.indirect.scatter.add.f32 [tilespmem:s18], [sflag:$0xA], $0x40, s8, s16, $0xb8;
	[tilespmem:$0x1EE00] =	vst v63  }
0xe3: {  	_ =	swait.ge @!p0 [sflag:s3], $0x2000  }
0xe4: {  	[sflag:s3] =	ssyncset.done @!p0 $0x0  }
0xe5: {  	s21 =	sadd.s32 $0x280, s11;
	[sflag:s3] =	ssyncadd.s32 @!p0 $0xFFFFE000  }
0xe6: {  	[tilespmem:s26], [sflag:$0x6] =	stream.indirect.gather [hbm4b:s5+s16], $0x40, s21, s16, $0xb8;
	[tilespmem:$0x1EE00] =	vst v63  }
0xe7: {  	_ =	swait.ge [sflag:s28], $0x2000  }
0xe8: {  	[sflag:s28] =	ssyncset.done $0x0  }
0xe9: {  	s6 =	sadd.s32 $0x2900, s11;
	s3 =	simm.s32 @!p0 $0xF;
	[sflag:s28] =	ssyncadd.s32 $0xFFFFE000  }
0xea: {  	[spmem:s2] =	stream.indirect.scatter.add.f32 [tilespmem:s20], [sflag:$0xB], $0x40, s6, s16, $0xb8;
	[tilespmem:$0x1EE00] =	vst v63  }
0xeb: {  	_ =	swait.ge @!p0 [sflag:s3], $0x2000  }
0xec: {  	[sflag:s3] =	ssyncset.done @!p0 $0x0  }
0xed: {  	s8 =	sadd.s32 $0x300, s11;
	[sflag:s3] =	ssyncadd.s32 @!p0 $0xFFFFE000  }
0xee: {  	[tilespmem:s29], [sflag:$0x7] =	stream.indirect.gather [hbm4b:s5+s16], $0x40, s8, s16, $0xb8;
	[tilespmem:$0x1EE00] =	vst v63  }
0xef: {  	_ =	swait.ge [sflag:s30], $0x2000  }
0xf0: {  	[sflag:s30] =	ssyncset.done $0x0  }
0xf1: {  	s21 =	sadd.s32 $0x2980, s11;
	s3 =	simm.s32 @!p0 $0x10;
	[sflag:s30] =	ssyncadd.s32 $0xFFFFE000  }
0xf2: {  	[spmem:s2] =	stream.indirect.scatter.add.f32 [tilespmem:s22], [sflag:$0xC], $0x40, s21, s16, $0xb8;
	[tilespmem:$0x1EE00] =	vst v63  }
0xf3: {  	_ =	swait.ge @!p0 [sflag:s3], $0x2000  }
0xf4: {  	[sflag:s3] =	ssyncset.done @!p0 $0x0  }
0xf5: {  	s6 =	sadd.s32 $0x380, s11;
	[sflag:s3] =	ssyncadd.s32 @!p0 $0xFFFFE000  }
0xf6: {  	[tilespmem:s31], [sflag:$0x8] =	stream.indirect.gather [hbm4b:s5+s16], $0x40, s6, s16, $0xb8;
	[tilespmem:$0x1EE00] =	vst v63  }
0xf7: {  	_ =	swait.ge [sflag:s0], $0x2000  }
0xf8: {  	p0 =	seq.s32 s10, $0x9000;
	[sflag:s0] =	ssyncset.done $0x0  }
0xf9: {  	s8 =	sadd.s32 $0x2A00, s11;
	s3 =	simm.s32 @p0 $0x6;
	[sflag:s0] =	ssyncadd.s32 $0xFFFFE000  }
0xfa: {  	[spmem:s2] =	stream.indirect.scatter.add.f32 [tilespmem:s24], [sflag:$0xD], $0x40, s8, s16, $0xb8;
	[tilespmem:$0x1EE00] =	vst v63  }
0xfb: {  	_ =	swait.ge @p0 [sflag:s3], $0x2000  }
0xfc: {  	[sflag:s3] =	ssyncset.done @p0 $0x0  }
0xfd: {  	[sflag:s3] =	ssyncadd.s32 @p0 $0xFFFFE000;
	s3 =	sshra.s32 @p0 s10, $0x2  }
0xfe: {  	s6 =	simm.s32 @p0 $0x80;
	s8 =	simm.s32 @p0 $0xF000;
	s3 =	sadd.s32 @p0 $0x2A80, s3  }
0xff: {  	[spmem:s2] =	stream.indirect.scatter.add.f32 @p0 [tilespmem:s8], [sflag:$0xE], $0x40, s3, s6, $0xb8;
	[tilespmem:$0x1EE00] =	vst v63  }
0x100: {  	s3 =	simm.s32 @!p0 $0x9  }
0x101: {  	_ =	swait.ge @!p0 [sflag:s3], $0x2000  }
0x102: {  	[sflag:s3] =	ssyncset.done @!p0 $0x0  }
0x103: {  	[sflag:s3] =	ssyncadd.s32 @!p0 $0xFFFFE000;
	s3 =	sshra.s32 @!p0 s10, $0x2  }
0x104: {  	s21 =	simm.s32 @!p0 $0x5000;
	s8 =	simm.s32 @!p0 $0x80;
	s6 =	sadd.s32 @!p0 $0x400, s3  }
0x105: {  	[tilespmem:s21], [sflag:$0x1] =	stream.indirect.gather @!p0 [hbm4b:s5+s8], $0x40, s6, s8, $0xb8;
	[tilespmem:$0x1EE00] =	vst v63  }
0x106: {  	s6 =	simm.s32 @!p0 $0x6  }
0x107: {  	_ =	swait.ge @!p0 [sflag:s6], $0x2000  }
0x108: {  	[sflag:s6] =	ssyncset.done @!p0 $0x0  }
0x109: {  	s21 =	simm.s32 @!p0 $0xF000;
	[sflag:s6] =	ssyncadd.s32 @!p0 $0xFFFFE000;
	s6 =	sadd.s32 @!p0 $0x2A80, s3  }
0x10a: {  	[spmem:s2] =	stream.indirect.scatter.add.f32 @!p0 [tilespmem:s21], [sflag:$0xE], $0x40, s6, s8, $0xb8;
	[tilespmem:$0x1EE00] =	vst v63  }
0x10b: {  	s6 =	simm.s32 @!p0 $0xA  }
0x10c: {  	_ =	swait.ge @!p0 [sflag:s6], $0x2000  }
0x10d: {  	[sflag:s6] =	ssyncset.done @!p0 $0x0  }
0x10e: {  	s3 =	sadd.s32 @!p0 $0x480, s3;
	[sflag:s6] =	ssyncadd.s32 @!p0 $0xFFFFE000;
	s6 =	simm.s32 @!p0 $0x7000  }
0x10f: {  	[tilespmem:s6], [sflag:$0x2] =	stream.indirect.gather @!p0 [hbm4b:s5+s8], $0x40, s3, s8, $0xb8;
	[tilespmem:$0x1EE00] =	vst v63  }
.Ltmp4:
0x110: {  	_ =	swait.ge [sflag:s1], $0x2000;
	(pc) =	sbr.rel @p0 .LBB2_7-.Ltmp4, $4  }
0x111: {  	[sflag:s1] =	ssyncset.done $0x0  }
0x112: {  	s21 =	sadd.s32 $0x2B00, s11;
	[sflag:s1] =	ssyncadd.s32 $0xFFFFE000  }
0x113: {  	[spmem:s2] =	stream.indirect.scatter.add.f32 [tilespmem:s29], [sflag:$0xF], $0x40, s21, s16, $0xb8;
	[tilespmem:$0x1EE00] =	vst v63  }
0x114: {  	s21 =	sadd.s32 $0x2B80, s11  }
0x115: {  	_ =	swait.ge [sflag:s12], $0x2000  }
0x116: {  	[sflag:s12] =	ssyncset.done $0x0  }
0x117: {  	s3 =	sadd.s32 $0x500, s11;
	[sflag:s12] =	ssyncadd.s32 $0xFFFFE000  }
0x118: {  	[tilespmem:s20], [sflag:$0x3] =	stream.indirect.gather [hbm4b:s5+s16], $0x40, s3, s16, $0xb8;
	[tilespmem:$0x1EE00] =	vst v63  }
0x119: {  	_ =	swait.ge [sflag:s15], $0x2000  }
0x11a: {  	[sflag:s15] =	ssyncset.done $0x0  }
0x11b: {  	[sflag:s15] =	ssyncadd.s32 $0xFFFFE000  }
0x11c: {  	[spmem:s2] =	stream.indirect.scatter.add.f32 [tilespmem:s31], [sflag:$0x10], $0x40, s21, s16, $0xb8;
	[tilespmem:$0x1EE00] =	vst v63  }
.Ltmp5:
0x11d: {  	_ = 	snop;
	(pc) =	sbr.rel .LBB2_5-.Ltmp5, $4  }
0x11e: {  	_ =	swait.ge [sflag:s19], $0x2000  }
0x11f: {  	[sflag:s19] =	ssyncset.done $0x0  }
0x120: {  	s10 =	sadd.s32 $0x1000, s10;
	s21 =	sadd.s32 $0x580, s11;
	[sflag:s19] =	ssyncadd.s32 $0xFFFFE000  }
0x121: {  	[tilespmem:s22], [sflag:$0x4] =	stream.indirect.gather [hbm4b:s5+s16], $0x40, s21, s16, $0xb8;
	[tilespmem:$0x1EE00] =	vst v63  }
.LBB2_8:
0x122: {  	_ =	sfence.sel $0x180000  }
0x123: {  	[bflag:$0x0] =	sbarrier.arrive $0xFFFF  }
0x124: {  	_ =	strace $0x9000004A  }
0x125: {  	s0 =	stileid.u32;
	[bflag:$0x2] =	sbarrier.arrive $0xFFFF  }
0x126: {  	p0 =	sne.s32 s0, $0x0;
	s0 =	rddreg [dreg:$0x3]  }
0x127: {  	s0 =	sadd.s32 @!p0 $0x100000, s0  }
0x128: {  	[sflag:s0] =	ssyncadd.tile.s32 @!p0 $0x1;
	_ =	shalt  }
.Lfunc_end2:
_tile_overlayer_lowered:
.L_overlay_start_2:
0x129: {  	(tag) =	ssettag $0x2  }
0x12a: {  	s0 =	rddreg [dreg:$0x0];
	s2 =	stileid.u32  }
0x12b: {  	s1 =	rddreg [dreg:$0x1];
	p0 =	sne.s32 s2, $0x0  }
0x12c: {  	s3 =	rddreg [dreg:$0x2];
	[bflag:$0x3] =	sbarrier.arrive $0xFFFF;
	s2 =	simm.s32 @!p0 $0x1C11  }
0x12d: {  	[timem:s3], [sflag:s2] =	dma.local @!p0 [hbm:s0], s1  }
0x12e: {  	s0 =	simm.s32 @!p0 $0x11  }
0x12f: {  	_ =	swait.ge @!p0 [sflag:s0], s1  }
0x130: {  	s1 =	ssub.s32 @!p0 $0x0, s1;
	[sflag:s0] =	ssyncset.done @!p0 $0x0  }
0x131: {  	[sflag:s0] =	ssyncadd.s32 @!p0 s1  }
0x132: {  	[bflag:$0x3] =	sbarrier.arrive $0xFFFF  }
0x133: {  	_ =	shalt  }

// kernel: kernel.14.cloned.1.call-start
scs
__scs_entry_jumppad:
0x0: {  	(pc) =	sbr.rel $0x88, $3  }
0x1: {  	(tag) =	ssettag $0x0;
	lr =	simm.s32 $0x1  }
0x2: {  	[smem:$0x3F96] =	sst lr;
	_ =	strace $0xD0000000  }
0x3: {  	_ = 	snop  }
0x4: {  	_ = 	snop  }
0x5: {  	_ = 	snop  }
0x6: {  	_ = 	snop  }
0x7: {  	_ = 	snop  }
__scs_overlays_trampoline_lowered:
0x8: {  	[smem:$0x3FA5] =	sst s0  }
0x9: {  	[smem:$0x3FA6] =	sst s1  }
0xa: {  	[smem:$0x3FA7] =	sst s2  }
0xb: {  	[smem:$0x3FA8] =	sst s3  }
0xc: {  	[smem:$0x3FA9] =	sst s4  }
0xd: {  	[smem:$0x3FAA] =	sst s5  }
0xe: {  	[smem:$0x3FAB] =	sst s6  }
0xf: {  	[smem:$0x3FAC] =	sst s7  }
0x10: {  	[smem:$0x3FAD] =	sst s8  }
0x11: {  	[smem:$0x3FAE] =	sst s9;
	s0 =	simm.s32 @!p0 $0x0  }
0x12: {  	s1 =	sld [smem:$0x3F94];
	s0 =	simm.s32 @p0 $0x1  }
0x13: {  	[smem:$0x3FAF] =	sst s0;
	s0 =	simm.s32 @!p1 $0x0  }
0x14: {  	s2 =	sld [smem:$0x3F93];
	s0 =	simm.s32 @p1 $0x1  }
0x15: {  	[smem:$0x3FB0] =	sst s0;
	s0 =	simm.s32 @!p2 $0x0  }
0x16: {  	s3 =	sld [smem:$0x3FDB];
	s0 =	simm.s32 @p2 $0x1  }
0x17: {  	s4 =	simm.s32 $0x1BF5;
	[smem:$0x3FB2] =	sst s0  }
0x18: {  	s0 =	sld [smem:$0x3F95];
	_ =	swait.ge [sflag:s4], $0x0  }
0x19: {  	s7 =	sld [smem:$0x3F96]  }
0x1a: {  	s8 =	sadd.s32 $0xFFFFE003, lr  }
0x1b: {  	s9 =	sadd.s32 $0xFFFFFEF7, lr;
	s5 =	simm.s32 $0xFFFFFFFF;
	p2 =	slt.u32 s8, $0xFFFFF086  }
0x1c: {  	p1 =	slt.u32 s9, $0xF7A;
	s5 =	simm.s32 @!p2 $0x0  }
0x1d: {  	s5 =	simm.s32 @p1 $0x1;
	p0 =	seq.s32 s7, s2  }
0x1e: {  	s7 =	smul.u32 @!p0 $0xF7A, s2;
	p2 =	seq.s32 @!p0 s5, $0x0  }
0x1f: {  	s9 =	smul.u32 $0xF7A, s1;
	s8 =	simm.s32 @!p0 $0x1BF5;
	p2 =	por !p2, p0  }
0x20: {  	[sflag:s8] =	ssyncset.s32 @!p0 $0xFFFFF086;
	s6 =	sadd.s32 @!p0 s3, s7;
	s7 =	simm.s32 @!p0 $0x108  }
0x21: {  	s3 =	sadd.s32 s3, s9;
	s6 =	sadd.s32 @!p0 $0x88, s6;
	s7 =	simm.s32 @p2 $0x1082  }
0x22: {  	[simem:s7], [sflag:s8] =	dma.local @!p0 [hbm:s6], $0xF7A  }
0x23: {  	s9 =	sor.u32 $0xD0000000, s2;
	s6 =	simm.s32 $0x108;
	_ =	swait.ge @!p0 [sflag:s8], $0x0  }
0x24: {  	s3 =	sadd.s32 $0x88, s3;
	s6 =	simm.s32 @!p1 $0x1082;
	[sflag:s4] =	ssyncset.s32 $0xFFFFF086  }
0x25: {  	[simem:s6], [sflag:s4] =	dma.local [hbm:s3], $0xF7A  }
0x26: {  	[smem:$0x3F96] =	sst s1;
	(tag) =	ssettag s2;
	_ =	strace s9  }
0x27: {  	s1 =	sld [smem:$0x3FA6]  }
0x28: {  	s2 =	sld [smem:$0x3FA7]  }
0x29: {  	s4 =	sld [smem:$0x3FA9]  }
0x2a: {  	p0 =	seq.s32 s5, $0x0;
	s5 =	sld [smem:$0x3FAA]  }
0x2b: {  	s6 =	sld [smem:$0x3FAB]  }
0x2c: {  	s7 =	sld [smem:$0x3FAC]  }
0x2d: {  	s3 =	simm.s32 $0x108;
	s8 =	sld [smem:$0x3FAD]  }
0x2e: {  	s3 =	simm.s32 @!p0 $0x1082;
	s9 =	sld [smem:$0x3FAE]  }
0x2f: {  	lr =	sadd.s32 s0, s3;
	s0 =	sld [smem:$0x3FA5]  }
0x30: {  	s3 =	sld [smem:$0x3FA8]  }
0x31: {  	[smem:$0x3FB1] =	sst s10  }
0x32: {  	s10 =	sld [smem:$0x3FAF];
	_ =	sdelay $0x3  }
0x33: {  	p0 =	seq.s32 s10, $0x1;
	s10 =	sld [smem:$0x3FB1];
	_ =	sdelay $0x3  }
0x34: {  	[smem:$0x3FB1] =	sst s10  }
0x35: {  	s10 =	sld [smem:$0x3FB0];
	_ =	sdelay $0x3  }
0x36: {  	p1 =	seq.s32 s10, $0x1;
	s10 =	sld [smem:$0x3FB1];
	_ =	sdelay $0x3  }
0x37: {  	[smem:$0x3FB1] =	sst s10  }
0x38: {  	s10 =	sld [smem:$0x3FB2]  }
0x39: {  	_ = 	snop;
	(pc) =	sbr.ind lr, $3  }
0x3a: {  	_ = 	snop  }
0x3b: {  	_ = 	snop  }
0x3c: {  	p2 =	seq.s32 s10, $0x1;
	s10 =	sld [smem:$0x3FB1]  }
0x3d: {  	_ =	shalt  }
0x3e: {  	_ =	shalt  }
0x3f: {  	_ =	shalt  }
0x40: {  	_ =	shalt  }
0x41: {  	_ =	shalt  }
0x42: {  	_ =	shalt  }
0x43: {  	_ =	shalt  }
0x44: {  	_ =	shalt  }
0x45: {  	_ =	shalt  }
0x46: {  	_ =	shalt  }
0x47: {  	_ =	shalt  }
0x48: {  	_ =	shalt  }
0x49: {  	_ =	shalt  }
0x4a: {  	_ =	shalt  }
0x4b: {  	_ =	shalt  }
0x4c: {  	_ =	shalt  }
0x4d: {  	_ =	shalt  }
0x4e: {  	_ =	shalt  }
0x4f: {  	_ =	shalt  }
0x50: {  	_ =	shalt  }
0x51: {  	_ =	shalt  }
0x52: {  	_ =	shalt  }
0x53: {  	_ =	shalt  }
0x54: {  	_ =	shalt  }
0x55: {  	_ =	shalt  }
0x56: {  	_ =	shalt  }
0x57: {  	_ =	shalt  }
0x58: {  	_ =	shalt  }
0x59: {  	_ =	shalt  }
0x5a: {  	_ =	shalt  }
0x5b: {  	_ =	shalt  }
0x5c: {  	_ =	shalt  }
0x5d: {  	_ =	shalt  }
0x5e: {  	_ =	shalt  }
0x5f: {  	_ =	shalt  }
0x60: {  	_ =	shalt  }
0x61: {  	_ =	shalt  }
0x62: {  	_ =	shalt  }
0x63: {  	_ =	shalt  }
0x64: {  	_ =	shalt  }
0x65: {  	_ =	shalt  }
0x66: {  	_ =	shalt  }
0x67: {  	_ =	shalt  }
0x68: {  	_ =	shalt  }
0x69: {  	_ =	shalt  }
0x6a: {  	_ =	shalt  }
0x6b: {  	_ =	shalt  }
0x6c: {  	_ =	shalt  }
0x6d: {  	_ =	shalt  }
0x6e: {  	_ =	shalt  }
0x6f: {  	_ =	shalt  }
0x70: {  	_ =	shalt  }
0x71: {  	_ =	shalt  }
0x72: {  	_ =	shalt  }
0x73: {  	_ =	shalt  }
0x74: {  	_ =	shalt  }
0x75: {  	_ =	shalt  }
0x76: {  	_ =	shalt  }
0x77: {  	_ =	shalt  }
0x78: {  	_ =	shalt  }
0x79: {  	_ =	shalt  }
0x7a: {  	_ =	shalt  }
0x7b: {  	_ =	shalt  }
0x7c: {  	_ =	shalt  }
0x7d: {  	_ =	shalt  }
0x7e: {  	_ =	shalt  }
0x7f: {  	_ =	shalt  }
0x80: {  	_ =	shalt  }
0x81: {  	_ =	shalt  }
0x82: {  	_ =	shalt  }
0x83: {  	_ =	shalt  }
0x84: {  	_ =	shalt  }
0x85: {  	_ =	shalt  }
0x86: {  	_ =	shalt  }
0x87: {  	_ =	shalt  }
.Lfunc_end0:
.L_simem_size_0:
called_computation.2_lowered:
.L_overlay_start_0:
0x88: {  	s2 =	sld [smem:$0x3FD9]  }
0x89: {  	s3 =	sld [smem:$0x3FFE];
	_ =	sdelay $0x1  }
0x8a: {  	s1 =	srdreg.scid  }
0x8b: {  	s0 =	sand.u32 $0x1, s1  }
0x8c: {  	s17 =	sshll.u32 s0, $0xA;
	s2 =	sadd.s32 s3, s2  }
0x8d: {  	s2 =	sadd.s32 s2, s17  }
0x8e: {  	[smem:$0x3FBD] =	sst s2  }
0x8f: {  	_ = 	snop  }
0x90: {  	s2 =	sld [smem:$0x3FD0];
	(tm) =	ssettm $0x1  }
0x91: {  	s18 =	sld [smem:$0x3FFB];
	_ =	sdelay $0x3  }
0x92: {  	_ =	strace s18  }
0x93: {  	s3 =	sld [smem:$0x3FFC];
	_ =	sdelay $0x3  }
0x94: {  	_ =	strace s3  }
0x95: {  	s3 =	sld [smem:$0x3FFD];
	_ =	sdelay $0x3  }
0x96: {  	_ =	strace s3  }
0x97: {  	_ =	strace $0x8FFFFFFF  }
0x98: {  	s19 =	sld [smem:$0x3FDB];
	_ =	sdelay $0x1  }
0x99: {  	s4 =	simm.s32 $_scs_section_size  }
0x9a: {  	s5 =	simm.s32 $_size__tile_overlayer_lowered;
	s6 =	simm.s32 $_tile_overlayer_lowered  }
0x9b: {  	s22 =	simm.s32 $0x1BFF;
	s21 =	sshll.u32 s6, $0x1;
	s3 =	sadd.s32 s4, s19  }
0x9c: {  	s7 =	simm.s32 $0x0;
	s20 =	sshll.u32 s5, $0x1;
	s5 =	sadd.s32 s21, s3  }
0x9d: {  	[timem:s7], [sflag:s22] =	dma.local [hbm:s5], s20  }
0x9e: {  	_ =	swait.ge [sflag:s22], s20  }
0x9f: {  	s4 =	ssub.s32 $0x0, s20;
	[sflag:s22] =	ssyncset.done $0x0  }
0xa0: {  	[sflag:s22] =	ssyncadd.s32 s4;
	_ =	sdelay $0x1  }
0xa1: {  	s23 =	simm.s32 $0x1B8B  }
0xa2: {  	_ =	swait.ge [sflag:s23], $0x1  }
0xa3: {  	[sflag:s23] =	ssyncset.done $0x0  }
0xa4: {  	s25 =	simm.s32 $0x1B8E;
	s24 =	sld [smem:$0x3FFE];
	[sflag:s23] =	ssyncadd.s32 $0xFFFFFFFF  }
0xa5: {  	s26 =	simm.s32 $execute0_lowered;
	[smem:$0x3FD2] =	sst s25  }
0xa6: {  	s5 =	sshll.u32 s26, $0x1;
	_ =	strace $0x8000004C;
	[dreg:$0x1] =	wrdreg $0xFFFFFFFF  }
0xa7: {  	s28 =	simm.s32 $_size_execute0_lowered;
	s3 =	sadd.s32 s3, s5;
	[dreg:$0x0] =	wrdreg $0x0  }
0xa8: {  	s5 =	sshll.u32 s28, $0x1;
	[dreg:$0x2] =	wrdreg s3  }
0xa9: {  	[dreg:$0x3] =	wrdreg s5  }
0xaa: {  	[dreg:$0x4] =	wrdreg $0xC0  }
0xab: {  	_ =	task [dreg:s7], $0x5FFFF  }
0xac: {  	[dreg:$0x1] =	wrdreg $0xFFFFFFFF  }
0xad: {  	[dreg:$0x0] =	wrdreg $0x60  }
0xae: {  	[dreg:$0x2] =	wrdreg s24  }
0xaf: {  	[dreg:$0x3] =	wrdreg s2  }
0xb0: {  	[dreg:$0x4] =	wrdreg $0x150000  }
0xb1: {  	[dreg:$0x5] =	wrdreg $0x9  }
0xb2: {  	_ =	task.clear_ibuf [dreg:s7], $0x6FFFF;
	_ =	strace $0x9000004C  }
0xb3: {  	s29 =	simm.s32 $0x9;
	_ =	strace $0x8000004E  }
0xb4: {  	_ =	swait.ge [sflag:s29], $0x1  }
0xb5: {  	[sflag:s29] =	ssyncadd.s32 $0xFFFFFFFF  }
0xb6: {  	_ =	strace $0x9000004E  }
0xb7: {  	_ =	sfence  }
0xb8: {  	s30 =	sld [smem:$0x0];
	_ =	sdelay $0x2  }
0xb9: {  	s31 =	sshll.u32 s1, $0xD;
	s1 =	sshrl.u32 s1, $0x2  }
0xba: {  	s3 =	sand.u32 $0x4000, s31;
	s1 =	sadd.s32 s1, s30  }
0xbb: {  	s0 =	sor.u32 s3, s0;
	s1 =	sshll.u32 s1, $0x11  }
0xbc: {  	s0 =	sor.u32 s1, s0  }
0xbd: {  	s0 =	sadd.s32 $0x8F2B, s0  }
0xbe: {  	[sflag:s0] =	ssyncadd.remote.s32 $0x1  }
0xbf: {  	_ =	sfence.sel $0xFFFF  }
0xc0: {  	[dreg:$0x0] =	wrdreg $0xFFFFFFFF;
	(pc) =	sbr.abs _section_cstart, $3  }
0xc1: {  	[dreg:$0x1] =	wrdreg $0xFFFFFFFF  }
0xc2: {  	_ =	task.clear_ibuf [dreg:s7], $0x2FFFF;
	_ =	strace $0x9FFFFFFF  }
0xc3: {  	(tm) =	ssettm $0x7FFFFFFF  }
tec
execute0_lowered:
.L_overlay_start_1:
0x0: {  	(tag) =	ssettag $0x1  }
0x1: {  	s0 =	srdreg.scid;
	s1 =	rddreg [dreg:$0x0]  }
0x2: {  	s10 =	stileid.u32;
	s3 =	rddreg [dreg:$0x1]  }
0x3: {  	s22 =	simm.s32 $0x0;
	s12 =	simm.s32 $0x11;
	s14 =	simm.s32 $0x80  }
0x4: {  	s15 =	simm.s32 $0x5000;
	s16 =	simm.s32 $0x7000;
	s18 =	simm.s32 $0x9000  }
0x5: {  	s20 =	simm.s32 $0xB000;
	s21 =	simm.s32 $0x1;
	s28 =	simm.s32 $0x4  }
0x6: {  	s29 =	simm.s32 $0x13000;
	s30 =	simm.s32 $0x5;
	s31 =	simm.s32 $0x7  }
0x7: {  	s17 =	simm.s32 $0xB;
	s19 =	simm.s32 $0xC;
	s0 =	sand.u32 $0x1, s0  }
0x8: {  	s6 =	smul.u32 $0x9E00, s10;
	[smem:$0x7FF] =	sst s22;
	s9 =	sadd.s32 $0x2200, s1  }
0x9: {  	s24 =	sshll.u32 s10, $0x6;
	s22 =	simm.s32 $0xD000;
	s2 =	sshll.u32 s0, $0x4  }
0xa: {  	s7 =	smul.u32 $0x9E000, s0;
	s4 =	sor.u32 s10, s2;
	s2 =	rddreg [dreg:$0x2]  }
0xb: {  	s0 =	ssub.s32 $0x2, s0;
	_ =	strace $0x8000004D;
	[dreg:$0x4] =	wrdreg s9  }
0xc: {  	s23 =	sshrl.u32 s0, $0x1;
	s9 =	simm.s32 $0x10;
	s10 =	simm.s32 $0x0  }
0xd: {  	s5 =	smul.u32 $0x500, s4;
	s4 =	sadd.s32 $0x16200, s1;
	s7 =	sadd.s32 s6, s7  }
0xe: {  	s0 =	ssub.s32 s0, s23;
	s25 =	sadd.s32 s6, s2;
	s6 =	sor.u32 $0x1C11, s24  }
0xf: {  	s23 =	simm.s32 $0x2;
	s24 =	simm.s32 $0xF000;
	s7 =	sshrl.u32 s7, $0x3  }
.Ltmp0:
0x10: {  	s0 =	smax.u32 s0, $0x1;
	s11 =	sshrl.u32 s25, $0x3;
	(pc) =	sbr.rel .LBB2_1-.Ltmp0, $4  }
0x11: {  	s8 =	sadd.s32 s5, s1;
	s3 =	sadd.s32 s3, s5;
	[dreg:$0x8] =	wrdreg s0  }
0x12: {  	s1 =	sadd.s32 s7, s1;
	s26 =	sadd.s32 $0xC200, s8;
	[dreg:$0x6] =	wrdreg s3  }
0x13: {  	s25 =	simm.s32 $0x3;
	s1 =	sadd.s32 $0x2DC00, s1;
	[dreg:$0x5] =	wrdreg s26  }
0x14: {  	[dreg:$0x7] =	wrdreg s1;
	s26 =	simm.s32 $0x11000;
	s1 =	simm.s32 $0x8  }
.LBB2_4:
0x15: {  	_ =	swait.ge [sflag:s1], $0x2000  }
0x16: {  	[sflag:s1] =	ssyncset.done $0x0  }
0x17: {  	s0 =	simm.s32 $0x9;
	[sflag:s1] =	ssyncadd.s32 $0xFFFFE000  }
0x18: {  	[spmem:s2] =	stream.indirect.scatter.add.f32 [tilespmem:s29], [sflag:$0x10], $0x40, s13, s14, $0xb8;
	[tilespmem:$0x1EE00] =	vst v63  }
0x19: {  	_ =	swait.ge [sflag:s0], $0x2000  }
0x1a: {  	[sflag:s0] =	ssyncset.done $0x0  }
0x1b: {  	s13 =	simm.s32 $0xA;
	[sflag:s0] =	ssyncadd.s32 $0xFFFFE000  }
0x1c: {  	_ =	swait.ge [sflag:s13], $0x2000  }
0x1d: {  	[sflag:s13] =	ssyncset.done $0x0  }
0x1e: {  	[sflag:s13] =	ssyncadd.s32 $0xFFFFE000  }
0x1f: {  	_ =	swait.ge [sflag:s17], $0x2000  }
0x20: {  	[sflag:s17] =	ssyncset.done $0x0  }
0x21: {  	[sflag:s17] =	ssyncadd.s32 $0xFFFFE000  }
0x22: {  	_ =	swait.ge [sflag:s19], $0x2000  }
0x23: {  	[sflag:s19] =	ssyncset.done $0x0  }
0x24: {  	s3 =	simm.s32 $0xD;
	[sflag:s19] =	ssyncadd.s32 $0xFFFFE000  }
0x25: {  	_ =	swait.ge [sflag:s3], $0x2000  }
0x26: {  	[sflag:s3] =	ssyncset.done $0x0  }
0x27: {  	s5 =	simm.s32 $0xE;
	[sflag:s3] =	ssyncadd.s32 $0xFFFFE000  }
0x28: {  	_ =	swait.ge [sflag:s5], $0x2000  }
0x29: {  	[sflag:s5] =	ssyncset.done $0x0  }
0x2a: {  	s7 =	simm.s32 $0xF;
	[sflag:s5] =	ssyncadd.s32 $0xFFFFE000  }
0x2b: {  	_ =	swait.ge [sflag:s7], $0x2000  }
0x2c: {  	[sflag:s7] =	ssyncset.done $0x0  }
0x2d: {  	[sflag:s7] =	ssyncadd.s32 $0xFFFFE000  }
0x2e: {  	_ =	swait.ge [sflag:s9], $0x2000  }
0x2f: {  	[sflag:s9] =	ssyncset.done $0x0  }
0x30: {  	[sflag:s9] =	ssyncadd.s32 $0xFFFFE000  }
0x31: {  	[bflag:$0x0] =	sbarrier.arrive $0xFFFF  }
0x32: {  	s8 =	rddreg [dreg:$0x7]  }
0x33: {  	[hbm:s8], [sflag:s6] =	dma.local [spmem:s11], $0x13C0  }
0x34: {  	_ =	swait.ge [sflag:s12], $0x13C0  }
0x35: {  	s10 =	sadd.s32 $0x1, s10;
	s13 =	rddreg [dreg:$0x8]  }
0x36: {  	p0 =	sne.s32 s10, s13  }
.Ltmp1:
0x37: {  	_ = 	snop;
	(pc) =	sbr.rel @!p0 .LBB2_5-.Ltmp1, $3  }
0x38: {  	_ =	sdelay $0x1  }
0x39: {  	[sflag:s12] =	ssyncset.done $0x0  }
0x3a: {  	[sflag:s12] =	ssyncadd.s32 $0xFFFFEC40  }
.LBB2_1:
0x3b: {  	s0 =	rddreg [dreg:$0x4]  }
0x3c: {  	[spmem:s11], [sflag:s6] =	dma.local [hbm:s0], $0x13C0  }
0x3d: {  	_ =	swait.ge [sflag:s12], $0x13C0  }
0x3e: {  	[sflag:s12] =	ssyncset.done $0x0  }
0x3f: {  	[sflag:s12] =	ssyncadd.s32 $0xFFFFEC40  }
0x40: {  	[bflag:$0x0] =	sbarrier.arrive $0xFFFF  }
0x41: {  	s13 =	simm.s32 $0x0;
	s3 =	rddreg [dreg:$0x5]  }
0x42: {  	[tilespmem:s13], [sflag:$0x11] =	stream.linear.gather [hbm4b:s3+s13], $0x2800, $0x38;
	[tilespmem:$0x1EE00] =	vst v63  }
0x43: {  	_ =	swait.ge [sflag:s12], $0x2800  }
0x44: {  	[sflag:s12] =	ssyncset.done $0x0  }
0x45: {  	s5 =	simm.s32 $0x2800;
	s7 =	rddreg [dreg:$0x6];
	[sflag:s12] =	ssyncadd.s32 $0xFFFFD800  }
0x46: {  	[tilespmem:s5], [sflag:$0x11] =	stream.linear.gather [hbm4b:s7+s13], $0x2800, $0x38;
	[tilespmem:$0x1EE00] =	vst v63  }
0x47: {  	_ =	swait.ge [sflag:s12], $0x2800  }
0x48: {  	[sflag:s12] =	ssyncset.done $0x0  }
0x49: {  	[sflag:s12] =	ssyncadd.s32 $0xFFFFD800  }
0x4a: {  	[tilespmem:s15], [sflag:$0x1] =	stream.indirect.gather [hbm4b:s4+s14], $0x40, s13, s14, $0xb8;
	[tilespmem:$0x1EE00] =	vst v63  }
0x4b: {  	_ = 	snop  }
0x4c: {  	[tilespmem:s16], [sflag:$0x2] =	stream.indirect.gather [hbm4b:s4+s14], $0x40, s14, s14, $0xb8;
	[tilespmem:$0x1EE00] =	vst v63  }
0x4d: {  	s8 =	simm.s32 $0x100  }
0x4e: {  	[tilespmem:s18], [sflag:$0x3] =	stream.indirect.gather [hbm4b:s4+s14], $0x40, s8, s14, $0xb8;
	[tilespmem:$0x1EE00] =	vst v63  }
0x4f: {  	s3 =	simm.s32 $0x0;
	s13 =	simm.s32 $0x180  }
0x50: {  	[tilespmem:s20], [sflag:$0x4] =	stream.indirect.gather [hbm4b:s4+s14], $0x40, s13, s14, $0xb8;
	[tilespmem:$0x1EE00] =	vst v63  }
.LBB2_2:
0x51: {  	_ =	swait.ge [sflag:s21], $0x2000  }
0x52: {  	s0 =	sshra.s32 s3, $0x2;
	[sflag:s21] =	ssyncset.done $0x0  }
0x53: {  	p0 =	seq.s32 s3, $0x0;
	s13 =	sadd.s32 $0x2800, s0;
	[sflag:s21] =	ssyncadd.s32 $0xFFFFE000  }
0x54: {  	[spmem:s2] =	stream.indirect.scatter.add.f32 [tilespmem:s15], [sflag:$0x9], $0x40, s13, s14, $0xb8;
	[tilespmem:$0x1EE00] =	vst v63  }
0x55: {  	s13 =	simm.s32 @!p0 $0xD  }
0x56: {  	_ =	swait.ge @!p0 [sflag:s13], $0x2000  }
0x57: {  	[sflag:s13] =	ssyncset.done @!p0 $0x0  }
0x58: {  	s7 =	sadd.s32 $0x200, s0;
	[sflag:s13] =	ssyncadd.s32 @!p0 $0xFFFFE000  }
0x59: {  	[tilespmem:s22], [sflag:$0x5] =	stream.indirect.gather [hbm4b:s4+s14], $0x40, s7, s14, $0xb8;
	[tilespmem:$0x1EE00] =	vst v63  }
0x5a: {  	_ =	swait.ge [sflag:s23], $0x2000  }
0x5b: {  	[sflag:s23] =	ssyncset.done $0x0  }
0x5c: {  	s8 =	sadd.s32 $0x2880, s0;
	s13 =	simm.s32 @!p0 $0xE;
	[sflag:s23] =	ssyncadd.s32 $0xFFFFE000  }
0x5d: {  	[spmem:s2] =	stream.indirect.scatter.add.f32 [tilespmem:s16], [sflag:$0xA], $0x40, s8, s14, $0xb8;
	[tilespmem:$0x1EE00] =	vst v63  }
0x5e: {  	_ =	swait.ge @!p0 [sflag:s13], $0x2000  }
0x5f: {  	[sflag:s13] =	ssyncset.done @!p0 $0x0  }
0x60: {  	s5 =	sadd.s32 $0x280, s0;
	[sflag:s13] =	ssyncadd.s32 @!p0 $0xFFFFE000  }
0x61: {  	[tilespmem:s24], [sflag:$0x6] =	stream.indirect.gather [hbm4b:s4+s14], $0x40, s5, s14, $0xb8;
	[tilespmem:$0x1EE00] =	vst v63  }
0x62: {  	_ =	swait.ge [sflag:s25], $0x2000  }
0x63: {  	[sflag:s25] =	ssyncset.done $0x0  }
0x64: {  	s7 =	sadd.s32 $0x2900, s0;
	s13 =	simm.s32 @!p0 $0xF;
	[sflag:s25] =	ssyncadd.s32 $0xFFFFE000  }
0x65: {  	[spmem:s2] =	stream.indirect.scatter.add.f32 [tilespmem:s18], [sflag:$0xB], $0x40, s7, s14, $0xb8;
	[tilespmem:$0x1EE00] =	vst v63  }
0x66: {  	_ =	swait.ge @!p0 [sflag:s13], $0x2000  }
0x67: {  	[sflag:s13] =	ssyncset.done @!p0 $0x0  }
0x68: {  	s8 =	sadd.s32 $0x300, s0;
	[sflag:s13] =	ssyncadd.s32 @!p0 $0xFFFFE000  }
0x69: {  	[tilespmem:s26], [sflag:$0x7] =	stream.indirect.gather [hbm4b:s4+s14], $0x40, s8, s14, $0xb8;
	[tilespmem:$0x1EE00] =	vst v63  }
0x6a: {  	_ =	swait.ge [sflag:s28], $0x2000  }
0x6b: {  	[sflag:s28] =	ssyncset.done $0x0  }
0x6c: {  	s5 =	sadd.s32 $0x2980, s0;
	s13 =	simm.s32 @!p0 $0x10;
	[sflag:s28] =	ssyncadd.s32 $0xFFFFE000  }
0x6d: {  	[spmem:s2] =	stream.indirect.scatter.add.f32 [tilespmem:s20], [sflag:$0xC], $0x40, s5, s14, $0xb8;
	[tilespmem:$0x1EE00] =	vst v63  }
0x6e: {  	_ =	swait.ge @!p0 [sflag:s13], $0x2000  }
0x6f: {  	[sflag:s13] =	ssyncset.done @!p0 $0x0  }
0x70: {  	s7 =	sadd.s32 $0x380, s0;
	[sflag:s13] =	ssyncadd.s32 @!p0 $0xFFFFE000  }
0x71: {  	[tilespmem:s29], [sflag:$0x8] =	stream.indirect.gather [hbm4b:s4+s14], $0x40, s7, s14, $0xb8;
	[tilespmem:$0x1EE00] =	vst v63  }
0x72: {  	_ =	swait.ge [sflag:s30], $0x2000  }
0x73: {  	p0 =	seq.s32 s3, $0x9000;
	[sflag:s30] =	ssyncset.done $0x0  }
0x74: {  	s8 =	sadd.s32 $0x2A00, s0;
	s13 =	simm.s32 @p0 $0x6;
	[sflag:s30] =	ssyncadd.s32 $0xFFFFE000  }
0x75: {  	[spmem:s2] =	stream.indirect.scatter.add.f32 [tilespmem:s22], [sflag:$0xD], $0x40, s8, s14, $0xb8;
	[tilespmem:$0x1EE00] =	vst v63  }
0x76: {  	_ =	swait.ge @p0 [sflag:s13], $0x2000  }
0x77: {  	[sflag:s13] =	ssyncset.done @p0 $0x0  }
0x78: {  	[sflag:s13] =	ssyncadd.s32 @p0 $0xFFFFE000;
	s13 =	sshra.s32 @p0 s3, $0x2  }
0x79: {  	s5 =	simm.s32 @p0 $0x80;
	s7 =	simm.s32 @p0 $0xF000;
	s13 =	sadd.s32 @p0 $0x2A80, s13  }
0x7a: {  	[spmem:s2] =	stream.indirect.scatter.add.f32 @p0 [tilespmem:s7], [sflag:$0xE], $0x40, s13, s5, $0xb8;
	[tilespmem:$0x1EE00] =	vst v63  }
0x7b: {  	s5 =	simm.s32 @!p0 $0x9  }
0x7c: {  	_ =	swait.ge @!p0 [sflag:s5], $0x2000  }
0x7d: {  	[sflag:s5] =	ssyncset.done @!p0 $0x0  }
0x7e: {  	[sflag:s5] =	ssyncadd.s32 @!p0 $0xFFFFE000;
	s5 =	sshra.s32 @!p0 s3, $0x2  }
0x7f: {  	s8 =	simm.s32 @!p0 $0x5000;
	s13 =	simm.s32 @!p0 $0x80;
	s7 =	sadd.s32 @!p0 $0x400, s5  }
0x80: {  	[tilespmem:s8], [sflag:$0x1] =	stream.indirect.gather @!p0 [hbm4b:s4+s13], $0x40, s7, s13, $0xb8;
	[tilespmem:$0x1EE00] =	vst v63  }
0x81: {  	s7 =	simm.s32 @!p0 $0x6  }
0x82: {  	_ =	swait.ge @!p0 [sflag:s7], $0x2000  }
0x83: {  	[sflag:s7] =	ssyncset.done @!p0 $0x0  }
0x84: {  	s8 =	simm.s32 @!p0 $0xF000;
	[sflag:s7] =	ssyncadd.s32 @!p0 $0xFFFFE000;
	s7 =	sadd.s32 @!p0 $0x2A80, s5  }
0x85: {  	[spmem:s2] =	stream.indirect.scatter.add.f32 @!p0 [tilespmem:s8], [sflag:$0xE], $0x40, s7, s13, $0xb8;
	[tilespmem:$0x1EE00] =	vst v63  }
0x86: {  	s7 =	simm.s32 @!p0 $0xA  }
0x87: {  	_ =	swait.ge @!p0 [sflag:s7], $0x2000  }
0x88: {  	[sflag:s7] =	ssyncset.done @!p0 $0x0  }
0x89: {  	s5 =	sadd.s32 @!p0 $0x480, s5;
	[sflag:s7] =	ssyncadd.s32 @!p0 $0xFFFFE000;
	s7 =	simm.s32 @!p0 $0x7000  }
0x8a: {  	[tilespmem:s7], [sflag:$0x2] =	stream.indirect.gather @!p0 [hbm4b:s4+s13], $0x40, s5, s13, $0xb8;
	[tilespmem:$0x1EE00] =	vst v63  }
.Ltmp2:
0x8b: {  	_ =	swait.ge [sflag:s31], $0x2000;
	(pc) =	sbr.rel @p0 .LBB2_4-.Ltmp2, $4  }
0x8c: {  	[sflag:s31] =	ssyncset.done $0x0  }
0x8d: {  	s13 =	sadd.s32 $0x2B00, s0;
	[sflag:s31] =	ssyncadd.s32 $0xFFFFE000  }
0x8e: {  	[spmem:s2] =	stream.indirect.scatter.add.f32 [tilespmem:s26], [sflag:$0xF], $0x40, s13, s14, $0xb8;
	[tilespmem:$0x1EE00] =	vst v63  }
0x8f: {  	s13 =	sadd.s32 $0x2B80, s0  }
0x90: {  	_ =	swait.ge [sflag:s17], $0x2000  }
0x91: {  	[sflag:s17] =	ssyncset.done $0x0  }
0x92: {  	s5 =	sadd.s32 $0x500, s0;
	[sflag:s17] =	ssyncadd.s32 $0xFFFFE000  }
0x93: {  	[tilespmem:s18], [sflag:$0x3] =	stream.indirect.gather [hbm4b:s4+s14], $0x40, s5, s14, $0xb8;
	[tilespmem:$0x1EE00] =	vst v63  }
0x94: {  	_ =	swait.ge [sflag:s1], $0x2000  }
0x95: {  	[sflag:s1] =	ssyncset.done $0x0  }
0x96: {  	[sflag:s1] =	ssyncadd.s32 $0xFFFFE000  }
0x97: {  	[spmem:s2] =	stream.indirect.scatter.add.f32 [tilespmem:s29], [sflag:$0x10], $0x40, s13, s14, $0xb8;
	[tilespmem:$0x1EE00] =	vst v63  }
.Ltmp3:
0x98: {  	_ = 	snop;
	(pc) =	sbr.rel .LBB2_2-.Ltmp3, $4  }
0x99: {  	_ =	swait.ge [sflag:s19], $0x2000  }
0x9a: {  	[sflag:s19] =	ssyncset.done $0x0  }
0x9b: {  	s3 =	sadd.s32 $0x1000, s3;
	s13 =	sadd.s32 $0x580, s0;
	[sflag:s19] =	ssyncadd.s32 $0xFFFFE000  }
0x9c: {  	[tilespmem:s20], [sflag:$0x4] =	stream.indirect.gather [hbm4b:s4+s14], $0x40, s13, s14, $0xb8;
	[tilespmem:$0x1EE00] =	vst v63  }
.LBB2_5:
0x9d: {  	_ =	sfence.sel $0x180000  }
0x9e: {  	[bflag:$0x0] =	sbarrier.arrive $0xFFFF  }
0x9f: {  	_ =	strace $0x9000004D  }
0xa0: {  	s0 =	stileid.u32;
	[bflag:$0x2] =	sbarrier.arrive $0xFFFF  }
0xa1: {  	p0 =	sne.s32 s0, $0x0;
	s0 =	rddreg [dreg:$0x3]  }
0xa2: {  	s0 =	sadd.s32 @!p0 $0x100000, s0  }
0xa3: {  	[sflag:s0] =	ssyncadd.tile.s32 @!p0 $0x1;
	_ =	shalt  }
.Lfunc_end2:
_tile_overlayer_lowered:
.L_overlay_start_2:
0xa4: {  	(tag) =	ssettag $0x2  }
0xa5: {  	s0 =	rddreg [dreg:$0x0];
	s2 =	stileid.u32  }
0xa6: {  	s1 =	rddreg [dreg:$0x1];
	p0 =	sne.s32 s2, $0x0  }
0xa7: {  	s3 =	rddreg [dreg:$0x2];
	[bflag:$0x3] =	sbarrier.arrive $0xFFFF;
	s2 =	simm.s32 @!p0 $0x1C11  }
0xa8: {  	[timem:s3], [sflag:s2] =	dma.local @!p0 [hbm:s0], s1  }
0xa9: {  	s0 =	simm.s32 @!p0 $0x11  }
0xaa: {  	_ =	swait.ge @!p0 [sflag:s0], s1  }
0xab: {  	s1 =	ssub.s32 @!p0 $0x0, s1;
	[sflag:s0] =	ssyncset.done @!p0 $0x0  }
0xac: {  	[sflag:s0] =	ssyncadd.s32 @!p0 s1  }
0xad: {  	[bflag:$0x3] =	sbarrier.arrive $0xFFFF  }
0xae: {  	_ =	shalt  }

// kernel: kernel.8.cloned.1.call-start
scs
__scs_entry_jumppad:
0x0: {  	(pc) =	sbr.rel $0x88, $3  }
0x1: {  	(tag) =	ssettag $0x0;
	lr =	simm.s32 $0x1  }
0x2: {  	[smem:$0x3F96] =	sst lr;
	_ =	strace $0xD0000000  }
0x3: {  	_ = 	snop  }
0x4: {  	_ = 	snop  }
0x5: {  	_ = 	snop  }
0x6: {  	_ = 	snop  }
0x7: {  	_ = 	snop  }
__scs_overlays_trampoline_lowered:
0x8: {  	[smem:$0x3FA5] =	sst s0  }
0x9: {  	[smem:$0x3FA6] =	sst s1  }
0xa: {  	[smem:$0x3FA7] =	sst s2  }
0xb: {  	[smem:$0x3FA8] =	sst s3  }
0xc: {  	[smem:$0x3FA9] =	sst s4  }
0xd: {  	[smem:$0x3FAA] =	sst s5  }
0xe: {  	[smem:$0x3FAB] =	sst s6  }
0xf: {  	[smem:$0x3FAC] =	sst s7  }
0x10: {  	[smem:$0x3FAD] =	sst s8  }
0x11: {  	[smem:$0x3FAE] =	sst s9;
	s0 =	simm.s32 @!p0 $0x0  }
0x12: {  	s1 =	sld [smem:$0x3F94];
	s0 =	simm.s32 @p0 $0x1  }
0x13: {  	[smem:$0x3FAF] =	sst s0;
	s0 =	simm.s32 @!p1 $0x0  }
0x14: {  	s2 =	sld [smem:$0x3F93];
	s0 =	simm.s32 @p1 $0x1  }
0x15: {  	[smem:$0x3FB0] =	sst s0;
	s0 =	simm.s32 @!p2 $0x0  }
0x16: {  	s3 =	sld [smem:$0x3FDB];
	s0 =	simm.s32 @p2 $0x1  }
0x17: {  	s4 =	simm.s32 $0x1BF5;
	[smem:$0x3FB2] =	sst s0  }
0x18: {  	s0 =	sld [smem:$0x3F95];
	_ =	swait.ge [sflag:s4], $0x0  }
0x19: {  	s7 =	sld [smem:$0x3F96]  }
0x1a: {  	s8 =	sadd.s32 $0xFFFFE003, lr  }
0x1b: {  	s9 =	sadd.s32 $0xFFFFFEF7, lr;
	s5 =	simm.s32 $0xFFFFFFFF;
	p2 =	slt.u32 s8, $0xFFFFF086  }
0x1c: {  	p1 =	slt.u32 s9, $0xF7A;
	s5 =	simm.s32 @!p2 $0x0  }
0x1d: {  	s5 =	simm.s32 @p1 $0x1;
	p0 =	seq.s32 s7, s2  }
0x1e: {  	s7 =	smul.u32 @!p0 $0xF7A, s2;
	p2 =	seq.s32 @!p0 s5, $0x0  }
0x1f: {  	s9 =	smul.u32 $0xF7A, s1;
	s8 =	simm.s32 @!p0 $0x1BF5;
	p2 =	por !p2, p0  }
0x20: {  	[sflag:s8] =	ssyncset.s32 @!p0 $0xFFFFF086;
	s6 =	sadd.s32 @!p0 s3, s7;
	s7 =	simm.s32 @!p0 $0x108  }
0x21: {  	s3 =	sadd.s32 s3, s9;
	s6 =	sadd.s32 @!p0 $0x88, s6;
	s7 =	simm.s32 @p2 $0x1082  }
0x22: {  	[simem:s7], [sflag:s8] =	dma.local @!p0 [hbm:s6], $0xF7A  }
0x23: {  	s9 =	sor.u32 $0xD0000000, s2;
	s6 =	simm.s32 $0x108;
	_ =	swait.ge @!p0 [sflag:s8], $0x0  }
0x24: {  	s3 =	sadd.s32 $0x88, s3;
	s6 =	simm.s32 @!p1 $0x1082;
	[sflag:s4] =	ssyncset.s32 $0xFFFFF086  }
0x25: {  	[simem:s6], [sflag:s4] =	dma.local [hbm:s3], $0xF7A  }
0x26: {  	[smem:$0x3F96] =	sst s1;
	(tag) =	ssettag s2;
	_ =	strace s9  }
0x27: {  	s1 =	sld [smem:$0x3FA6]  }
0x28: {  	s2 =	sld [smem:$0x3FA7]  }
0x29: {  	s4 =	sld [smem:$0x3FA9]  }
0x2a: {  	p0 =	seq.s32 s5, $0x0;
	s5 =	sld [smem:$0x3FAA]  }
0x2b: {  	s6 =	sld [smem:$0x3FAB]  }
0x2c: {  	s7 =	sld [smem:$0x3FAC]  }
0x2d: {  	s3 =	simm.s32 $0x108;
	s8 =	sld [smem:$0x3FAD]  }
0x2e: {  	s3 =	simm.s32 @!p0 $0x1082;
	s9 =	sld [smem:$0x3FAE]  }
0x2f: {  	lr =	sadd.s32 s0, s3;
	s0 =	sld [smem:$0x3FA5]  }
0x30: {  	s3 =	sld [smem:$0x3FA8]  }
0x31: {  	[smem:$0x3FB1] =	sst s10  }
0x32: {  	s10 =	sld [smem:$0x3FAF];
	_ =	sdelay $0x3  }
0x33: {  	p0 =	seq.s32 s10, $0x1;
	s10 =	sld [smem:$0x3FB1];
	_ =	sdelay $0x3  }
0x34: {  	[smem:$0x3FB1] =	sst s10  }
0x35: {  	s10 =	sld [smem:$0x3FB0];
	_ =	sdelay $0x3  }
0x36: {  	p1 =	seq.s32 s10, $0x1;
	s10 =	sld [smem:$0x3FB1];
	_ =	sdelay $0x3  }
0x37: {  	[smem:$0x3FB1] =	sst s10  }
0x38: {  	s10 =	sld [smem:$0x3FB2]  }
0x39: {  	_ = 	snop;
	(pc) =	sbr.ind lr, $3  }
0x3a: {  	_ = 	snop  }
0x3b: {  	_ = 	snop  }
0x3c: {  	p2 =	seq.s32 s10, $0x1;
	s10 =	sld [smem:$0x3FB1]  }
0x3d: {  	_ =	shalt  }
0x3e: {  	_ =	shalt  }
0x3f: {  	_ =	shalt  }
0x40: {  	_ =	shalt  }
0x41: {  	_ =	shalt  }
0x42: {  	_ =	shalt  }
0x43: {  	_ =	shalt  }
0x44: {  	_ =	shalt  }
0x45: {  	_ =	shalt  }
0x46: {  	_ =	shalt  }
0x47: {  	_ =	shalt  }
0x48: {  	_ =	shalt  }
0x49: {  	_ =	shalt  }
0x4a: {  	_ =	shalt  }
0x4b: {  	_ =	shalt  }
0x4c: {  	_ =	shalt  }
0x4d: {  	_ =	shalt  }
0x4e: {  	_ =	shalt  }
0x4f: {  	_ =	shalt  }
0x50: {  	_ =	shalt  }
0x51: {  	_ =	shalt  }
0x52: {  	_ =	shalt  }
0x53: {  	_ =	shalt  }
0x54: {  	_ =	shalt  }
0x55: {  	_ =	shalt  }
0x56: {  	_ =	shalt  }
0x57: {  	_ =	shalt  }
0x58: {  	_ =	shalt  }
0x59: {  	_ =	shalt  }
0x5a: {  	_ =	shalt  }
0x5b: {  	_ =	shalt  }
0x5c: {  	_ =	shalt  }
0x5d: {  	_ =	shalt  }
0x5e: {  	_ =	shalt  }
0x5f: {  	_ =	shalt  }
0x60: {  	_ =	shalt  }
0x61: {  	_ =	shalt  }
0x62: {  	_ =	shalt  }
0x63: {  	_ =	shalt  }
0x64: {  	_ =	shalt  }
0x65: {  	_ =	shalt  }
0x66: {  	_ =	shalt  }
0x67: {  	_ =	shalt  }
0x68: {  	_ =	shalt  }
0x69: {  	_ =	shalt  }
0x6a: {  	_ =	shalt  }
0x6b: {  	_ =	shalt  }
0x6c: {  	_ =	shalt  }
0x6d: {  	_ =	shalt  }
0x6e: {  	_ =	shalt  }
0x6f: {  	_ =	shalt  }
0x70: {  	_ =	shalt  }
0x71: {  	_ =	shalt  }
0x72: {  	_ =	shalt  }
0x73: {  	_ =	shalt  }
0x74: {  	_ =	shalt  }
0x75: {  	_ =	shalt  }
0x76: {  	_ =	shalt  }
0x77: {  	_ =	shalt  }
0x78: {  	_ =	shalt  }
0x79: {  	_ =	shalt  }
0x7a: {  	_ =	shalt  }
0x7b: {  	_ =	shalt  }
0x7c: {  	_ =	shalt  }
0x7d: {  	_ =	shalt  }
0x7e: {  	_ =	shalt  }
0x7f: {  	_ =	shalt  }
0x80: {  	_ =	shalt  }
0x81: {  	_ =	shalt  }
0x82: {  	_ =	shalt  }
0x83: {  	_ =	shalt  }
0x84: {  	_ =	shalt  }
0x85: {  	_ =	shalt  }
0x86: {  	_ =	shalt  }
0x87: {  	_ =	shalt  }
.Lfunc_end0:
.L_simem_size_0:
called_computation_lowered:
.L_overlay_start_0:
0x88: {  	s2 =	sld [smem:$0x3FD9]  }
0x89: {  	s3 =	sld [smem:$0x3FFE];
	_ =	sdelay $0x1  }
0x8a: {  	s1 =	srdreg.scid  }
0x8b: {  	s0 =	sand.u32 $0x1, s1  }
0x8c: {  	s16 =	sshll.u32 s0, $0xA;
	s2 =	sadd.s32 s3, s2  }
0x8d: {  	s2 =	sadd.s32 s2, s16  }
0x8e: {  	[smem:$0x3FBD] =	sst s2  }
0x8f: {  	_ = 	snop  }
0x90: {  	(tm) =	ssettm $0x1  }
0x91: {  	s17 =	sld [smem:$0x3FFB];
	_ =	sdelay $0x3  }
0x92: {  	_ =	strace s17  }
0x93: {  	s2 =	sld [smem:$0x3FFC];
	_ =	sdelay $0x3  }
0x94: {  	_ =	strace s2  }
0x95: {  	s2 =	sld [smem:$0x3FFD];
	_ =	sdelay $0x3  }
0x96: {  	_ =	strace s2  }
0x97: {  	_ =	strace $0x8FFFFFFF  }
0x98: {  	s18 =	sld [smem:$0x3FDB];
	_ =	sdelay $0x1  }
0x99: {  	s19 =	simm.s32 $_scs_section_size  }
0x9a: {  	s4 =	simm.s32 $_size__tile_overlayer_lowered;
	s5 =	simm.s32 $_tile_overlayer_lowered  }
0x9b: {  	s22 =	simm.s32 $0x1BFF;
	s21 =	sshll.u32 s5, $0x1;
	s2 =	sadd.s32 s19, s18  }
0x9c: {  	s6 =	simm.s32 $0x0;
	s20 =	sshll.u32 s4, $0x1;
	s4 =	sadd.s32 s21, s2  }
0x9d: {  	[timem:s6], [sflag:s22] =	dma.local [hbm:s4], s20  }
0x9e: {  	_ =	swait.ge [sflag:s22], s20  }
0x9f: {  	s3 =	ssub.s32 $0x0, s20;
	[sflag:s22] =	ssyncset.done $0x0  }
0xa0: {  	[sflag:s22] =	ssyncadd.s32 s3;
	_ =	sdelay $0x1  }
0xa1: {  	s23 =	simm.s32 $0x1B8B  }
0xa2: {  	_ =	swait.ge [sflag:s23], $0x1  }
0xa3: {  	[sflag:s23] =	ssyncset.done $0x0  }
0xa4: {  	s25 =	simm.s32 $0x1B8E;
	s24 =	sld [smem:$0x3FFE];
	[sflag:s23] =	ssyncadd.s32 $0xFFFFFFFF  }
0xa5: {  	s26 =	simm.s32 $execute0_lowered;
	[smem:$0x3FD2] =	sst s25  }
0xa6: {  	s4 =	sshll.u32 s26, $0x1;
	_ =	strace $0x80000046;
	[dreg:$0x1] =	wrdreg $0xFFFFFFFF  }
0xa7: {  	s28 =	simm.s32 $_size_execute0_lowered;
	s2 =	sadd.s32 s2, s4;
	[dreg:$0x0] =	wrdreg $0x0  }
0xa8: {  	s4 =	sshll.u32 s28, $0x1;
	[dreg:$0x2] =	wrdreg s2  }
0xa9: {  	[dreg:$0x3] =	wrdreg s4  }
0xaa: {  	[dreg:$0x4] =	wrdreg $0xC0  }
0xab: {  	_ =	task [dreg:s6], $0x5FFFF  }
0xac: {  	[dreg:$0x1] =	wrdreg $0xFFFFFFFF  }
0xad: {  	[dreg:$0x0] =	wrdreg $0x60  }
0xae: {  	[dreg:$0x2] =	wrdreg s24  }
0xaf: {  	[dreg:$0x3] =	wrdreg $0x30000  }
0xb0: {  	[dreg:$0x4] =	wrdreg $0x9  }
0xb1: {  	_ =	task.clear_ibuf [dreg:s6], $0x5FFFF;
	_ =	strace $0x90000046  }
0xb2: {  	s29 =	simm.s32 $0x9;
	_ =	strace $0x80000048  }
0xb3: {  	_ =	swait.ge [sflag:s29], $0x1  }
0xb4: {  	[sflag:s29] =	ssyncadd.s32 $0xFFFFFFFF  }
0xb5: {  	_ =	strace $0x90000048  }
0xb6: {  	_ =	sfence  }
0xb7: {  	s30 =	sld [smem:$0x0];
	_ =	sdelay $0x2  }
0xb8: {  	s31 =	sshll.u32 s1, $0xD;
	s1 =	sshrl.u32 s1, $0x2  }
0xb9: {  	s3 =	sand.u32 $0x4000, s31;
	s1 =	sadd.s32 s1, s30  }
0xba: {  	s0 =	sor.u32 s3, s0;
	s1 =	sshll.u32 s1, $0x11  }
0xbb: {  	s0 =	sor.u32 s1, s0  }
0xbc: {  	s0 =	sadd.s32 $0x8F2B, s0  }
0xbd: {  	[sflag:s0] =	ssyncadd.remote.s32 $0x1  }
0xbe: {  	_ =	sfence.sel $0xFFFF  }
0xbf: {  	[dreg:$0x0] =	wrdreg $0xFFFFFFFF;
	(pc) =	sbr.abs _section_cstart, $3  }
0xc0: {  	[dreg:$0x1] =	wrdreg $0xFFFFFFFF  }
0xc1: {  	_ =	task.clear_ibuf [dreg:s6], $0x2FFFF;
	_ =	strace $0x9FFFFFFF  }
0xc2: {  	(tm) =	ssettm $0x7FFFFFFF  }
0xc3: {  	_ =	shalt  }
tec
execute0_lowered:
.L_overlay_start_1:
0x0: {  	(tag) =	ssettag $0x1  }
0x1: {  	s0 =	srdreg.scid;
	s7 =	rddreg [dreg:$0x0]  }
0x2: {  	s2 =	rddreg [dreg:$0x1];
	s3 =	simm.s32 $0x0;
	s14 =	simm.s32 $0x1  }
0x3: {  	s15 =	simm.s32 $0x0;
	s6 =	sand.u32 $0x1, s0;
	s0 =	stileid.u32  }
0x4: {  	[smem:$0x7FF] =	sst s3;
	s1 =	sshll.u32 s6, $0x4;
	s8 =	smul.u32 $0x2780, s0  }
0x5: {  	s5 =	smul.u32 $0x27800, s6;
	s6 =	ssub.s32 $0x2, s6;
	s1 =	sor.u32 s0, s1  }
0x6: {  	s11 =	sshll.u32 s0, $0x6;
	s31 =	sshrl.u32 s6, $0x1;
	s4 =	smul.u32 $0x500, s1  }
0x7: {  	s1 =	rddreg [dreg:$0x2];
	_ =	strace $0x80000047;
	s10 =	sadd.s32 s8, s5  }
0x8: {  	s5 =	sadd.s32 $0x16200, s7;
	s12 =	ssub.s32 s6, s31;
	s13 =	sadd.s32 s8, s2  }
0x9: {  	s6 =	sor.u32 $0x1C02, s11;
	s11 =	simm.s32 $0x2;
	s10 =	sshrl.u32 s10, $0x3  }
0xa: {  	s9 =	sadd.s32 s4, s7;
	s4 =	sadd.s32 $0x16800, s7;
	s10 =	sadd.s32 s10, s7  }
0xb: {  	s7 =	sadd.s32 $0x2200, s9;
	s8 =	sadd.s32 $0x16A00, s10;
	s9 =	smax.u32 s12, $0x1  }
0xc: {  	s10 =	sshrl.u32 s13, $0x3;
	s12 =	simm.s32 $0x2800;
	s13 =	simm.s32 $0x80  }
.LBB2_1:
0xd: {  	[spmem:s10], [sflag:s6] =	dma.local [hbm:s5], $0x4F0  }
0xe: {  	_ =	swait.ge [sflag:s11], $0x4F0  }
0xf: {  	[sflag:s11] =	ssyncset.done $0x0  }
0x10: {  	[sflag:s11] =	ssyncadd.s32 $0xFFFFFB10  }
0x11: {  	[tilespmem:s12], [sflag:$0x2] =	stream.linear.gather [hbm4b:s4+s3], $0x800, $0x38;
	[tilespmem:$0x5780] =	vst v63  }
0x12: {  	_ =	swait.ge [sflag:s11], $0x800  }
0x13: {  	[sflag:s11] =	ssyncset.done $0x0  }
0x14: {  	[sflag:s11] =	ssyncadd.s32 $0xFFFFF800  }
0x15: {  	[tilespmem:s3], [sflag:$0x2] =	stream.linear.gather [hbm4b:s7+s3], $0x2800, $0x38;
	[tilespmem:$0x5780] =	vst v63  }
0x16: {  	_ =	swait.ge [sflag:s11], $0x2800  }
0x17: {  	[sflag:s11] =	ssyncset.done $0x0  }
0x18: {  	[sflag:s11] =	ssyncadd.s32 $0xFFFFD800  }
0x19: {  	s16 =	simm.s32 $0x0;
	[bflag:$0x0] =	sbarrier.arrive $0xFFFF  }
0x1a: {  	[spmem:s2] =	stream.indirect.scatter.add.f32 [tilespmem:s12], [sflag:$0x1], $0x10, s16, s13, $0xb8;
	[tilespmem:$0x5780] =	vst v63  }
0x1b: {  	s24 =	simm.s32 $0x80  }
0x1c: {  	[spmem:s2] =	stream.indirect.scatter.add.f32 [tilespmem:s12], [sflag:$0x1], $0x10, s24, s13, $0xb8;
	[tilespmem:$0x5780] =	vst v63  }
0x1d: {  	s25 =	simm.s32 $0x100  }
0x1e: {  	[spmem:s2] =	stream.indirect.scatter.add.f32 [tilespmem:s12], [sflag:$0x1], $0x10, s25, s13, $0xb8;
	[tilespmem:$0x5780] =	vst v63  }
0x1f: {  	s26 =	simm.s32 $0x180  }
0x20: {  	[spmem:s2] =	stream.indirect.scatter.add.f32 [tilespmem:s12], [sflag:$0x1], $0x10, s26, s13, $0xb8;
	[tilespmem:$0x5780] =	vst v63  }
0x21: {  	s28 =	simm.s32 $0x200  }
0x22: {  	[spmem:s2] =	stream.indirect.scatter.add.f32 [tilespmem:s12], [sflag:$0x1], $0x10, s28, s13, $0xb8;
	[tilespmem:$0x5780] =	vst v63  }
0x23: {  	s29 =	simm.s32 $0x280  }
0x24: {  	[spmem:s2] =	stream.indirect.scatter.add.f32 [tilespmem:s12], [sflag:$0x1], $0x10, s29, s13, $0xb8;
	[tilespmem:$0x5780] =	vst v63  }
0x25: {  	s30 =	simm.s32 $0x300  }
0x26: {  	[spmem:s2] =	stream.indirect.scatter.add.f32 [tilespmem:s12], [sflag:$0x1], $0x10, s30, s13, $0xb8;
	[tilespmem:$0x5780] =	vst v63  }
0x27: {  	s31 =	simm.s32 $0x380  }
0x28: {  	[spmem:s2] =	stream.indirect.scatter.add.f32 [tilespmem:s12], [sflag:$0x1], $0x10, s31, s13, $0xb8;
	[tilespmem:$0x5780] =	vst v63  }
0x29: {  	_ =	swait.ge [sflag:s14], $0x800  }
0x2a: {  	[sflag:s14] =	ssyncset.done $0x0  }
0x2b: {  	[sflag:s14] =	ssyncadd.s32 $0xFFFFF800  }
0x2c: {  	_ =	swait.ge [sflag:s14], $0x800  }
0x2d: {  	[sflag:s14] =	ssyncset.done $0x0  }
0x2e: {  	[sflag:s14] =	ssyncadd.s32 $0xFFFFF800  }
0x2f: {  	_ =	swait.ge [sflag:s14], $0x800  }
0x30: {  	[sflag:s14] =	ssyncset.done $0x0  }
0x31: {  	[sflag:s14] =	ssyncadd.s32 $0xFFFFF800  }
0x32: {  	_ =	swait.ge [sflag:s14], $0x800  }
0x33: {  	[sflag:s14] =	ssyncset.done $0x0  }
0x34: {  	[sflag:s14] =	ssyncadd.s32 $0xFFFFF800  }
0x35: {  	_ =	swait.ge [sflag:s14], $0x800  }
0x36: {  	[sflag:s14] =	ssyncset.done $0x0  }
0x37: {  	[sflag:s14] =	ssyncadd.s32 $0xFFFFF800  }
0x38: {  	_ =	swait.ge [sflag:s14], $0x800  }
0x39: {  	[sflag:s14] =	ssyncset.done $0x0  }
0x3a: {  	[sflag:s14] =	ssyncadd.s32 $0xFFFFF800  }
0x3b: {  	_ =	swait.ge [sflag:s14], $0x800  }
0x3c: {  	[sflag:s14] =	ssyncset.done $0x0  }
0x3d: {  	[sflag:s14] =	ssyncadd.s32 $0xFFFFF800  }
0x3e: {  	_ =	swait.ge [sflag:s14], $0x800  }
0x3f: {  	s18 =	simm.s32 $0x2000;
	s16 =	simm.s32 $0x1000;
	[sflag:s14] =	ssyncset.done $0x0  }
.LBB2_2:
0x40: {  	s19 =	sshra.s32 s16, $0x2  }
0x41: {  	[sflag:s14] =	ssyncadd.s32 $0xFFFFF800;
	s16 =	smov.u32 s18;
	s17 =	sadd.s32 $0x1000, s18  }
0x42: {  	[spmem:s2] =	stream.indirect.scatter.add.f32 [tilespmem:s12], [sflag:$0x1], $0x10, s19, s13, $0xb8;
	[tilespmem:$0x5780] =	vst v63  }
0x43: {  	p0 =	sne.s32 s18, $0x9000;
	s18 =	sadd.s32 $0x80, s19  }
0x44: {  	[spmem:s2] =	stream.indirect.scatter.add.f32 [tilespmem:s12], [sflag:$0x1], $0x10, s18, s13, $0xb8;
	[tilespmem:$0x5780] =	vst v63  }
0x45: {  	s18 =	sadd.s32 $0x100, s19  }
0x46: {  	[spmem:s2] =	stream.indirect.scatter.add.f32 [tilespmem:s12], [sflag:$0x1], $0x10, s18, s13, $0xb8;
	[tilespmem:$0x5780] =	vst v63  }
0x47: {  	s18 =	sadd.s32 $0x180, s19  }
0x48: {  	[spmem:s2] =	stream.indirect.scatter.add.f32 [tilespmem:s12], [sflag:$0x1], $0x10, s18, s13, $0xb8;
	[tilespmem:$0x5780] =	vst v63  }
0x49: {  	s18 =	sadd.s32 $0x200, s19  }
0x4a: {  	[spmem:s2] =	stream.indirect.scatter.add.f32 [tilespmem:s12], [sflag:$0x1], $0x10, s18, s13, $0xb8;
	[tilespmem:$0x5780] =	vst v63  }
0x4b: {  	s18 =	sadd.s32 $0x280, s19  }
0x4c: {  	[spmem:s2] =	stream.indirect.scatter.add.f32 [tilespmem:s12], [sflag:$0x1], $0x10, s18, s13, $0xb8;
	[tilespmem:$0x5780] =	vst v63  }
0x4d: {  	s18 =	sadd.s32 $0x300, s19  }
0x4e: {  	[spmem:s2] =	stream.indirect.scatter.add.f32 [tilespmem:s12], [sflag:$0x1], $0x10, s18, s13, $0xb8;
	[tilespmem:$0x5780] =	vst v63  }
0x4f: {  	s18 =	sadd.s32 $0x380, s19  }
0x50: {  	[spmem:s2] =	stream.indirect.scatter.add.f32 [tilespmem:s12], [sflag:$0x1], $0x10, s18, s13, $0xb8;
	[tilespmem:$0x5780] =	vst v63  }
0x51: {  	_ =	swait.ge [sflag:s14], $0x800  }
0x52: {  	[sflag:s14] =	ssyncset.done $0x0  }
0x53: {  	[sflag:s14] =	ssyncadd.s32 $0xFFFFF800  }
0x54: {  	_ =	swait.ge [sflag:s14], $0x800  }
0x55: {  	[sflag:s14] =	ssyncset.done $0x0  }
0x56: {  	[sflag:s14] =	ssyncadd.s32 $0xFFFFF800  }
0x57: {  	_ =	swait.ge [sflag:s14], $0x800  }
0x58: {  	[sflag:s14] =	ssyncset.done $0x0  }
0x59: {  	[sflag:s14] =	ssyncadd.s32 $0xFFFFF800  }
0x5a: {  	_ =	swait.ge [sflag:s14], $0x800  }
0x5b: {  	[sflag:s14] =	ssyncset.done $0x0  }
0x5c: {  	[sflag:s14] =	ssyncadd.s32 $0xFFFFF800  }
0x5d: {  	_ =	swait.ge [sflag:s14], $0x800  }
0x5e: {  	[sflag:s14] =	ssyncset.done $0x0  }
0x5f: {  	[sflag:s14] =	ssyncadd.s32 $0xFFFFF800  }
0x60: {  	_ =	swait.ge [sflag:s14], $0x800  }
0x61: {  	[sflag:s14] =	ssyncset.done $0x0  }
0x62: {  	[sflag:s14] =	ssyncadd.s32 $0xFFFFF800  }
.Ltmp0:
0x63: {  	_ =	swait.ge [sflag:s14], $0x800;
	(pc) =	sbr.rel @p0 .LBB2_2-.Ltmp0, $4  }
0x64: {  	[sflag:s14] =	ssyncset.done $0x0  }
0x65: {  	[sflag:s14] =	ssyncadd.s32 $0xFFFFF800  }
0x66: {  	_ =	swait.ge [sflag:s14], $0x800  }
0x67: {  	s18 =	smov.u32 s17;
	[sflag:s14] =	ssyncset.done $0x0  }
0x68: {  	s16 =	sshra.s32 s16, $0x2;
	[sflag:s14] =	ssyncadd.s32 $0xFFFFF800  }
0x69: {  	[spmem:s2] =	stream.indirect.scatter.add.f32 [tilespmem:s12], [sflag:$0x1], $0x10, s16, s13, $0xb8;
	[tilespmem:$0x5780] =	vst v63  }
0x6a: {  	s17 =	sadd.s32 $0x80, s16  }
0x6b: {  	[spmem:s2] =	stream.indirect.scatter.add.f32 [tilespmem:s12], [sflag:$0x1], $0x10, s17, s13, $0xb8;
	[tilespmem:$0x5780] =	vst v63  }
0x6c: {  	s26 =	sadd.s32 $0x100, s16  }
0x6d: {  	[spmem:s2] =	stream.indirect.scatter.add.f32 [tilespmem:s12], [sflag:$0x1], $0x10, s26, s13, $0xb8;
	[tilespmem:$0x5780] =	vst v63  }
0x6e: {  	s28 =	sadd.s32 $0x180, s16  }
0x6f: {  	[spmem:s2] =	stream.indirect.scatter.add.f32 [tilespmem:s12], [sflag:$0x1], $0x10, s28, s13, $0xb8;
	[tilespmem:$0x5780] =	vst v63  }
0x70: {  	s29 =	sadd.s32 $0x200, s16  }
0x71: {  	[spmem:s2] =	stream.indirect.scatter.add.f32 [tilespmem:s12], [sflag:$0x1], $0x10, s29, s13, $0xb8;
	[tilespmem:$0x5780] =	vst v63  }
0x72: {  	s30 =	sadd.s32 $0x280, s16  }
0x73: {  	[spmem:s2] =	stream.indirect.scatter.add.f32 [tilespmem:s12], [sflag:$0x1], $0x10, s30, s13, $0xb8;
	[tilespmem:$0x5780] =	vst v63  }
0x74: {  	s31 =	sadd.s32 $0x300, s16  }
0x75: {  	[spmem:s2] =	stream.indirect.scatter.add.f32 [tilespmem:s12], [sflag:$0x1], $0x10, s31, s13, $0xb8;
	[tilespmem:$0x5780] =	vst v63  }
0x76: {  	s16 =	sadd.s32 $0x380, s16  }
0x77: {  	[spmem:s2] =	stream.indirect.scatter.add.f32 [tilespmem:s12], [sflag:$0x1], $0x10, s16, s13, $0xb8;
	[tilespmem:$0x5780] =	vst v63  }
0x78: {  	_ =	swait.ge [sflag:s14], $0x800  }
0x79: {  	[sflag:s14] =	ssyncset.done $0x0  }
0x7a: {  	[sflag:s14] =	ssyncadd.s32 $0xFFFFF800  }
0x7b: {  	_ =	swait.ge [sflag:s14], $0x800  }
0x7c: {  	[sflag:s14] =	ssyncset.done $0x0  }
0x7d: {  	[sflag:s14] =	ssyncadd.s32 $0xFFFFF800  }
0x7e: {  	_ =	swait.ge [sflag:s14], $0x800  }
0x7f: {  	[sflag:s14] =	ssyncset.done $0x0  }
0x80: {  	[sflag:s14] =	ssyncadd.s32 $0xFFFFF800  }
0x81: {  	_ =	swait.ge [sflag:s14], $0x800  }
0x82: {  	[sflag:s14] =	ssyncset.done $0x0  }
0x83: {  	[sflag:s14] =	ssyncadd.s32 $0xFFFFF800  }
0x84: {  	_ =	swait.ge [sflag:s14], $0x800  }
0x85: {  	[sflag:s14] =	ssyncset.done $0x0  }
0x86: {  	[sflag:s14] =	ssyncadd.s32 $0xFFFFF800  }
0x87: {  	_ =	swait.ge [sflag:s14], $0x800  }
0x88: {  	[sflag:s14] =	ssyncset.done $0x0  }
0x89: {  	[sflag:s14] =	ssyncadd.s32 $0xFFFFF800  }
0x8a: {  	_ =	swait.ge [sflag:s14], $0x800  }
0x8b: {  	[sflag:s14] =	ssyncset.done $0x0  }
0x8c: {  	[sflag:s14] =	ssyncadd.s32 $0xFFFFF800  }
0x8d: {  	_ =	swait.ge [sflag:s14], $0x800  }
0x8e: {  	s15 =	sadd.s32 $0x1, s15;
	[sflag:s14] =	ssyncset.done $0x0  }
0x8f: {  	p0 =	sne.s32 s15, s9;
	[sflag:s14] =	ssyncadd.s32 $0xFFFFF800  }
.Ltmp1:
0x90: {  	[bflag:$0x0] =	sbarrier.arrive $0xFFFF;
	(pc) =	sbr.rel @p0 .LBB2_1-.Ltmp1, $4  }
0x91: {  	[hbm:s8], [sflag:s6] =	dma.local [spmem:s10], $0x4F0  }
0x92: {  	_ =	swait.ge [sflag:s11], $0x4F0  }
0x93: {  	[sflag:s11] =	ssyncset.done $0x0  }
0x94: {  	[sflag:s11] =	ssyncadd.s32 $0xFFFFFB10  }
0x95: {  	_ =	sfence.sel $0x180000  }
0x96: {  	[bflag:$0x0] =	sbarrier.arrive $0xFFFF  }
0x97: {  	p0 =	sne.s32 s0, $0x0;
	_ =	strace $0x90000047  }
0x98: {  	s0 =	sadd.s32 @!p0 $0x100000, s1;
	[bflag:$0x2] =	sbarrier.arrive $0xFFFF  }
0x99: {  	[sflag:s0] =	ssyncadd.tile.s32 @!p0 $0x1;
	_ =	shalt  }
.Lfunc_end2:
_tile_overlayer_lowered:
.L_overlay_start_2:
0x9a: {  	(tag) =	ssettag $0x2  }
0x9b: {  	s0 =	rddreg [dreg:$0x0];
	s2 =	stileid.u32  }
0x9c: {  	s1 =	rddreg [dreg:$0x1];
	p0 =	sne.s32 s2, $0x0  }
0x9d: {  	s3 =	rddreg [dreg:$0x2];
	[bflag:$0x3] =	sbarrier.arrive $0xFFFF;
	s2 =	simm.s32 @!p0 $0x1C02  }
0x9e: {  	[timem:s3], [sflag:s2] =	dma.local @!p0 [hbm:s0], s1  }
0x9f: {  	s0 =	simm.s32 @!p0 $0x2  }
0xa0: {  	_ =	swait.ge @!p0 [sflag:s0], s1  }
0xa1: {  	s1 =	ssub.s32 @!p0 $0x0, s1;
	[sflag:s0] =	ssyncset.done @!p0 $0x0  }
0xa2: {  	[sflag:s0] =	ssyncadd.s32 @!p0 s1  }
0xa3: {  	[bflag:$0x3] =	sbarrier.arrive $0xFFFF  }
0xa4: {  	_ =	shalt  }

</sc_bundles>
